<compile_context>
chip_gen: v7x
topology: tpu7x:2x2x1
jax: 0.10.2.dev20260603
libtpu: 0.0.44.dev20260713+nightly
codegen_flags: <defaults>
</compile_context>

<pallas_src>
import functools

import jax
import jax.numpy as jnp
from jax import lax
from jax.experimental import pallas as pl
from jax.experimental.pallas import tpu as pltpu
from jax.experimental.pallas import tpu_sc as plsc

B = 4096
F = 26
V = 1000
D = 128
NV = D // 16
LPAD = 32
CH = 4
RPC = CH * F
LPC = CH * LPAD

_info = plsc.get_sparse_core_info()
NC, NS, L = _info.num_cores, _info.num_subcores, _info.num_lanes
NW = NC * NS
BPW = B // NW
NCH = BPW // CH
ROWS_PW = BPW * F

_mesh = plsc.VectorSubcoreMesh(core_axis_name="c", subcore_axis_name="s")


@functools.partial(
    pl.kernel,
    mesh=_mesh,
    out_type=jax.ShapeDtypeStruct((B,), jnp.float32),
    scratch_types=[
        pltpu.VMEM((RPC, D), jnp.float32),
        pltpu.VMEM((RPC, D), jnp.float32),
        pltpu.VMEM((LPC,), jnp.float32),
        pltpu.VMEM((LPC,), jnp.float32),
        pltpu.VMEM((RPC,), jnp.int32),
        pltpu.VMEM((RPC,), jnp.int32),
        pltpu.VMEM((LPC,), jnp.int32),
        pltpu.VMEM((LPC,), jnp.int32),
        pltpu.VMEM((16,), jnp.float32),
        pltpu.VMEM((BPW,), jnp.float32),
        pltpu.SemaphoreType.DMA,
        pltpu.SemaphoreType.DMA,
        pltpu.SemaphoreType.DMA,
        pltpu.SemaphoreType.DMA,
    ],
)
def _fcfm_sc(emb_hbm, eidx_hbm, lidx_hbm, lin_hbm, bias_hbm, out_hbm,
             rows0, rows1, lrow0, lrow1, eib0, eib1, lib0, lib1,
             bias_v, pre_v, sem_g0, sem_g1, sem_i0, sem_i1):
    rows = (rows0, rows1)
    lrow = (lrow0, lrow1)
    eib = (eib0, eib1)
    lib = (lib0, lib1)
    sem_g = (sem_g0, sem_g1)
    sem_i = (sem_i0, sem_i1)

    core = lax.axis_index("c")
    sub = lax.axis_index("s")
    w = core * NS + sub
    samp_base = w * BPW
    row_base = w * ROWS_PW
    lin_base = samp_base * LPAD

    pltpu.sync_copy(bias_hbm, bias_v)

    def start_idx(c, ib, lb, sem):
        pltpu.make_async_copy(
            eidx_hbm.at[pl.ds(row_base + c * RPC, RPC)], ib, sem).start()
        pltpu.make_async_copy(
            lidx_hbm.at[pl.ds(lin_base + c * LPC, LPC)], lb, sem).start()

    def wait_idx(c, ib, lb, sem):
        pltpu.make_async_copy(
            eidx_hbm.at[pl.ds(row_base + c * RPC, RPC)], ib, sem).wait()
        pltpu.make_async_copy(
            lidx_hbm.at[pl.ds(lin_base + c * LPC, LPC)], lb, sem).wait()

    def start_gather(rb, lb, ib, lb_i, sem):
        pltpu.make_async_copy(emb_hbm.at[ib], rb, sem).start()
        pltpu.make_async_copy(lin_hbm.at[lb_i], lb, sem).start()

    def wait_gather(rb, lb, ib, lb_i, sem):
        pltpu.make_async_copy(emb_hbm.at[ib], rb, sem).wait()
        pltpu.make_async_copy(lin_hbm.at[lb_i], lb, sem).wait()

    lanes = lax.iota(jnp.int32, L)
    zero = jnp.zeros((L,), jnp.float32)
    shuf = [(lanes + sh) & (L - 1) for sh in (8, 4, 2, 1)]

    def lane_sum(u):
        for idx in shuf:
            u = u + u.at[idx].get(mode="promise_in_bounds")
        return u

    def compute_chunk(c, buf, lbuf):
        contrib = zero
        for ss in range(CH):
            r0 = ss * F

            def fbody(f, acc):
                accs, accq = acc
                ns, nq = [], []
                for v in range(NV):
                    r = buf[r0 + f, pl.ds(v * L, L)]
                    ns.append(accs[v] + r)
                    nq.append(accq[v] + r * r)
                return (tuple(ns), tuple(nq))

            accs, accq = lax.fori_loop(
                0, F, fbody,
                (tuple(zero for _ in range(NV)),
                 tuple(zero for _ in range(NV))))
            t = accs[0] * accs[0] - accq[0]
            for v in range(1, NV):
                t = t + (accs[v] * accs[v] - accq[v])

            g0 = lbuf[pl.ds(ss * LPAD, L)]
            g1 = lbuf[pl.ds(ss * LPAD + L, L)]
            g1 = jnp.where(lanes < (F - L), g1, 0.0)

            pre = lane_sum(0.5 * t + g0 + g1)
            s_local = c * CH + ss
            contrib = contrib + jnp.where(
                lanes == lax.rem(s_local, L), pre, zero)

        win = (c // (L // CH)) * L
        plsc.addupdate(pre_v.at[pl.ds(win, L)], contrib)

    for v8 in range(BPW // L):
        pre_v[pl.ds(v8 * L, L)] = zero

    start_idx(0, eib[0], lib[0], sem_i[0])
    start_idx(1, eib[1], lib[1], sem_i[1])
    wait_idx(0, eib[0], lib[0], sem_i[0])
    start_gather(rows[0], lrow[0], eib[0], lib[0], sem_g[0])

    def ring_body(jj, _):
        for b in range(2):
            c = 2 * jj + b
            nb = 1 - b

            @pl.when(c + 1 < NCH)
            def _():
                wait_idx(c + 1, eib[nb], lib[nb], sem_i[nb])
                start_gather(rows[nb], lrow[nb], eib[nb], lib[nb], sem_g[nb])

            wait_gather(rows[b], lrow[b], eib[b], lib[b], sem_g[b])

            @pl.when(c + 2 < NCH)
            def _():
                start_idx(c + 2, eib[b], lib[b], sem_i[b])

            compute_chunk(c, rows[b], lrow[b])
        return 0

    lax.fori_loop(0, NCH // 2, ring_body, 0)

    bias_vec = bias_v[pl.ds(0, L)]
    for v8 in range(BPW // L):
        x = pre_v[pl.ds(v8 * L, L)] + bias_vec
        pre_v[pl.ds(v8 * L, L)] = 1.0 / (1.0 + jnp.exp(-x))

    pltpu.sync_copy(pre_v, out_hbm.at[pl.ds(samp_base, BPW)])


def kernel(indices, linear_tables, embed_tables, bias):
    idx32 = indices.astype(jnp.int32)
    gidx = idx32 + (jnp.arange(F, dtype=jnp.int32) * V)[None, :]
    eidx = gidx.reshape(B * F)
    lidx = jnp.concatenate(
        [gidx, jnp.zeros((B, LPAD - F), jnp.int32)], axis=1).reshape(B * LPAD)
    emb_flat = embed_tables.reshape(F * V, D)
    lin_flat = linear_tables.reshape(F * V)
    bias16 = jnp.broadcast_to(bias, (L,))
    out = _fcfm_sc(emb_flat, eidx, lidx, lin_flat, bias16)
    return out.reshape(B, 1)

# --- scband reference (transcript-rebuilt; emitter-appended) ---
"""Pipeline reference for scband-fcfm-20392504721657 (READ-ONLY COPY).

The authoritative reference and input builder live on the scoring server;
editing this copy changes nothing except your own understanding.
"""

import jax, jax.numpy as jnp
import numpy as np

B = 4096
F = 26
V = 1000
D = 128

def setup_inputs(seed: int = 0) -> dict:
    key = jax.random.key(seed)
    k1, k2, k3 = jax.random.split(key, 3)
    indices = jax.random.randint(k1, (B, F), 0, V, dtype=jnp.int64)
    linear_tables = jax.random.normal(k2, (F, V), dtype=jnp.float32) * 0.05
    embed_tables = jax.random.normal(k3, (F, V, D), dtype=jnp.float32) * 0.05
    bias = jnp.zeros((1,), dtype=jnp.float32)
    return {"indices": indices, "linear_tables": linear_tables, "embed_tables": embed_tables, "bias": bias}

def reference(indices, linear_tables, embed_tables, bias):
    # indices: int64[B, F]; linear_tables: f32[F, V]; embed_tables: f32[F, V, D]; bias: f32[1]
    field_ids = jnp.arange(F)[None, :]  # [1, F]
    # Linear part: per-field scalar weight lookup (DenseFeatures on linear_columns),
    # then reduce_sum over fields with keepdims.
    lin_vals = linear_tables[field_ids, indices]            # [B, F]
    linear_output = jnp.sum(lin_vals, axis=1, keepdims=True)  # [B, 1]
    # Embedding part: per-field embedding lookups (one DenseFeatures layer per column).
    emb = embed_tables[field_ids, indices]                  # [B, F, D] gather
    embeddings_sum = jnp.sum(emb, axis=1)                   # add_n over fields -> [B, D]
    sum_square = embeddings_sum * embeddings_sum            # [B, D]
    square_sum = jnp.sum(emb * emb, axis=1)                 # add_n of squares -> [B, D]
    embedding_output = 0.5 * jnp.sum(sum_square - square_sum, axis=1, keepdims=True)  # [B, 1]
    x = jax.nn.sigmoid(linear_output + embedding_output + bias)
    return x

if __name__ == "__main__":
    import jax
    _d = setup_inputs()
    print(jax.jit(kernel)(*tuple(_d.values())))

</pallas_src>

<mosaic_0001>
#map = affine_map<(d0, d1) -> (0, 0)>
#map1 = affine_map<(d0, d1) -> (0)>
module attributes {stable_mosaic.version = 14 : i64} {
  func.func @_fcfm_sc(%arg0: i32, %arg1: i32, %arg2: memref<26000x128xf32, #tpu.memory_space<hbm>>, %arg3: memref<106496xi32, #tpu.memory_space<hbm>>, %arg4: memref<131072xi32, #tpu.memory_space<hbm>>, %arg5: memref<26000xf32, #tpu.memory_space<hbm>>, %arg6: memref<16xf32, #tpu.memory_space<hbm>>, %arg7: memref<4096xf32, #tpu.memory_space<hbm>>, %arg8: memref<104x128xf32, #tpu.memory_space<vmem>>, %arg9: memref<104x128xf32, #tpu.memory_space<vmem>>, %arg10: memref<128xf32, #tpu.memory_space<vmem>>, %arg11: memref<128xf32, #tpu.memory_space<vmem>>, %arg12: memref<104xi32, #tpu.memory_space<vmem>>, %arg13: memref<104xi32, #tpu.memory_space<vmem>>, %arg14: memref<128xi32, #tpu.memory_space<vmem>>, %arg15: memref<128xi32, #tpu.memory_space<vmem>>, %arg16: memref<16xf32, #tpu.memory_space<vmem>>, %arg17: memref<128xf32, #tpu.memory_space<vmem>>, %arg18: memref<!tpu.dma_semaphore, #tpu.memory_space<semaphore_mem>>, %arg19: memref<!tpu.dma_semaphore, #tpu.memory_space<semaphore_mem>>, %arg20: memref<!tpu.dma_semaphore, #tpu.memory_space<semaphore_mem>>, %arg21: memref<!tpu.dma_semaphore, #tpu.memory_space<semaphore_mem>>) attributes {dimension_semantics = [#tpu.dimension_semantics<core_parallel>, #tpu.dimension_semantics<subcore_parallel>], iteration_bounds = array<i64: 2, 16>, scalar_prefetch = 0 : i64, scratch_operands = 14 : i64, tpu.core_type = #tpu.core_type<sc_vector_subcore>, window_params = [{transform_indices = #map}, {transform_indices = #map1}, {transform_indices = #map1}, {transform_indices = #map1}, {transform_indices = #map1}, {transform_indices = #map1}]} {
    %mul3A = arith.constant 16 : i32
    %mul3A_0 = arith.muli %arg0, %mul3A : i32
    %add3A = arith.addi %mul3A_0, %arg1 : i32
    %mul3A_1 = arith.constant 128 : i32
    %mul3A_2 = arith.muli %add3A, %mul3A_1 : i32
    %mul3A_3 = arith.constant 3328 : i32
    %mul3A_4 = arith.muli %add3A, %mul3A_3 : i32
    %mul3A_5 = arith.constant 32 : i32
    %mul3A_6 = arith.muli %mul3A_2, %mul3A_5 : i32
    "tpu.region"() ({
      %run_scoped3A = tpu.sem_alloc : memref<!tpu.dma_semaphore, #tpu.memory_space<semaphore_mem>>
      tpu.enqueue_dma source(%arg6 : memref<16xf32, #tpu.memory_space<hbm>>) target(%arg16 : memref<16xf32, #tpu.memory_space<vmem>>) target_semaphore(%run_scoped3A : memref<!tpu.dma_semaphore, #tpu.memory_space<semaphore_mem>>)
      tpu.wait_dma2 semaphore(%run_scoped3A : memref<!tpu.dma_semaphore, #tpu.memory_space<semaphore_mem>>) src(%arg6 : memref<16xf32, #tpu.memory_space<hbm>>) dst(%arg16 : memref<16xf32, #tpu.memory_space<vmem>>)
      tpu.yield
    }) : () -> ()
    %iota3A = tpu.iota {dimensions = array<i32: 0>} : vector<16xi32>
    %broadcast_in_dim3A = arith.constant 0.000000e+00 : f32
    %broadcast_in_dim3A_7 = vector.broadcast %broadcast_in_dim3A : f32 to vector<16xf32>
    %add3A_8 = arith.constant 8 : i32
    %add3A_9 = vector.broadcast %add3A_8 : i32 to vector<16xi32>
    %add3A_10 = arith.addi %iota3A, %add3A_9 : vector<16xi32>
    %and3A = arith.constant 15 : i32
    %and3A_11 = vector.broadcast %and3A : i32 to vector<16xi32>
    %and3A_12 = arith.andi %add3A_10, %and3A_11 : vector<16xi32>
    %add3A_13 = arith.constant 4 : i32
    %add3A_14 = vector.broadcast %add3A_13 : i32 to vector<16xi32>
    %add3A_15 = arith.addi %iota3A, %add3A_14 : vector<16xi32>
    %and3A_16 = arith.constant 15 : i32
    %and3A_17 = vector.broadcast %and3A_16 : i32 to vector<16xi32>
    %and3A_18 = arith.andi %add3A_15, %and3A_17 : vector<16xi32>
    %add3A_19 = arith.constant 2 : i32
    %add3A_20 = vector.broadcast %add3A_19 : i32 to vector<16xi32>
    %add3A_21 = arith.addi %iota3A, %add3A_20 : vector<16xi32>
    %and3A_22 = arith.constant 15 : i32
    %and3A_23 = vector.broadcast %and3A_22 : i32 to vector<16xi32>
    %and3A_24 = arith.andi %add3A_21, %and3A_23 : vector<16xi32>
    %add3A_25 = arith.constant 1 : i32
    %add3A_26 = vector.broadcast %add3A_25 : i32 to vector<16xi32>
    %add3A_27 = arith.addi %iota3A, %add3A_26 : vector<16xi32>
    %and3A_28 = arith.constant 15 : i32
    %and3A_29 = vector.broadcast %and3A_28 : i32 to vector<16xi32>
    %and3A_30 = arith.andi %add3A_27, %and3A_29 : vector<16xi32>
    %swap3A = arith.constant 0 : index
    %swap3A_31 = tpu.vector_load %arg17[%swap3A] {strides = array<i32>} : memref<128xf32, #tpu.memory_space<vmem>>, vector<16xf32>,
    %swap3A_32 = vector.shape_cast %swap3A_31 : vector<16xf32> to vector<16xf32>
    %swap3A_33 = vector.shape_cast %broadcast_in_dim3A_7 : vector<16xf32> to vector<16xf32>
    tpu.vector_store %arg17[%swap3A], %swap3A_33 {strides = array<i32>} : memref<128xf32, #tpu.memory_space<vmem>>, vector<16xf32>,
    %swap3A_34 = arith.constant 16 : index
    %swap3A_35 = tpu.vector_load %arg17[%swap3A_34] {strides = array<i32>} : memref<128xf32, #tpu.memory_space<vmem>>, vector<16xf32>,
    %swap3A_36 = vector.shape_cast %swap3A_35 : vector<16xf32> to vector<16xf32>
    %swap3A_37 = vector.shape_cast %broadcast_in_dim3A_7 : vector<16xf32> to vector<16xf32>
    tpu.vector_store %arg17[%swap3A_34], %swap3A_37 {strides = array<i32>} : memref<128xf32, #tpu.memory_space<vmem>>, vector<16xf32>,
    %swap3A_38 = arith.constant 32 : index
    %swap3A_39 = tpu.vector_load %arg17[%swap3A_38] {strides = array<i32>} : memref<128xf32, #tpu.memory_space<vmem>>, vector<16xf32>,
    %swap3A_40 = vector.shape_cast %swap3A_39 : vector<16xf32> to vector<16xf32>
    %swap3A_41 = vector.shape_cast %broadcast_in_dim3A_7 : vector<16xf32> to vector<16xf32>
    tpu.vector_store %arg17[%swap3A_38], %swap3A_41 {strides = array<i32>} : memref<128xf32, #tpu.memory_space<vmem>>, vector<16xf32>,
    %swap3A_42 = arith.constant 48 : index
    %swap3A_43 = tpu.vector_load %arg17[%swap3A_42] {strides = array<i32>} : memref<128xf32, #tpu.memory_space<vmem>>, vector<16xf32>,
    %swap3A_44 = vector.shape_cast %swap3A_43 : vector<16xf32> to vector<16xf32>
    %swap3A_45 = vector.shape_cast %broadcast_in_dim3A_7 : vector<16xf32> to vector<16xf32>
    tpu.vector_store %arg17[%swap3A_42], %swap3A_45 {strides = array<i32>} : memref<128xf32, #tpu.memory_space<vmem>>, vector<16xf32>,
    %swap3A_46 = arith.constant 64 : index
    %swap3A_47 = tpu.vector_load %arg17[%swap3A_46] {strides = array<i32>} : memref<128xf32, #tpu.memory_space<vmem>>, vector<16xf32>,
    %swap3A_48 = vector.shape_cast %swap3A_47 : vector<16xf32> to vector<16xf32>
    %swap3A_49 = vector.shape_cast %broadcast_in_dim3A_7 : vector<16xf32> to vector<16xf32>
    tpu.vector_store %arg17[%swap3A_46], %swap3A_49 {strides = array<i32>} : memref<128xf32, #tpu.memory_space<vmem>>, vector<16xf32>,
    %swap3A_50 = arith.constant 80 : index
    %swap3A_51 = tpu.vector_load %arg17[%swap3A_50] {strides = array<i32>} : memref<128xf32, #tpu.memory_space<vmem>>, vector<16xf32>,
    %swap3A_52 = vector.shape_cast %swap3A_51 : vector<16xf32> to vector<16xf32>
    %swap3A_53 = vector.shape_cast %broadcast_in_dim3A_7 : vector<16xf32> to vector<16xf32>
    tpu.vector_store %arg17[%swap3A_50], %swap3A_53 {strides = array<i32>} : memref<128xf32, #tpu.memory_space<vmem>>, vector<16xf32>,
    %swap3A_54 = arith.constant 96 : index
    %swap3A_55 = tpu.vector_load %arg17[%swap3A_54] {strides = array<i32>} : memref<128xf32, #tpu.memory_space<vmem>>, vector<16xf32>,
    %swap3A_56 = vector.shape_cast %swap3A_55 : vector<16xf32> to vector<16xf32>
    %swap3A_57 = vector.shape_cast %broadcast_in_dim3A_7 : vector<16xf32> to vector<16xf32>
    tpu.vector_store %arg17[%swap3A_54], %swap3A_57 {strides = array<i32>} : memref<128xf32, #tpu.memory_space<vmem>>, vector<16xf32>,
    %swap3A_58 = arith.constant 112 : index
    %swap3A_59 = tpu.vector_load %arg17[%swap3A_58] {strides = array<i32>} : memref<128xf32, #tpu.memory_space<vmem>>, vector<16xf32>,
    %swap3A_60 = vector.shape_cast %swap3A_59 : vector<16xf32> to vector<16xf32>
    %swap3A_61 = vector.shape_cast %broadcast_in_dim3A_7 : vector<16xf32> to vector<16xf32>
    tpu.vector_store %arg17[%swap3A_58], %swap3A_61 {strides = array<i32>} : memref<128xf32, #tpu.memory_space<vmem>>, vector<16xf32>,
    %add3A_62 = arith.constant 0 : i32
    %add3A_63 = arith.addi %mul3A_4, %add3A_62 : i32
    %dma_start3A = tpu.memref_slice %arg3[%add3A_63] : memref<106496xi32, #tpu.memory_space<hbm>> -> memref<104xi32, #tpu.memory_space<hbm>>
    %dma_start3A_64 = tpu.memref_slice %arg3[%add3A_63] : memref<106496xi32, #tpu.memory_space<hbm>> -> memref<104xi32, #tpu.memory_space<hbm>>
    tpu.enqueue_dma source(%dma_start3A_64 : memref<104xi32, #tpu.memory_space<hbm>>) target(%arg12 : memref<104xi32, #tpu.memory_space<vmem>>) target_semaphore(%arg20 : memref<!tpu.dma_semaphore, #tpu.memory_space<semaphore_mem>>)
    %add3A_65 = arith.constant 0 : i32
    %add3A_66 = arith.addi %mul3A_6, %add3A_65 : i32
    %dma_start3A_67 = tpu.memref_slice %arg4[%add3A_66] : memref<131072xi32, #tpu.memory_space<hbm>> -> memref<128xi32, #tpu.memory_space<hbm>>
    %dma_start3A_68 = tpu.memref_slice %arg4[%add3A_66] : memref<131072xi32, #tpu.memory_space<hbm>> -> memref<128xi32, #tpu.memory_space<hbm>>
    tpu.enqueue_dma source(%dma_start3A_68 : memref<128xi32, #tpu.memory_space<hbm>>) target(%arg14 : memref<128xi32, #tpu.memory_space<vmem>>) target_semaphore(%arg20 : memref<!tpu.dma_semaphore, #tpu.memory_space<semaphore_mem>>)
    %add3A_69 = arith.constant 104 : i32
    %add3A_70 = arith.addi %mul3A_4, %add3A_69 : i32
    %dma_start3A_71 = tpu.memref_slice %arg3[%add3A_70] : memref<106496xi32, #tpu.memory_space<hbm>> -> memref<104xi32, #tpu.memory_space<hbm>>
    %dma_start3A_72 = tpu.memref_slice %arg3[%add3A_70] : memref<106496xi32, #tpu.memory_space<hbm>> -> memref<104xi32, #tpu.memory_space<hbm>>
    tpu.enqueue_dma source(%dma_start3A_72 : memref<104xi32, #tpu.memory_space<hbm>>) target(%arg13 : memref<104xi32, #tpu.memory_space<vmem>>) target_semaphore(%arg21 : memref<!tpu.dma_semaphore, #tpu.memory_space<semaphore_mem>>)
    %add3A_73 = arith.constant 128 : i32
    %add3A_74 = arith.addi %mul3A_6, %add3A_73 : i32
    %dma_start3A_75 = tpu.memref_slice %arg4[%add3A_74] : memref<131072xi32, #tpu.memory_space<hbm>> -> memref<128xi32, #tpu.memory_space<hbm>>
    %dma_start3A_76 = tpu.memref_slice %arg4[%add3A_74] : memref<131072xi32, #tpu.memory_space<hbm>> -> memref<128xi32, #tpu.memory_space<hbm>>
    tpu.enqueue_dma source(%dma_start3A_76 : memref<128xi32, #tpu.memory_space<hbm>>) target(%arg15 : memref<128xi32, #tpu.memory_space<vmem>>) target_semaphore(%arg21 : memref<!tpu.dma_semaphore, #tpu.memory_space<semaphore_mem>>)
    %add3A_77 = arith.constant 0 : i32
    %add3A_78 = arith.addi %mul3A_4, %add3A_77 : i32
    %dma_wait3A = tpu.memref_slice %arg3[%add3A_78] : memref<106496xi32, #tpu.memory_space<hbm>> -> memref<104xi32, #tpu.memory_space<hbm>>
    %dma_wait3A_79 = tpu.memref_slice %arg3[%add3A_78] : memref<106496xi32, #tpu.memory_space<hbm>> -> memref<104xi32, #tpu.memory_space<hbm>>
    tpu.wait_dma2 semaphore(%arg20 : memref<!tpu.dma_semaphore, #tpu.memory_space<semaphore_mem>>) src(%dma_wait3A_79 : memref<104xi32, #tpu.memory_space<hbm>>) dst(%arg12 : memref<104xi32, #tpu.memory_space<vmem>>)
    %add3A_80 = arith.constant 0 : i32
    %add3A_81 = arith.addi %mul3A_6, %add3A_80 : i32
    %dma_wait3A_82 = tpu.memref_slice %arg4[%add3A_81] : memref<131072xi32, #tpu.memory_space<hbm>> -> memref<128xi32, #tpu.memory_space<hbm>>
    %dma_wait3A_83 = tpu.memref_slice %arg4[%add3A_81] : memref<131072xi32, #tpu.memory_space<hbm>> -> memref<128xi32, #tpu.memory_space<hbm>>
    tpu.wait_dma2 semaphore(%arg20 : memref<!tpu.dma_semaphore, #tpu.memory_space<semaphore_mem>>) src(%dma_wait3A_83 : memref<128xi32, #tpu.memory_space<hbm>>) dst(%arg14 : memref<128xi32, #tpu.memory_space<vmem>>)
    %dma_start3A_84 = arith.constant 0 : i32
    %dma_start3A_85 = arith.constant 0 : i32
    %dma_start3A_86 = tpu.memref_slice %arg2[%dma_start3A_84, %dma_start3A_85] : memref<26000x128xf32, #tpu.memory_space<hbm>> -> memref<26000x128xf32, #tpu.memory_space<hbm>>
    tpu.enqueue_indirect_dma source(%dma_start3A_86 : memref<26000x128xf32, #tpu.memory_space<hbm>>) target(%arg8 : memref<104x128xf32, #tpu.memory_space<vmem>>) offsets(%arg12 : memref<104xi32, #tpu.memory_space<vmem>>) semaphore(%arg18 : memref<!tpu.dma_semaphore, #tpu.memory_space<semaphore_mem>>)
    %dma_start3A_87 = arith.constant 0 : i32
    %dma_start3A_88 = tpu.memref_slice %arg5[%dma_start3A_87] : memref<26000xf32, #tpu.memory_space<hbm>> -> memref<26000xf32, #tpu.memory_space<hbm>>
    tpu.enqueue_indirect_dma source(%dma_start3A_88 : memref<26000xf32, #tpu.memory_space<hbm>>) target(%arg10 : memref<128xf32, #tpu.memory_space<vmem>>) offsets(%arg14 : memref<128xi32, #tpu.memory_space<vmem>>) semaphore(%arg18 : memref<!tpu.dma_semaphore, #tpu.memory_space<semaphore_mem>>)
    %scan3A = arith.constant 0 : i32
    %scan3A_89 = arith.constant 0 : i32
    %scan3A_90 = arith.constant 16 : i32
    %scan3A_91 = arith.addi %scan3A_89, %scan3A_90 : i32
    %scan3A_92 = arith.constant 1 : i32
    %scan3A_93 = scf.for %scan3A_238 = %scan3A_89 to %scan3A_91 step %scan3A_92 iter_args(%scan3A_239 = %scan3A) -> (i32)  : i32 {
      %mul3A_240 = arith.constant 2 : i32
      %mul3A_241 = arith.muli %mul3A_240, %scan3A_238 : i32
      %add3A_242 = arith.constant 0 : i32
      %add3A_243 = arith.addi %mul3A_241, %add3A_242 : i32
      %add3A_244 = arith.constant 1 : i32
      %add3A_245 = arith.addi %add3A_243, %add3A_244 : i32
      %lt3A = arith.constant 32 : i32
      %lt3A_246 = arith.cmpi slt, %add3A_245, %lt3A : i32
      %convert_element_type3A = arith.extui %lt3A_246 : i1 to i32
      %cond3A = arith.constant 0 : i32
      %cond3A_247 = arith.cmpi ne, %convert_element_type3A, %cond3A : i32
      scf.if %cond3A_247 {
        %add3A_1136 = arith.constant 1 : i32
        %add3A_1137 = arith.addi %add3A_243, %add3A_1136 : i32
        %mul3A_1138 = arith.constant 104 : i32
        %mul3A_1139 = arith.muli %add3A_1137, %mul3A_1138 : i32
        %add3A_1140 = arith.addi %mul3A_4, %mul3A_1139 : i32
        %dma_wait3A_1141 = tpu.memref_slice %arg3[%add3A_1140] : memref<106496xi32, #tpu.memory_space<hbm>> -> memref<104xi32, #tpu.memory_space<hbm>>
        %dma_wait3A_1142 = tpu.memref_slice %arg3[%add3A_1140] : memref<106496xi32, #tpu.memory_space<hbm>> -> memref<104xi32, #tpu.memory_space<hbm>>
        tpu.wait_dma2 semaphore(%arg21 : memref<!tpu.dma_semaphore, #tpu.memory_space<semaphore_mem>>) src(%dma_wait3A_1142 : memref<104xi32, #tpu.memory_space<hbm>>) dst(%arg13 : memref<104xi32, #tpu.memory_space<vmem>>)
        %mul3A_1143 = arith.constant 128 : i32
        %mul3A_1144 = arith.muli %add3A_1137, %mul3A_1143 : i32
        %add3A_1145 = arith.addi %mul3A_6, %mul3A_1144 : i32
        %dma_wait3A_1146 = tpu.memref_slice %arg4[%add3A_1145] : memref<131072xi32, #tpu.memory_space<hbm>> -> memref<128xi32, #tpu.memory_space<hbm>>
        %dma_wait3A_1147 = tpu.memref_slice %arg4[%add3A_1145] : memref<131072xi32, #tpu.memory_space<hbm>> -> memref<128xi32, #tpu.memory_space<hbm>>
        tpu.wait_dma2 semaphore(%arg21 : memref<!tpu.dma_semaphore, #tpu.memory_space<semaphore_mem>>) src(%dma_wait3A_1147 : memref<128xi32, #tpu.memory_space<hbm>>) dst(%arg15 : memref<128xi32, #tpu.memory_space<vmem>>)
        %dma_start3A_1148 = arith.constant 0 : i32
        %dma_start3A_1149 = arith.constant 0 : i32
        %dma_start3A_1150 = tpu.memref_slice %arg2[%dma_start3A_1148, %dma_start3A_1149] : memref<26000x128xf32, #tpu.memory_space<hbm>> -> memref<26000x128xf32, #tpu.memory_space<hbm>>
        tpu.enqueue_indirect_dma source(%dma_start3A_1150 : memref<26000x128xf32, #tpu.memory_space<hbm>>) target(%arg9 : memref<104x128xf32, #tpu.memory_space<vmem>>) offsets(%arg13 : memref<104xi32, #tpu.memory_space<vmem>>) semaphore(%arg19 : memref<!tpu.dma_semaphore, #tpu.memory_space<semaphore_mem>>)
        %dma_start3A_1151 = arith.constant 0 : i32
        %dma_start3A_1152 = tpu.memref_slice %arg5[%dma_start3A_1151] : memref<26000xf32, #tpu.memory_space<hbm>> -> memref<26000xf32, #tpu.memory_space<hbm>>
        tpu.enqueue_indirect_dma source(%dma_start3A_1152 : memref<26000xf32, #tpu.memory_space<hbm>>) target(%arg11 : memref<128xf32, #tpu.memory_space<vmem>>) offsets(%arg15 : memref<128xi32, #tpu.memory_space<vmem>>) semaphore(%arg19 : memref<!tpu.dma_semaphore, #tpu.memory_space<semaphore_mem>>)
      } else {
      }
      %dma_wait3A_248 = arith.constant 0 : i32
      %dma_wait3A_249 = arith.constant 0 : i32
      %dma_wait3A_250 = tpu.memref_slice %arg2[%dma_wait3A_248, %dma_wait3A_249] : memref<26000x128xf32, #tpu.memory_space<hbm>> -> memref<26000x128xf32, #tpu.memory_space<hbm>>
      tpu.wait_indirect_dma semaphore(%arg18 : memref<!tpu.dma_semaphore, #tpu.memory_space<semaphore_mem>>) src(%dma_wait3A_250 : memref<26000x128xf32, #tpu.memory_space<hbm>>) dst(%arg8 : memref<104x128xf32, #tpu.memory_space<vmem>>)
      %dma_wait3A_251 = arith.constant 0 : i32
      %dma_wait3A_252 = tpu.memref_slice %arg5[%dma_wait3A_251] : memref<26000xf32, #tpu.memory_space<hbm>> -> memref<26000xf32, #tpu.memory_space<hbm>>
      tpu.wait_indirect_dma semaphore(%arg18 : memref<!tpu.dma_semaphore, #tpu.memory_space<semaphore_mem>>) src(%dma_wait3A_252 : memref<26000xf32, #tpu.memory_space<hbm>>) dst(%arg10 : memref<128xf32, #tpu.memory_space<vmem>>)
      %add3A_253 = arith.constant 2 : i32
      %add3A_254 = arith.addi %add3A_243, %add3A_253 : i32
      %lt3A_255 = arith.constant 32 : i32
      %lt3A_256 = arith.cmpi slt, %add3A_254, %lt3A_255 : i32
      %convert_element_type3A_257 = arith.extui %lt3A_256 : i1 to i32
      %cond3A_258 = arith.constant 0 : i32
      %cond3A_259 = arith.cmpi ne, %convert_element_type3A_257, %cond3A_258 : i32
      scf.if %cond3A_259 {
        %add3A_1136 = arith.constant 2 : i32
        %add3A_1137 = arith.addi %add3A_243, %add3A_1136 : i32
        %mul3A_1138 = arith.constant 104 : i32
        %mul3A_1139 = arith.muli %add3A_1137, %mul3A_1138 : i32
        %add3A_1140 = arith.addi %mul3A_4, %mul3A_1139 : i32
        %dma_start3A_1141 = tpu.memref_slice %arg3[%add3A_1140] : memref<106496xi32, #tpu.memory_space<hbm>> -> memref<104xi32, #tpu.memory_space<hbm>>
        %dma_start3A_1142 = tpu.memref_slice %arg3[%add3A_1140] : memref<106496xi32, #tpu.memory_space<hbm>> -> memref<104xi32, #tpu.memory_space<hbm>>
        tpu.enqueue_dma source(%dma_start3A_1142 : memref<104xi32, #tpu.memory_space<hbm>>) target(%arg12 : memref<104xi32, #tpu.memory_space<vmem>>) target_semaphore(%arg20 : memref<!tpu.dma_semaphore, #tpu.memory_space<semaphore_mem>>)
        %mul3A_1143 = arith.constant 128 : i32
        %mul3A_1144 = arith.muli %add3A_1137, %mul3A_1143 : i32
        %add3A_1145 = arith.addi %mul3A_6, %mul3A_1144 : i32
        %dma_start3A_1146 = tpu.memref_slice %arg4[%add3A_1145] : memref<131072xi32, #tpu.memory_space<hbm>> -> memref<128xi32, #tpu.memory_space<hbm>>
        %dma_start3A_1147 = tpu.memref_slice %arg4[%add3A_1145] : memref<131072xi32, #tpu.memory_space<hbm>> -> memref<128xi32, #tpu.memory_space<hbm>>
        tpu.enqueue_dma source(%dma_start3A_1147 : memref<128xi32, #tpu.memory_space<hbm>>) target(%arg14 : memref<128xi32, #tpu.memory_space<vmem>>) target_semaphore(%arg20 : memref<!tpu.dma_semaphore, #tpu.memory_space<semaphore_mem>>)
      } else {
      }
      %scan3A_260 = arith.constant 0 : i32
      %scan3A_261 = arith.constant 26 : i32
      %scan3A_262 = arith.addi %scan3A_260, %scan3A_261 : i32
      %scan3A_263 = arith.constant 1 : i32
      %scan3A_264:16 = scf.for %scan3A_1136 = %scan3A_260 to %scan3A_262 step %scan3A_263 iter_args(%scan3A_1137 = %broadcast_in_dim3A_7, %scan3A_1138 = %broadcast_in_dim3A_7, %scan3A_1139 = %broadcast_in_dim3A_7, %scan3A_1140 = %broadcast_in_dim3A_7, %scan3A_1141 = %broadcast_in_dim3A_7, %scan3A_1142 = %broadcast_in_dim3A_7, %scan3A_1143 = %broadcast_in_dim3A_7, %scan3A_1144 = %broadcast_in_dim3A_7, %scan3A_1145 = %broadcast_in_dim3A_7, %scan3A_1146 = %broadcast_in_dim3A_7, %scan3A_1147 = %broadcast_in_dim3A_7, %scan3A_1148 = %broadcast_in_dim3A_7, %scan3A_1149 = %broadcast_in_dim3A_7, %scan3A_1150 = %broadcast_in_dim3A_7, %scan3A_1151 = %broadcast_in_dim3A_7, %scan3A_1152 = %broadcast_in_dim3A_7) -> (vector<16xf32>, vector<16xf32>, vector<16xf32>, vector<16xf32>, vector<16xf32>, vector<16xf32>, vector<16xf32>, vector<16xf32>, vector<16xf32>, vector<16xf32>, vector<16xf32>, vector<16xf32>, vector<16xf32>, vector<16xf32>, vector<16xf32>, vector<16xf32>)  : i32 {
        %add3A_1153 = arith.constant 0 : i32
        %add3A_1154 = arith.addi %add3A_1153, %scan3A_1136 : i32
        %get3A_1155 = arith.index_cast %add3A_1154 : i32 to index
        %get3A_1156 = arith.constant 0 : index
        %get3A_1157 = tpu.vector_load %arg8[%get3A_1155, %get3A_1156] {strides = array<i32>} : memref<104x128xf32, #tpu.memory_space<vmem>>, vector<1x16xf32>,
        %get3A_1158 = vector.shape_cast %get3A_1157 : vector<1x16xf32> to vector<16xf32>
        %add3A_1159 = arith.addf %scan3A_1137, %get3A_1158 : vector<16xf32>
        %mul3A_1160 = arith.mulf %get3A_1158, %get3A_1158 : vector<16xf32>
        %add3A_1161 = arith.addf %scan3A_1145, %mul3A_1160 : vector<16xf32>
        %add3A_1162 = arith.constant 0 : i32
        %add3A_1163 = arith.addi %add3A_1162, %scan3A_1136 : i32
        %get3A_1164 = arith.index_cast %add3A_1163 : i32 to index
        %get3A_1165 = arith.constant 16 : index
        %get3A_1166 = tpu.vector_load %arg8[%get3A_1164, %get3A_1165] {strides = array<i32>} : memref<104x128xf32, #tpu.memory_space<vmem>>, vector<1x16xf32>,
        %get3A_1167 = vector.shape_cast %get3A_1166 : vector<1x16xf32> to vector<16xf32>
        %add3A_1168 = arith.addf %scan3A_1138, %get3A_1167 : vector<16xf32>
        %mul3A_1169 = arith.mulf %get3A_1167, %get3A_1167 : vector<16xf32>
        %add3A_1170 = arith.addf %scan3A_1146, %mul3A_1169 : vector<16xf32>
        %add3A_1171 = arith.constant 0 : i32
        %add3A_1172 = arith.addi %add3A_1171, %scan3A_1136 : i32
        %get3A_1173 = arith.index_cast %add3A_1172 : i32 to index
        %get3A_1174 = arith.constant 32 : index
        %get3A_1175 = tpu.vector_load %arg8[%get3A_1173, %get3A_1174] {strides = array<i32>} : memref<104x128xf32, #tpu.memory_space<vmem>>, vector<1x16xf32>,
        %get3A_1176 = vector.shape_cast %get3A_1175 : vector<1x16xf32> to vector<16xf32>
        %add3A_1177 = arith.addf %scan3A_1139, %get3A_1176 : vector<16xf32>
        %mul3A_1178 = arith.mulf %get3A_1176, %get3A_1176 : vector<16xf32>
        %add3A_1179 = arith.addf %scan3A_1147, %mul3A_1178 : vector<16xf32>
        %add3A_1180 = arith.constant 0 : i32
        %add3A_1181 = arith.addi %add3A_1180, %scan3A_1136 : i32
        %get3A_1182 = arith.index_cast %add3A_1181 : i32 to index
        %get3A_1183 = arith.constant 48 : index
        %get3A_1184 = tpu.vector_load %arg8[%get3A_1182, %get3A_1183] {strides = array<i32>} : memref<104x128xf32, #tpu.memory_space<vmem>>, vector<1x16xf32>,
        %get3A_1185 = vector.shape_cast %get3A_1184 : vector<1x16xf32> to vector<16xf32>
        %add3A_1186 = arith.addf %scan3A_1140, %get3A_1185 : vector<16xf32>
        %mul3A_1187 = arith.mulf %get3A_1185, %get3A_1185 : vector<16xf32>
        %add3A_1188 = arith.addf %scan3A_1148, %mul3A_1187 : vector<16xf32>
        %add3A_1189 = arith.constant 0 : i32
        %add3A_1190 = arith.addi %add3A_1189, %scan3A_1136 : i32
        %get3A_1191 = arith.index_cast %add3A_1190 : i32 to index
        %get3A_1192 = arith.constant 64 : index
        %get3A_1193 = tpu.vector_load %arg8[%get3A_1191, %get3A_1192] {strides = array<i32>} : memref<104x128xf32, #tpu.memory_space<vmem>>, vector<1x16xf32>,
        %get3A_1194 = vector.shape_cast %get3A_1193 : vector<1x16xf32> to vector<16xf32>
        %add3A_1195 = arith.addf %scan3A_1141, %get3A_1194 : vector<16xf32>
        %mul3A_1196 = arith.mulf %get3A_1194, %get3A_1194 : vector<16xf32>
        %add3A_1197 = arith.addf %scan3A_1149, %mul3A_1196 : vector<16xf32>
        %add3A_1198 = arith.constant 0 : i32
        %add3A_1199 = arith.addi %add3A_1198, %scan3A_1136 : i32
        %get3A_1200 = arith.index_cast %add3A_1199 : i32 to index
        %get3A_1201 = arith.constant 80 : index
        %get3A_1202 = tpu.vector_load %arg8[%get3A_1200, %get3A_1201] {strides = array<i32>} : memref<104x128xf32, #tpu.memory_space<vmem>>, vector<1x16xf32>,
        %get3A_1203 = vector.shape_cast %get3A_1202 : vector<1x16xf32> to vector<16xf32>
        %add3A_1204 = arith.addf %scan3A_1142, %get3A_1203 : vector<16xf32>
        %mul3A_1205 = arith.mulf %get3A_1203, %get3A_1203 : vector<16xf32>
        %add3A_1206 = arith.addf %scan3A_1150, %mul3A_1205 : vector<16xf32>
        %add3A_1207 = arith.constant 0 : i32
        %add3A_1208 = arith.addi %add3A_1207, %scan3A_1136 : i32
        %get3A_1209 = arith.index_cast %add3A_1208 : i32 to index
        %get3A_1210 = arith.constant 96 : index
        %get3A_1211 = tpu.vector_load %arg8[%get3A_1209, %get3A_1210] {strides = array<i32>} : memref<104x128xf32, #tpu.memory_space<vmem>>, vector<1x16xf32>,
        %get3A_1212 = vector.shape_cast %get3A_1211 : vector<1x16xf32> to vector<16xf32>
        %add3A_1213 = arith.addf %scan3A_1143, %get3A_1212 : vector<16xf32>
        %mul3A_1214 = arith.mulf %get3A_1212, %get3A_1212 : vector<16xf32>
        %add3A_1215 = arith.addf %scan3A_1151, %mul3A_1214 : vector<16xf32>
        %add3A_1216 = arith.constant 0 : i32
        %add3A_1217 = arith.addi %add3A_1216, %scan3A_1136 : i32
        %get3A_1218 = arith.index_cast %add3A_1217 : i32 to index
        %get3A_1219 = arith.constant 112 : index
        %get3A_1220 = tpu.vector_load %arg8[%get3A_1218, %get3A_1219] {strides = array<i32>} : memref<104x128xf32, #tpu.memory_space<vmem>>, vector<1x16xf32>,
        %get3A_1221 = vector.shape_cast %get3A_1220 : vector<1x16xf32> to vector<16xf32>
        %add3A_1222 = arith.addf %scan3A_1144, %get3A_1221 : vector<16xf32>
        %mul3A_1223 = arith.mulf %get3A_1221, %get3A_1221 : vector<16xf32>
        %add3A_1224 = arith.addf %scan3A_1152, %mul3A_1223 : vector<16xf32>
        scf.yield %add3A_1159, %add3A_1168, %add3A_1177, %add3A_1186, %add3A_1195, %add3A_1204, %add3A_1213, %add3A_1222, %add3A_1161, %add3A_1170, %add3A_1179, %add3A_1188, %add3A_1197, %add3A_1206, %add3A_1215, %add3A_1224 : vector<16xf32>, vector<16xf32>, vector<16xf32>, vector<16xf32>, vector<16xf32>, vector<16xf32>, vector<16xf32>, vector<16xf32>, vector<16xf32>, vector<16xf32>, vector<16xf32>, vector<16xf32>, vector<16xf32>, vector<16xf32>, vector<16xf32>, vector<16xf32>
      }
      %scan3A_265 = arith.constant 26 : i32
      %mul3A_266 = arith.mulf %scan3A_264#0, %scan3A_264#0 : vector<16xf32>
      %sub3A = arith.subf %mul3A_266, %scan3A_264#8 : vector<16xf32>
      %mul3A_267 = arith.mulf %scan3A_264#1, %scan3A_264#1 : vector<16xf32>
      %sub3A_268 = arith.subf %mul3A_267, %scan3A_264#9 : vector<16xf32>
      %add3A_269 = arith.addf %sub3A, %sub3A_268 : vector<16xf32>
      %mul3A_270 = arith.mulf %scan3A_264#2, %scan3A_264#2 : vector<16xf32>
      %sub3A_271 = arith.subf %mul3A_270, %scan3A_264#10 : vector<16xf32>
      %add3A_272 = arith.addf %add3A_269, %sub3A_271 : vector<16xf32>
      %mul3A_273 = arith.mulf %scan3A_264#3, %scan3A_264#3 : vector<16xf32>
      %sub3A_274 = arith.subf %mul3A_273, %scan3A_264#11 : vector<16xf32>
      %add3A_275 = arith.addf %add3A_272, %sub3A_274 : vector<16xf32>
      %mul3A_276 = arith.mulf %scan3A_264#4, %scan3A_264#4 : vector<16xf32>
      %sub3A_277 = arith.subf %mul3A_276, %scan3A_264#12 : vector<16xf32>
      %add3A_278 = arith.addf %add3A_275, %sub3A_277 : vector<16xf32>
      %mul3A_279 = arith.mulf %scan3A_264#5, %scan3A_264#5 : vector<16xf32>
      %sub3A_280 = arith.subf %mul3A_279, %scan3A_264#13 : vector<16xf32>
      %add3A_281 = arith.addf %add3A_278, %sub3A_280 : vector<16xf32>
      %mul3A_282 = arith.mulf %scan3A_264#6, %scan3A_264#6 : vector<16xf32>
      %sub3A_283 = arith.subf %mul3A_282, %scan3A_264#14 : vector<16xf32>
      %add3A_284 = arith.addf %add3A_281, %sub3A_283 : vector<16xf32>
      %mul3A_285 = arith.mulf %scan3A_264#7, %scan3A_264#7 : vector<16xf32>
      %sub3A_286 = arith.subf %mul3A_285, %scan3A_264#15 : vector<16xf32>
      %add3A_287 = arith.addf %add3A_284, %sub3A_286 : vector<16xf32>
      %get3A_288 = arith.constant 0 : index
      %get3A_289 = tpu.vector_load %arg10[%get3A_288] {strides = array<i32>} : memref<128xf32, #tpu.memory_space<vmem>>, vector<16xf32>,
      %get3A_290 = vector.shape_cast %get3A_289 : vector<16xf32> to vector<16xf32>
      %get3A_291 = arith.constant 16 : index
      %get3A_292 = tpu.vector_load %arg10[%get3A_291] {strides = array<i32>} : memref<128xf32, #tpu.memory_space<vmem>>, vector<16xf32>,
      %get3A_293 = vector.shape_cast %get3A_292 : vector<16xf32> to vector<16xf32>
      %lt3A_294 = arith.constant 10 : i32
      %lt3A_295 = vector.broadcast %lt3A_294 : i32 to vector<16xi32>
      %lt3A_296 = arith.cmpi slt, %iota3A, %lt3A_295 : vector<16xi32>
      %jit3A = arith.constant 0.000000e+00 : f32
      %broadcast_in_dim3A_297 = vector.broadcast %jit3A : f32 to vector<16xf32>
      %select_n3A = arith.select %lt3A_296, %get3A_293, %broadcast_in_dim3A_297 : vector<16xi1>, vector<16xf32>
      %mul3A_298 = arith.constant 5.000000e-01 : f32
      %mul3A_299 = vector.broadcast %mul3A_298 : f32 to vector<16xf32>
      %mul3A_300 = arith.mulf %mul3A_299, %add3A_287 : vector<16xf32>
      %add3A_301 = arith.addf %mul3A_300, %get3A_290 : vector<16xf32>
      %add3A_302 = arith.addf %add3A_301, %select_n3A : vector<16xf32>
      %lt3A_303 = arith.constant 0 : i32
      %lt3A_304 = vector.broadcast %lt3A_303 : i32 to vector<16xi32>
      %lt3A_305 = arith.cmpi slt, %and3A_12, %lt3A_304 : vector<16xi32>
      %add3A_306 = arith.constant 16 : i32
      %add3A_307 = vector.broadcast %add3A_306 : i32 to vector<16xi32>
      %add3A_308 = arith.addi %and3A_12, %add3A_307 : vector<16xi32>
      %select_n3A_309 = arith.select %lt3A_305, %add3A_308, %and3A_12 : vector<16xi1>, vector<16xi32>
      %broadcast_in_dim3A_310 = vector.shape_cast %select_n3A_309 : vector<16xi32> to vector<16x1xi32>
      %gather3A = vector.shape_cast %broadcast_in_dim3A_310 : vector<16x1xi32> to vector<16xi32>
      %gather3A_311 = tpu.dynamic_gather %add3A_302[%gather3A] in [0] : vector<16xf32>, vector<16xi32> -> vector<16xf32>
      %add3A_312 = arith.addf %add3A_302, %gather3A_311 : vector<16xf32>
      %lt3A_313 = arith.constant 0 : i32
      %lt3A_314 = vector.broadcast %lt3A_313 : i32 to vector<16xi32>
      %lt3A_315 = arith.cmpi slt, %and3A_18, %lt3A_314 : vector<16xi32>
      %add3A_316 = arith.constant 16 : i32
      %add3A_317 = vector.broadcast %add3A_316 : i32 to vector<16xi32>
      %add3A_318 = arith.addi %and3A_18, %add3A_317 : vector<16xi32>
      %select_n3A_319 = arith.select %lt3A_315, %add3A_318, %and3A_18 : vector<16xi1>, vector<16xi32>
      %broadcast_in_dim3A_320 = vector.shape_cast %select_n3A_319 : vector<16xi32> to vector<16x1xi32>
      %gather3A_321 = vector.shape_cast %broadcast_in_dim3A_320 : vector<16x1xi32> to vector<16xi32>
      %gather3A_322 = tpu.dynamic_gather %add3A_312[%gather3A_321] in [0] : vector<16xf32>, vector<16xi32> -> vector<16xf32>
      %add3A_323 = arith.addf %add3A_312, %gather3A_322 : vector<16xf32>
      %lt3A_324 = arith.constant 0 : i32
      %lt3A_325 = vector.broadcast %lt3A_324 : i32 to vector<16xi32>
      %lt3A_326 = arith.cmpi slt, %and3A_24, %lt3A_325 : vector<16xi32>
      %add3A_327 = arith.constant 16 : i32
      %add3A_328 = vector.broadcast %add3A_327 : i32 to vector<16xi32>
      %add3A_329 = arith.addi %and3A_24, %add3A_328 : vector<16xi32>
      %select_n3A_330 = arith.select %lt3A_326, %add3A_329, %and3A_24 : vector<16xi1>, vector<16xi32>
      %broadcast_in_dim3A_331 = vector.shape_cast %select_n3A_330 : vector<16xi32> to vector<16x1xi32>
      %gather3A_332 = vector.shape_cast %broadcast_in_dim3A_331 : vector<16x1xi32> to vector<16xi32>
      %gather3A_333 = tpu.dynamic_gather %add3A_323[%gather3A_332] in [0] : vector<16xf32>, vector<16xi32> -> vector<16xf32>
      %add3A_334 = arith.addf %add3A_323, %gather3A_333 : vector<16xf32>
      %lt3A_335 = arith.constant 0 : i32
      %lt3A_336 = vector.broadcast %lt3A_335 : i32 to vector<16xi32>
      %lt3A_337 = arith.cmpi slt, %and3A_30, %lt3A_336 : vector<16xi32>
      %add3A_338 = arith.constant 16 : i32
      %add3A_339 = vector.broadcast %add3A_338 : i32 to vector<16xi32>
      %add3A_340 = arith.addi %and3A_30, %add3A_339 : vector<16xi32>
      %select_n3A_341 = arith.select %lt3A_337, %add3A_340, %and3A_30 : vector<16xi1>, vector<16xi32>
      %broadcast_in_dim3A_342 = vector.shape_cast %select_n3A_341 : vector<16xi32> to vector<16x1xi32>
      %gather3A_343 = vector.shape_cast %broadcast_in_dim3A_342 : vector<16x1xi32> to vector<16xi32>
      %gather3A_344 = tpu.dynamic_gather %add3A_334[%gather3A_343] in [0] : vector<16xf32>, vector<16xi32> -> vector<16xf32>
      %add3A_345 = arith.addf %add3A_334, %gather3A_344 : vector<16xf32>
      %mul3A_346 = arith.constant 4 : i32
      %mul3A_347 = arith.muli %add3A_243, %mul3A_346 : i32
      %add3A_348 = arith.constant 0 : i32
      %add3A_349 = arith.addi %mul3A_347, %add3A_348 : i32
      %rem3A = arith.constant 16 : i32
      %rem3A_350 = arith.remsi %add3A_349, %rem3A : i32
      %eq3A = vector.broadcast %rem3A_350 : i32 to vector<16xi32>
      %eq3A_351 = arith.cmpi eq, %iota3A, %eq3A : vector<16xi32>
      %select_n3A_352 = arith.select %eq3A_351, %add3A_345, %broadcast_in_dim3A_7 : vector<16xi1>, vector<16xf32>
      %add3A_353 = arith.addf %broadcast_in_dim3A_7, %select_n3A_352 : vector<16xf32>
      %scan3A_354 = arith.constant 0 : i32
      %scan3A_355 = arith.constant 26 : i32
      %scan3A_356 = arith.addi %scan3A_354, %scan3A_355 : i32
      %scan3A_357 = arith.constant 1 : i32
      %scan3A_358:16 = scf.for %scan3A_1136 = %scan3A_354 to %scan3A_356 step %scan3A_357 iter_args(%scan3A_1137 = %broadcast_in_dim3A_7, %scan3A_1138 = %broadcast_in_dim3A_7, %scan3A_1139 = %broadcast_in_dim3A_7, %scan3A_1140 = %broadcast_in_dim3A_7, %scan3A_1141 = %broadcast_in_dim3A_7, %scan3A_1142 = %broadcast_in_dim3A_7, %scan3A_1143 = %broadcast_in_dim3A_7, %scan3A_1144 = %broadcast_in_dim3A_7, %scan3A_1145 = %broadcast_in_dim3A_7, %scan3A_1146 = %broadcast_in_dim3A_7, %scan3A_1147 = %broadcast_in_dim3A_7, %scan3A_1148 = %broadcast_in_dim3A_7, %scan3A_1149 = %broadcast_in_dim3A_7, %scan3A_1150 = %broadcast_in_dim3A_7, %scan3A_1151 = %broadcast_in_dim3A_7, %scan3A_1152 = %broadcast_in_dim3A_7) -> (vector<16xf32>, vector<16xf32>, vector<16xf32>, vector<16xf32>, vector<16xf32>, vector<16xf32>, vector<16xf32>, vector<16xf32>, vector<16xf32>, vector<16xf32>, vector<16xf32>, vector<16xf32>, vector<16xf32>, vector<16xf32>, vector<16xf32>, vector<16xf32>)  : i32 {
        %add3A_1153 = arith.constant 26 : i32
        %add3A_1154 = arith.addi %add3A_1153, %scan3A_1136 : i32
        %get3A_1155 = arith.index_cast %add3A_1154 : i32 to index
        %get3A_1156 = arith.constant 0 : index
        %get3A_1157 = tpu.vector_load %arg8[%get3A_1155, %get3A_1156] {strides = array<i32>} : memref<104x128xf32, #tpu.memory_space<vmem>>, vector<1x16xf32>,
        %get3A_1158 = vector.shape_cast %get3A_1157 : vector<1x16xf32> to vector<16xf32>
        %add3A_1159 = arith.addf %scan3A_1137, %get3A_1158 : vector<16xf32>
        %mul3A_1160 = arith.mulf %get3A_1158, %get3A_1158 : vector<16xf32>
        %add3A_1161 = arith.addf %scan3A_1145, %mul3A_1160 : vector<16xf32>
        %add3A_1162 = arith.constant 26 : i32
        %add3A_1163 = arith.addi %add3A_1162, %scan3A_1136 : i32
        %get3A_1164 = arith.index_cast %add3A_1163 : i32 to index
        %get3A_1165 = arith.constant 16 : index
        %get3A_1166 = tpu.vector_load %arg8[%get3A_1164, %get3A_1165] {strides = array<i32>} : memref<104x128xf32, #tpu.memory_space<vmem>>, vector<1x16xf32>,
        %get3A_1167 = vector.shape_cast %get3A_1166 : vector<1x16xf32> to vector<16xf32>
        %add3A_1168 = arith.addf %scan3A_1138, %get3A_1167 : vector<16xf32>
        %mul3A_1169 = arith.mulf %get3A_1167, %get3A_1167 : vector<16xf32>
        %add3A_1170 = arith.addf %scan3A_1146, %mul3A_1169 : vector<16xf32>
        %add3A_1171 = arith.constant 26 : i32
        %add3A_1172 = arith.addi %add3A_1171, %scan3A_1136 : i32
        %get3A_1173 = arith.index_cast %add3A_1172 : i32 to index
        %get3A_1174 = arith.constant 32 : index
        %get3A_1175 = tpu.vector_load %arg8[%get3A_1173, %get3A_1174] {strides = array<i32>} : memref<104x128xf32, #tpu.memory_space<vmem>>, vector<1x16xf32>,
        %get3A_1176 = vector.shape_cast %get3A_1175 : vector<1x16xf32> to vector<16xf32>
        %add3A_1177 = arith.addf %scan3A_1139, %get3A_1176 : vector<16xf32>
        %mul3A_1178 = arith.mulf %get3A_1176, %get3A_1176 : vector<16xf32>
        %add3A_1179 = arith.addf %scan3A_1147, %mul3A_1178 : vector<16xf32>
        %add3A_1180 = arith.constant 26 : i32
        %add3A_1181 = arith.addi %add3A_1180, %scan3A_1136 : i32
        %get3A_1182 = arith.index_cast %add3A_1181 : i32 to index
        %get3A_1183 = arith.constant 48 : index
        %get3A_1184 = tpu.vector_load %arg8[%get3A_1182, %get3A_1183] {strides = array<i32>} : memref<104x128xf32, #tpu.memory_space<vmem>>, vector<1x16xf32>,
        %get3A_1185 = vector.shape_cast %get3A_1184 : vector<1x16xf32> to vector<16xf32>
        %add3A_1186 = arith.addf %scan3A_1140, %get3A_1185 : vector<16xf32>
        %mul3A_1187 = arith.mulf %get3A_1185, %get3A_1185 : vector<16xf32>
        %add3A_1188 = arith.addf %scan3A_1148, %mul3A_1187 : vector<16xf32>
        %add3A_1189 = arith.constant 26 : i32
        %add3A_1190 = arith.addi %add3A_1189, %scan3A_1136 : i32
        %get3A_1191 = arith.index_cast %add3A_1190 : i32 to index
        %get3A_1192 = arith.constant 64 : index
        %get3A_1193 = tpu.vector_load %arg8[%get3A_1191, %get3A_1192] {strides = array<i32>} : memref<104x128xf32, #tpu.memory_space<vmem>>, vector<1x16xf32>,
        %get3A_1194 = vector.shape_cast %get3A_1193 : vector<1x16xf32> to vector<16xf32>
        %add3A_1195 = arith.addf %scan3A_1141, %get3A_1194 : vector<16xf32>
        %mul3A_1196 = arith.mulf %get3A_1194, %get3A_1194 : vector<16xf32>
        %add3A_1197 = arith.addf %scan3A_1149, %mul3A_1196 : vector<16xf32>
        %add3A_1198 = arith.constant 26 : i32
        %add3A_1199 = arith.addi %add3A_1198, %scan3A_1136 : i32
        %get3A_1200 = arith.index_cast %add3A_1199 : i32 to index
        %get3A_1201 = arith.constant 80 : index
        %get3A_1202 = tpu.vector_load %arg8[%get3A_1200, %get3A_1201] {strides = array<i32>} : memref<104x128xf32, #tpu.memory_space<vmem>>, vector<1x16xf32>,
        %get3A_1203 = vector.shape_cast %get3A_1202 : vector<1x16xf32> to vector<16xf32>
        %add3A_1204 = arith.addf %scan3A_1142, %get3A_1203 : vector<16xf32>
        %mul3A_1205 = arith.mulf %get3A_1203, %get3A_1203 : vector<16xf32>
        %add3A_1206 = arith.addf %scan3A_1150, %mul3A_1205 : vector<16xf32>
        %add3A_1207 = arith.constant 26 : i32
        %add3A_1208 = arith.addi %add3A_1207, %scan3A_1136 : i32
        %get3A_1209 = arith.index_cast %add3A_1208 : i32 to index
        %get3A_1210 = arith.constant 96 : index
        %get3A_1211 = tpu.vector_load %arg8[%get3A_1209, %get3A_1210] {strides = array<i32>} : memref<104x128xf32, #tpu.memory_space<vmem>>, vector<1x16xf32>,
        %get3A_1212 = vector.shape_cast %get3A_1211 : vector<1x16xf32> to vector<16xf32>
        %add3A_1213 = arith.addf %scan3A_1143, %get3A_1212 : vector<16xf32>
        %mul3A_1214 = arith.mulf %get3A_1212, %get3A_1212 : vector<16xf32>
        %add3A_1215 = arith.addf %scan3A_1151, %mul3A_1214 : vector<16xf32>
        %add3A_1216 = arith.constant 26 : i32
        %add3A_1217 = arith.addi %add3A_1216, %scan3A_1136 : i32
        %get3A_1218 = arith.index_cast %add3A_1217 : i32 to index
        %get3A_1219 = arith.constant 112 : index
        %get3A_1220 = tpu.vector_load %arg8[%get3A_1218, %get3A_1219] {strides = array<i32>} : memref<104x128xf32, #tpu.memory_space<vmem>>, vector<1x16xf32>,
        %get3A_1221 = vector.shape_cast %get3A_1220 : vector<1x16xf32> to vector<16xf32>
        %add3A_1222 = arith.addf %scan3A_1144, %get3A_1221 : vector<16xf32>
        %mul3A_1223 = arith.mulf %get3A_1221, %get3A_1221 : vector<16xf32>
        %add3A_1224 = arith.addf %scan3A_1152, %mul3A_1223 : vector<16xf32>
        scf.yield %add3A_1159, %add3A_1168, %add3A_1177, %add3A_1186, %add3A_1195, %add3A_1204, %add3A_1213, %add3A_1222, %add3A_1161, %add3A_1170, %add3A_1179, %add3A_1188, %add3A_1197, %add3A_1206, %add3A_1215, %add3A_1224 : vector<16xf32>, vector<16xf32>, vector<16xf32>, vector<16xf32>, vector<16xf32>, vector<16xf32>, vector<16xf32>, vector<16xf32>, vector<16xf32>, vector<16xf32>, vector<16xf32>, vector<16xf32>, vector<16xf32>, vector<16xf32>, vector<16xf32>, vector<16xf32>
      }
      %scan3A_359 = arith.constant 26 : i32
      %mul3A_360 = arith.mulf %scan3A_358#0, %scan3A_358#0 : vector<16xf32>
      %sub3A_361 = arith.subf %mul3A_360, %scan3A_358#8 : vector<16xf32>
      %mul3A_362 = arith.mulf %scan3A_358#1, %scan3A_358#1 : vector<16xf32>
      %sub3A_363 = arith.subf %mul3A_362, %scan3A_358#9 : vector<16xf32>
      %add3A_364 = arith.addf %sub3A_361, %sub3A_363 : vector<16xf32>
      %mul3A_365 = arith.mulf %scan3A_358#2, %scan3A_358#2 : vector<16xf32>
      %sub3A_366 = arith.subf %mul3A_365, %scan3A_358#10 : vector<16xf32>
      %add3A_367 = arith.addf %add3A_364, %sub3A_366 : vector<16xf32>
      %mul3A_368 = arith.mulf %scan3A_358#3, %scan3A_358#3 : vector<16xf32>
      %sub3A_369 = arith.subf %mul3A_368, %scan3A_358#11 : vector<16xf32>
      %add3A_370 = arith.addf %add3A_367, %sub3A_369 : vector<16xf32>
      %mul3A_371 = arith.mulf %scan3A_358#4, %scan3A_358#4 : vector<16xf32>
      %sub3A_372 = arith.subf %mul3A_371, %scan3A_358#12 : vector<16xf32>
      %add3A_373 = arith.addf %add3A_370, %sub3A_372 : vector<16xf32>
      %mul3A_374 = arith.mulf %scan3A_358#5, %scan3A_358#5 : vector<16xf32>
      %sub3A_375 = arith.subf %mul3A_374, %scan3A_358#13 : vector<16xf32>
      %add3A_376 = arith.addf %add3A_373, %sub3A_375 : vector<16xf32>
      %mul3A_377 = arith.mulf %scan3A_358#6, %scan3A_358#6 : vector<16xf32>
      %sub3A_378 = arith.subf %mul3A_377, %scan3A_358#14 : vector<16xf32>
      %add3A_379 = arith.addf %add3A_376, %sub3A_378 : vector<16xf32>
      %mul3A_380 = arith.mulf %scan3A_358#7, %scan3A_358#7 : vector<16xf32>
      %sub3A_381 = arith.subf %mul3A_380, %scan3A_358#15 : vector<16xf32>
      %add3A_382 = arith.addf %add3A_379, %sub3A_381 : vector<16xf32>
      %get3A_383 = arith.constant 32 : index
      %get3A_384 = tpu.vector_load %arg10[%get3A_383] {strides = array<i32>} : memref<128xf32, #tpu.memory_space<vmem>>, vector<16xf32>,
      %get3A_385 = vector.shape_cast %get3A_384 : vector<16xf32> to vector<16xf32>
      %get3A_386 = arith.constant 48 : index
      %get3A_387 = tpu.vector_load %arg10[%get3A_386] {strides = array<i32>} : memref<128xf32, #tpu.memory_space<vmem>>, vector<16xf32>,
      %get3A_388 = vector.shape_cast %get3A_387 : vector<16xf32> to vector<16xf32>
      %lt3A_389 = arith.constant 10 : i32
      %lt3A_390 = vector.broadcast %lt3A_389 : i32 to vector<16xi32>
      %lt3A_391 = arith.cmpi slt, %iota3A, %lt3A_390 : vector<16xi32>
      %jit3A_392 = arith.constant 0.000000e+00 : f32
      %broadcast_in_dim3A_393 = vector.broadcast %jit3A_392 : f32 to vector<16xf32>
      %select_n3A_394 = arith.select %lt3A_391, %get3A_388, %broadcast_in_dim3A_393 : vector<16xi1>, vector<16xf32>
      %mul3A_395 = arith.constant 5.000000e-01 : f32
      %mul3A_396 = vector.broadcast %mul3A_395 : f32 to vector<16xf32>
      %mul3A_397 = arith.mulf %mul3A_396, %add3A_382 : vector<16xf32>
      %add3A_398 = arith.addf %mul3A_397, %get3A_385 : vector<16xf32>
      %add3A_399 = arith.addf %add3A_398, %select_n3A_394 : vector<16xf32>
      %lt3A_400 = arith.constant 0 : i32
      %lt3A_401 = vector.broadcast %lt3A_400 : i32 to vector<16xi32>
      %lt3A_402 = arith.cmpi slt, %and3A_12, %lt3A_401 : vector<16xi32>
      %add3A_403 = arith.constant 16 : i32
      %add3A_404 = vector.broadcast %add3A_403 : i32 to vector<16xi32>
      %add3A_405 = arith.addi %and3A_12, %add3A_404 : vector<16xi32>
      %select_n3A_406 = arith.select %lt3A_402, %add3A_405, %and3A_12 : vector<16xi1>, vector<16xi32>
      %broadcast_in_dim3A_407 = vector.shape_cast %select_n3A_406 : vector<16xi32> to vector<16x1xi32>
      %gather3A_408 = vector.shape_cast %broadcast_in_dim3A_407 : vector<16x1xi32> to vector<16xi32>
      %gather3A_409 = tpu.dynamic_gather %add3A_399[%gather3A_408] in [0] : vector<16xf32>, vector<16xi32> -> vector<16xf32>
      %add3A_410 = arith.addf %add3A_399, %gather3A_409 : vector<16xf32>
      %lt3A_411 = arith.constant 0 : i32
      %lt3A_412 = vector.broadcast %lt3A_411 : i32 to vector<16xi32>
      %lt3A_413 = arith.cmpi slt, %and3A_18, %lt3A_412 : vector<16xi32>
      %add3A_414 = arith.constant 16 : i32
      %add3A_415 = vector.broadcast %add3A_414 : i32 to vector<16xi32>
      %add3A_416 = arith.addi %and3A_18, %add3A_415 : vector<16xi32>
      %select_n3A_417 = arith.select %lt3A_413, %add3A_416, %and3A_18 : vector<16xi1>, vector<16xi32>
      %broadcast_in_dim3A_418 = vector.shape_cast %select_n3A_417 : vector<16xi32> to vector<16x1xi32>
      %gather3A_419 = vector.shape_cast %broadcast_in_dim3A_418 : vector<16x1xi32> to vector<16xi32>
      %gather3A_420 = tpu.dynamic_gather %add3A_410[%gather3A_419] in [0] : vector<16xf32>, vector<16xi32> -> vector<16xf32>
      %add3A_421 = arith.addf %add3A_410, %gather3A_420 : vector<16xf32>
      %lt3A_422 = arith.constant 0 : i32
      %lt3A_423 = vector.broadcast %lt3A_422 : i32 to vector<16xi32>
      %lt3A_424 = arith.cmpi slt, %and3A_24, %lt3A_423 : vector<16xi32>
      %add3A_425 = arith.constant 16 : i32
      %add3A_426 = vector.broadcast %add3A_425 : i32 to vector<16xi32>
      %add3A_427 = arith.addi %and3A_24, %add3A_426 : vector<16xi32>
      %select_n3A_428 = arith.select %lt3A_424, %add3A_427, %and3A_24 : vector<16xi1>, vector<16xi32>
      %broadcast_in_dim3A_429 = vector.shape_cast %select_n3A_428 : vector<16xi32> to vector<16x1xi32>
      %gather3A_430 = vector.shape_cast %broadcast_in_dim3A_429 : vector<16x1xi32> to vector<16xi32>
      %gather3A_431 = tpu.dynamic_gather %add3A_421[%gather3A_430] in [0] : vector<16xf32>, vector<16xi32> -> vector<16xf32>
      %add3A_432 = arith.addf %add3A_421, %gather3A_431 : vector<16xf32>
      %lt3A_433 = arith.constant 0 : i32
      %lt3A_434 = vector.broadcast %lt3A_433 : i32 to vector<16xi32>
      %lt3A_435 = arith.cmpi slt, %and3A_30, %lt3A_434 : vector<16xi32>
      %add3A_436 = arith.constant 16 : i32
      %add3A_437 = vector.broadcast %add3A_436 : i32 to vector<16xi32>
      %add3A_438 = arith.addi %and3A_30, %add3A_437 : vector<16xi32>
      %select_n3A_439 = arith.select %lt3A_435, %add3A_438, %and3A_30 : vector<16xi1>, vector<16xi32>
      %broadcast_in_dim3A_440 = vector.shape_cast %select_n3A_439 : vector<16xi32> to vector<16x1xi32>
      %gather3A_441 = vector.shape_cast %broadcast_in_dim3A_440 : vector<16x1xi32> to vector<16xi32>
      %gather3A_442 = tpu.dynamic_gather %add3A_432[%gather3A_441] in [0] : vector<16xf32>, vector<16xi32> -> vector<16xf32>
      %add3A_443 = arith.addf %add3A_432, %gather3A_442 : vector<16xf32>
      %mul3A_444 = arith.constant 4 : i32
      %mul3A_445 = arith.muli %add3A_243, %mul3A_444 : i32
      %add3A_446 = arith.constant 1 : i32
      %add3A_447 = arith.addi %mul3A_445, %add3A_446 : i32
      %rem3A_448 = arith.constant 16 : i32
      %rem3A_449 = arith.remsi %add3A_447, %rem3A_448 : i32
      %eq3A_450 = vector.broadcast %rem3A_449 : i32 to vector<16xi32>
      %eq3A_451 = arith.cmpi eq, %iota3A, %eq3A_450 : vector<16xi32>
      %select_n3A_452 = arith.select %eq3A_451, %add3A_443, %broadcast_in_dim3A_7 : vector<16xi1>, vector<16xf32>
      %add3A_453 = arith.addf %add3A_353, %select_n3A_452 : vector<16xf32>
      %scan3A_454 = arith.constant 0 : i32
      %scan3A_455 = arith.constant 26 : i32
      %scan3A_456 = arith.addi %scan3A_454, %scan3A_455 : i32
      %scan3A_457 = arith.constant 1 : i32
      %scan3A_458:16 = scf.for %scan3A_1136 = %scan3A_454 to %scan3A_456 step %scan3A_457 iter_args(%scan3A_1137 = %broadcast_in_dim3A_7, %scan3A_1138 = %broadcast_in_dim3A_7, %scan3A_1139 = %broadcast_in_dim3A_7, %scan3A_1140 = %broadcast_in_dim3A_7, %scan3A_1141 = %broadcast_in_dim3A_7, %scan3A_1142 = %broadcast_in_dim3A_7, %scan3A_1143 = %broadcast_in_dim3A_7, %scan3A_1144 = %broadcast_in_dim3A_7, %scan3A_1145 = %broadcast_in_dim3A_7, %scan3A_1146 = %broadcast_in_dim3A_7, %scan3A_1147 = %broadcast_in_dim3A_7, %scan3A_1148 = %broadcast_in_dim3A_7, %scan3A_1149 = %broadcast_in_dim3A_7, %scan3A_1150 = %broadcast_in_dim3A_7, %scan3A_1151 = %broadcast_in_dim3A_7, %scan3A_1152 = %broadcast_in_dim3A_7) -> (vector<16xf32>, vector<16xf32>, vector<16xf32>, vector<16xf32>, vector<16xf32>, vector<16xf32>, vector<16xf32>, vector<16xf32>, vector<16xf32>, vector<16xf32>, vector<16xf32>, vector<16xf32>, vector<16xf32>, vector<16xf32>, vector<16xf32>, vector<16xf32>)  : i32 {
        %add3A_1153 = arith.constant 52 : i32
        %add3A_1154 = arith.addi %add3A_1153, %scan3A_1136 : i32
        %get3A_1155 = arith.index_cast %add3A_1154 : i32 to index
        %get3A_1156 = arith.constant 0 : index
        %get3A_1157 = tpu.vector_load %arg8[%get3A_1155, %get3A_1156] {strides = array<i32>} : memref<104x128xf32, #tpu.memory_space<vmem>>, vector<1x16xf32>,
        %get3A_1158 = vector.shape_cast %get3A_1157 : vector<1x16xf32> to vector<16xf32>
        %add3A_1159 = arith.addf %scan3A_1137, %get3A_1158 : vector<16xf32>
        %mul3A_1160 = arith.mulf %get3A_1158, %get3A_1158 : vector<16xf32>
        %add3A_1161 = arith.addf %scan3A_1145, %mul3A_1160 : vector<16xf32>
        %add3A_1162 = arith.constant 52 : i32
        %add3A_1163 = arith.addi %add3A_1162, %scan3A_1136 : i32
        %get3A_1164 = arith.index_cast %add3A_1163 : i32 to index
        %get3A_1165 = arith.constant 16 : index
        %get3A_1166 = tpu.vector_load %arg8[%get3A_1164, %get3A_1165] {strides = array<i32>} : memref<104x128xf32, #tpu.memory_space<vmem>>, vector<1x16xf32>,
        %get3A_1167 = vector.shape_cast %get3A_1166 : vector<1x16xf32> to vector<16xf32>
        %add3A_1168 = arith.addf %scan3A_1138, %get3A_1167 : vector<16xf32>
        %mul3A_1169 = arith.mulf %get3A_1167, %get3A_1167 : vector<16xf32>
        %add3A_1170 = arith.addf %scan3A_1146, %mul3A_1169 : vector<16xf32>
        %add3A_1171 = arith.constant 52 : i32
        %add3A_1172 = arith.addi %add3A_1171, %scan3A_1136 : i32
        %get3A_1173 = arith.index_cast %add3A_1172 : i32 to index
        %get3A_1174 = arith.constant 32 : index
        %get3A_1175 = tpu.vector_load %arg8[%get3A_1173, %get3A_1174] {strides = array<i32>} : memref<104x128xf32, #tpu.memory_space<vmem>>, vector<1x16xf32>,
        %get3A_1176 = vector.shape_cast %get3A_1175 : vector<1x16xf32> to vector<16xf32>
        %add3A_1177 = arith.addf %scan3A_1139, %get3A_1176 : vector<16xf32>
        %mul3A_1178 = arith.mulf %get3A_1176, %get3A_1176 : vector<16xf32>
        %add3A_1179 = arith.addf %scan3A_1147, %mul3A_1178 : vector<16xf32>
        %add3A_1180 = arith.constant 52 : i32
        %add3A_1181 = arith.addi %add3A_1180, %scan3A_1136 : i32
        %get3A_1182 = arith.index_cast %add3A_1181 : i32 to index
        %get3A_1183 = arith.constant 48 : index
        %get3A_1184 = tpu.vector_load %arg8[%get3A_1182, %get3A_1183] {strides = array<i32>} : memref<104x128xf32, #tpu.memory_space<vmem>>, vector<1x16xf32>,
        %get3A_1185 = vector.shape_cast %get3A_1184 : vector<1x16xf32> to vector<16xf32>
        %add3A_1186 = arith.addf %scan3A_1140, %get3A_1185 : vector<16xf32>
        %mul3A_1187 = arith.mulf %get3A_1185, %get3A_1185 : vector<16xf32>
        %add3A_1188 = arith.addf %scan3A_1148, %mul3A_1187 : vector<16xf32>
        %add3A_1189 = arith.constant 52 : i32
        %add3A_1190 = arith.addi %add3A_1189, %scan3A_1136 : i32
        %get3A_1191 = arith.index_cast %add3A_1190 : i32 to index
        %get3A_1192 = arith.constant 64 : index
        %get3A_1193 = tpu.vector_load %arg8[%get3A_1191, %get3A_1192] {strides = array<i32>} : memref<104x128xf32, #tpu.memory_space<vmem>>, vector<1x16xf32>,
        %get3A_1194 = vector.shape_cast %get3A_1193 : vector<1x16xf32> to vector<16xf32>
        %add3A_1195 = arith.addf %scan3A_1141, %get3A_1194 : vector<16xf32>
        %mul3A_1196 = arith.mulf %get3A_1194, %get3A_1194 : vector<16xf32>
        %add3A_1197 = arith.addf %scan3A_1149, %mul3A_1196 : vector<16xf32>
        %add3A_1198 = arith.constant 52 : i32
        %add3A_1199 = arith.addi %add3A_1198, %scan3A_1136 : i32
        %get3A_1200 = arith.index_cast %add3A_1199 : i32 to index
        %get3A_1201 = arith.constant 80 : index
        %get3A_1202 = tpu.vector_load %arg8[%get3A_1200, %get3A_1201] {strides = array<i32>} : memref<104x128xf32, #tpu.memory_space<vmem>>, vector<1x16xf32>,
        %get3A_1203 = vector.shape_cast %get3A_1202 : vector<1x16xf32> to vector<16xf32>
        %add3A_1204 = arith.addf %scan3A_1142, %get3A_1203 : vector<16xf32>
        %mul3A_1205 = arith.mulf %get3A_1203, %get3A_1203 : vector<16xf32>
        %add3A_1206 = arith.addf %scan3A_1150, %mul3A_1205 : vector<16xf32>
        %add3A_1207 = arith.constant 52 : i32
        %add3A_1208 = arith.addi %add3A_1207, %scan3A_1136 : i32
        %get3A_1209 = arith.index_cast %add3A_1208 : i32 to index
        %get3A_1210 = arith.constant 96 : index
        %get3A_1211 = tpu.vector_load %arg8[%get3A_1209, %get3A_1210] {strides = array<i32>} : memref<104x128xf32, #tpu.memory_space<vmem>>, vector<1x16xf32>,
        %get3A_1212 = vector.shape_cast %get3A_1211 : vector<1x16xf32> to vector<16xf32>
        %add3A_1213 = arith.addf %scan3A_1143, %get3A_1212 : vector<16xf32>
        %mul3A_1214 = arith.mulf %get3A_1212, %get3A_1212 : vector<16xf32>
        %add3A_1215 = arith.addf %scan3A_1151, %mul3A_1214 : vector<16xf32>
        %add3A_1216 = arith.constant 52 : i32
        %add3A_1217 = arith.addi %add3A_1216, %scan3A_1136 : i32
        %get3A_1218 = arith.index_cast %add3A_1217 : i32 to index
        %get3A_1219 = arith.constant 112 : index
        %get3A_1220 = tpu.vector_load %arg8[%get3A_1218, %get3A_1219] {strides = array<i32>} : memref<104x128xf32, #tpu.memory_space<vmem>>, vector<1x16xf32>,
        %get3A_1221 = vector.shape_cast %get3A_1220 : vector<1x16xf32> to vector<16xf32>
        %add3A_1222 = arith.addf %scan3A_1144, %get3A_1221 : vector<16xf32>
        %mul3A_1223 = arith.mulf %get3A_1221, %get3A_1221 : vector<16xf32>
        %add3A_1224 = arith.addf %scan3A_1152, %mul3A_1223 : vector<16xf32>
        scf.yield %add3A_1159, %add3A_1168, %add3A_1177, %add3A_1186, %add3A_1195, %add3A_1204, %add3A_1213, %add3A_1222, %add3A_1161, %add3A_1170, %add3A_1179, %add3A_1188, %add3A_1197, %add3A_1206, %add3A_1215, %add3A_1224 : vector<16xf32>, vector<16xf32>, vector<16xf32>, vector<16xf32>, vector<16xf32>, vector<16xf32>, vector<16xf32>, vector<16xf32>, vector<16xf32>, vector<16xf32>, vector<16xf32>, vector<16xf32>, vector<16xf32>, vector<16xf32>, vector<16xf32>, vector<16xf32>
      }
      %scan3A_459 = arith.constant 26 : i32
      %mul3A_460 = arith.mulf %scan3A_458#0, %scan3A_458#0 : vector<16xf32>
      %sub3A_461 = arith.subf %mul3A_460, %scan3A_458#8 : vector<16xf32>
      %mul3A_462 = arith.mulf %scan3A_458#1, %scan3A_458#1 : vector<16xf32>
      %sub3A_463 = arith.subf %mul3A_462, %scan3A_458#9 : vector<16xf32>
      %add3A_464 = arith.addf %sub3A_461, %sub3A_463 : vector<16xf32>
      %mul3A_465 = arith.mulf %scan3A_458#2, %scan3A_458#2 : vector<16xf32>
      %sub3A_466 = arith.subf %mul3A_465, %scan3A_458#10 : vector<16xf32>
      %add3A_467 = arith.addf %add3A_464, %sub3A_466 : vector<16xf32>
      %mul3A_468 = arith.mulf %scan3A_458#3, %scan3A_458#3 : vector<16xf32>
      %sub3A_469 = arith.subf %mul3A_468, %scan3A_458#11 : vector<16xf32>
      %add3A_470 = arith.addf %add3A_467, %sub3A_469 : vector<16xf32>
      %mul3A_471 = arith.mulf %scan3A_458#4, %scan3A_458#4 : vector<16xf32>
      %sub3A_472 = arith.subf %mul3A_471, %scan3A_458#12 : vector<16xf32>
      %add3A_473 = arith.addf %add3A_470, %sub3A_472 : vector<16xf32>
      %mul3A_474 = arith.mulf %scan3A_458#5, %scan3A_458#5 : vector<16xf32>
      %sub3A_475 = arith.subf %mul3A_474, %scan3A_458#13 : vector<16xf32>
      %add3A_476 = arith.addf %add3A_473, %sub3A_475 : vector<16xf32>
      %mul3A_477 = arith.mulf %scan3A_458#6, %scan3A_458#6 : vector<16xf32>
      %sub3A_478 = arith.subf %mul3A_477, %scan3A_458#14 : vector<16xf32>
      %add3A_479 = arith.addf %add3A_476, %sub3A_478 : vector<16xf32>
      %mul3A_480 = arith.mulf %scan3A_458#7, %scan3A_458#7 : vector<16xf32>
      %sub3A_481 = arith.subf %mul3A_480, %scan3A_458#15 : vector<16xf32>
      %add3A_482 = arith.addf %add3A_479, %sub3A_481 : vector<16xf32>
      %get3A_483 = arith.constant 64 : index
      %get3A_484 = tpu.vector_load %arg10[%get3A_483] {strides = array<i32>} : memref<128xf32, #tpu.memory_space<vmem>>, vector<16xf32>,
      %get3A_485 = vector.shape_cast %get3A_484 : vector<16xf32> to vector<16xf32>
      %get3A_486 = arith.constant 80 : index
      %get3A_487 = tpu.vector_load %arg10[%get3A_486] {strides = array<i32>} : memref<128xf32, #tpu.memory_space<vmem>>, vector<16xf32>,
      %get3A_488 = vector.shape_cast %get3A_487 : vector<16xf32> to vector<16xf32>
      %lt3A_489 = arith.constant 10 : i32
      %lt3A_490 = vector.broadcast %lt3A_489 : i32 to vector<16xi32>
      %lt3A_491 = arith.cmpi slt, %iota3A, %lt3A_490 : vector<16xi32>
      %jit3A_492 = arith.constant 0.000000e+00 : f32
      %broadcast_in_dim3A_493 = vector.broadcast %jit3A_492 : f32 to vector<16xf32>
      %select_n3A_494 = arith.select %lt3A_491, %get3A_488, %broadcast_in_dim3A_493 : vector<16xi1>, vector<16xf32>
      %mul3A_495 = arith.constant 5.000000e-01 : f32
      %mul3A_496 = vector.broadcast %mul3A_495 : f32 to vector<16xf32>
      %mul3A_497 = arith.mulf %mul3A_496, %add3A_482 : vector<16xf32>
      %add3A_498 = arith.addf %mul3A_497, %get3A_485 : vector<16xf32>
      %add3A_499 = arith.addf %add3A_498, %select_n3A_494 : vector<16xf32>
      %lt3A_500 = arith.constant 0 : i32
      %lt3A_501 = vector.broadcast %lt3A_500 : i32 to vector<16xi32>
      %lt3A_502 = arith.cmpi slt, %and3A_12, %lt3A_501 : vector<16xi32>
      %add3A_503 = arith.constant 16 : i32
      %add3A_504 = vector.broadcast %add3A_503 : i32 to vector<16xi32>
      %add3A_505 = arith.addi %and3A_12, %add3A_504 : vector<16xi32>
      %select_n3A_506 = arith.select %lt3A_502, %add3A_505, %and3A_12 : vector<16xi1>, vector<16xi32>
      %broadcast_in_dim3A_507 = vector.shape_cast %select_n3A_506 : vector<16xi32> to vector<16x1xi32>
      %gather3A_508 = vector.shape_cast %broadcast_in_dim3A_507 : vector<16x1xi32> to vector<16xi32>
      %gather3A_509 = tpu.dynamic_gather %add3A_499[%gather3A_508] in [0] : vector<16xf32>, vector<16xi32> -> vector<16xf32>
      %add3A_510 = arith.addf %add3A_499, %gather3A_509 : vector<16xf32>
      %lt3A_511 = arith.constant 0 : i32
      %lt3A_512 = vector.broadcast %lt3A_511 : i32 to vector<16xi32>
      %lt3A_513 = arith.cmpi slt, %and3A_18, %lt3A_512 : vector<16xi32>
      %add3A_514 = arith.constant 16 : i32
      %add3A_515 = vector.broadcast %add3A_514 : i32 to vector<16xi32>
      %add3A_516 = arith.addi %and3A_18, %add3A_515 : vector<16xi32>
      %select_n3A_517 = arith.select %lt3A_513, %add3A_516, %and3A_18 : vector<16xi1>, vector<16xi32>
      %broadcast_in_dim3A_518 = vector.shape_cast %select_n3A_517 : vector<16xi32> to vector<16x1xi32>
      %gather3A_519 = vector.shape_cast %broadcast_in_dim3A_518 : vector<16x1xi32> to vector<16xi32>
      %gather3A_520 = tpu.dynamic_gather %add3A_510[%gather3A_519] in [0] : vector<16xf32>, vector<16xi32> -> vector<16xf32>
      %add3A_521 = arith.addf %add3A_510, %gather3A_520 : vector<16xf32>
      %lt3A_522 = arith.constant 0 : i32
      %lt3A_523 = vector.broadcast %lt3A_522 : i32 to vector<16xi32>
      %lt3A_524 = arith.cmpi slt, %and3A_24, %lt3A_523 : vector<16xi32>
      %add3A_525 = arith.constant 16 : i32
      %add3A_526 = vector.broadcast %add3A_525 : i32 to vector<16xi32>
      %add3A_527 = arith.addi %and3A_24, %add3A_526 : vector<16xi32>
      %select_n3A_528 = arith.select %lt3A_524, %add3A_527, %and3A_24 : vector<16xi1>, vector<16xi32>
      %broadcast_in_dim3A_529 = vector.shape_cast %select_n3A_528 : vector<16xi32> to vector<16x1xi32>
      %gather3A_530 = vector.shape_cast %broadcast_in_dim3A_529 : vector<16x1xi32> to vector<16xi32>
      %gather3A_531 = tpu.dynamic_gather %add3A_521[%gather3A_530] in [0] : vector<16xf32>, vector<16xi32> -> vector<16xf32>
      %add3A_532 = arith.addf %add3A_521, %gather3A_531 : vector<16xf32>
      %lt3A_533 = arith.constant 0 : i32
      %lt3A_534 = vector.broadcast %lt3A_533 : i32 to vector<16xi32>
      %lt3A_535 = arith.cmpi slt, %and3A_30, %lt3A_534 : vector<16xi32>
      %add3A_536 = arith.constant 16 : i32
      %add3A_537 = vector.broadcast %add3A_536 : i32 to vector<16xi32>
      %add3A_538 = arith.addi %and3A_30, %add3A_537 : vector<16xi32>
      %select_n3A_539 = arith.select %lt3A_535, %add3A_538, %and3A_30 : vector<16xi1>, vector<16xi32>
      %broadcast_in_dim3A_540 = vector.shape_cast %select_n3A_539 : vector<16xi32> to vector<16x1xi32>
      %gather3A_541 = vector.shape_cast %broadcast_in_dim3A_540 : vector<16x1xi32> to vector<16xi32>
      %gather3A_542 = tpu.dynamic_gather %add3A_532[%gather3A_541] in [0] : vector<16xf32>, vector<16xi32> -> vector<16xf32>
      %add3A_543 = arith.addf %add3A_532, %gather3A_542 : vector<16xf32>
      %mul3A_544 = arith.constant 4 : i32
      %mul3A_545 = arith.muli %add3A_243, %mul3A_544 : i32
      %add3A_546 = arith.constant 2 : i32
      %add3A_547 = arith.addi %mul3A_545, %add3A_546 : i32
      %rem3A_548 = arith.constant 16 : i32
      %rem3A_549 = arith.remsi %add3A_547, %rem3A_548 : i32
      %eq3A_550 = vector.broadcast %rem3A_549 : i32 to vector<16xi32>
      %eq3A_551 = arith.cmpi eq, %iota3A, %eq3A_550 : vector<16xi32>
      %select_n3A_552 = arith.select %eq3A_551, %add3A_543, %broadcast_in_dim3A_7 : vector<16xi1>, vector<16xf32>
      %add3A_553 = arith.addf %add3A_453, %select_n3A_552 : vector<16xf32>
      %scan3A_554 = arith.constant 0 : i32
      %scan3A_555 = arith.constant 26 : i32
      %scan3A_556 = arith.addi %scan3A_554, %scan3A_555 : i32
      %scan3A_557 = arith.constant 1 : i32
      %scan3A_558:16 = scf.for %scan3A_1136 = %scan3A_554 to %scan3A_556 step %scan3A_557 iter_args(%scan3A_1137 = %broadcast_in_dim3A_7, %scan3A_1138 = %broadcast_in_dim3A_7, %scan3A_1139 = %broadcast_in_dim3A_7, %scan3A_1140 = %broadcast_in_dim3A_7, %scan3A_1141 = %broadcast_in_dim3A_7, %scan3A_1142 = %broadcast_in_dim3A_7, %scan3A_1143 = %broadcast_in_dim3A_7, %scan3A_1144 = %broadcast_in_dim3A_7, %scan3A_1145 = %broadcast_in_dim3A_7, %scan3A_1146 = %broadcast_in_dim3A_7, %scan3A_1147 = %broadcast_in_dim3A_7, %scan3A_1148 = %broadcast_in_dim3A_7, %scan3A_1149 = %broadcast_in_dim3A_7, %scan3A_1150 = %broadcast_in_dim3A_7, %scan3A_1151 = %broadcast_in_dim3A_7, %scan3A_1152 = %broadcast_in_dim3A_7) -> (vector<16xf32>, vector<16xf32>, vector<16xf32>, vector<16xf32>, vector<16xf32>, vector<16xf32>, vector<16xf32>, vector<16xf32>, vector<16xf32>, vector<16xf32>, vector<16xf32>, vector<16xf32>, vector<16xf32>, vector<16xf32>, vector<16xf32>, vector<16xf32>)  : i32 {
        %add3A_1153 = arith.constant 78 : i32
        %add3A_1154 = arith.addi %add3A_1153, %scan3A_1136 : i32
        %get3A_1155 = arith.index_cast %add3A_1154 : i32 to index
        %get3A_1156 = arith.constant 0 : index
        %get3A_1157 = tpu.vector_load %arg8[%get3A_1155, %get3A_1156] {strides = array<i32>} : memref<104x128xf32, #tpu.memory_space<vmem>>, vector<1x16xf32>,
        %get3A_1158 = vector.shape_cast %get3A_1157 : vector<1x16xf32> to vector<16xf32>
        %add3A_1159 = arith.addf %scan3A_1137, %get3A_1158 : vector<16xf32>
        %mul3A_1160 = arith.mulf %get3A_1158, %get3A_1158 : vector<16xf32>
        %add3A_1161 = arith.addf %scan3A_1145, %mul3A_1160 : vector<16xf32>
        %add3A_1162 = arith.constant 78 : i32
        %add3A_1163 = arith.addi %add3A_1162, %scan3A_1136 : i32
        %get3A_1164 = arith.index_cast %add3A_1163 : i32 to index
        %get3A_1165 = arith.constant 16 : index
        %get3A_1166 = tpu.vector_load %arg8[%get3A_1164, %get3A_1165] {strides = array<i32>} : memref<104x128xf32, #tpu.memory_space<vmem>>, vector<1x16xf32>,
        %get3A_1167 = vector.shape_cast %get3A_1166 : vector<1x16xf32> to vector<16xf32>
        %add3A_1168 = arith.addf %scan3A_1138, %get3A_1167 : vector<16xf32>
        %mul3A_1169 = arith.mulf %get3A_1167, %get3A_1167 : vector<16xf32>
        %add3A_1170 = arith.addf %scan3A_1146, %mul3A_1169 : vector<16xf32>
        %add3A_1171 = arith.constant 78 : i32
        %add3A_1172 = arith.addi %add3A_1171, %scan3A_1136 : i32
        %get3A_1173 = arith.index_cast %add3A_1172 : i32 to index
        %get3A_1174 = arith.constant 32 : index
        %get3A_1175 = tpu.vector_load %arg8[%get3A_1173, %get3A_1174] {strides = array<i32>} : memref<104x128xf32, #tpu.memory_space<vmem>>, vector<1x16xf32>,
        %get3A_1176 = vector.shape_cast %get3A_1175 : vector<1x16xf32> to vector<16xf32>
        %add3A_1177 = arith.addf %scan3A_1139, %get3A_1176 : vector<16xf32>
        %mul3A_1178 = arith.mulf %get3A_1176, %get3A_1176 : vector<16xf32>
        %add3A_1179 = arith.addf %scan3A_1147, %mul3A_1178 : vector<16xf32>
        %add3A_1180 = arith.constant 78 : i32
        %add3A_1181 = arith.addi %add3A_1180, %scan3A_1136 : i32
        %get3A_1182 = arith.index_cast %add3A_1181 : i32 to index
        %get3A_1183 = arith.constant 48 : index
        %get3A_1184 = tpu.vector_load %arg8[%get3A_1182, %get3A_1183] {strides = array<i32>} : memref<104x128xf32, #tpu.memory_space<vmem>>, vector<1x16xf32>,
        %get3A_1185 = vector.shape_cast %get3A_1184 : vector<1x16xf32> to vector<16xf32>
        %add3A_1186 = arith.addf %scan3A_1140, %get3A_1185 : vector<16xf32>
        %mul3A_1187 = arith.mulf %get3A_1185, %get3A_1185 : vector<16xf32>
        %add3A_1188 = arith.addf %scan3A_1148, %mul3A_1187 : vector<16xf32>
        %add3A_1189 = arith.constant 78 : i32
        %add3A_1190 = arith.addi %add3A_1189, %scan3A_1136 : i32
        %get3A_1191 = arith.index_cast %add3A_1190 : i32 to index
        %get3A_1192 = arith.constant 64 : index
        %get3A_1193 = tpu.vector_load %arg8[%get3A_1191, %get3A_1192] {strides = array<i32>} : memref<104x128xf32, #tpu.memory_space<vmem>>, vector<1x16xf32>,
        %get3A_1194 = vector.shape_cast %get3A_1193 : vector<1x16xf32> to vector<16xf32>
        %add3A_1195 = arith.addf %scan3A_1141, %get3A_1194 : vector<16xf32>
        %mul3A_1196 = arith.mulf %get3A_1194, %get3A_1194 : vector<16xf32>
        %add3A_1197 = arith.addf %scan3A_1149, %mul3A_1196 : vector<16xf32>
        %add3A_1198 = arith.constant 78 : i32
        %add3A_1199 = arith.addi %add3A_1198, %scan3A_1136 : i32
        %get3A_1200 = arith.index_cast %add3A_1199 : i32 to index
        %get3A_1201 = arith.constant 80 : index
        %get3A_1202 = tpu.vector_load %arg8[%get3A_1200, %get3A_1201] {strides = array<i32>} : memref<104x128xf32, #tpu.memory_space<vmem>>, vector<1x16xf32>,
        %get3A_1203 = vector.shape_cast %get3A_1202 : vector<1x16xf32> to vector<16xf32>
        %add3A_1204 = arith.addf %scan3A_1142, %get3A_1203 : vector<16xf32>
        %mul3A_1205 = arith.mulf %get3A_1203, %get3A_1203 : vector<16xf32>
        %add3A_1206 = arith.addf %scan3A_1150, %mul3A_1205 : vector<16xf32>
        %add3A_1207 = arith.constant 78 : i32
        %add3A_1208 = arith.addi %add3A_1207, %scan3A_1136 : i32
        %get3A_1209 = arith.index_cast %add3A_1208 : i32 to index
        %get3A_1210 = arith.constant 96 : index
        %get3A_1211 = tpu.vector_load %arg8[%get3A_1209, %get3A_1210] {strides = array<i32>} : memref<104x128xf32, #tpu.memory_space<vmem>>, vector<1x16xf32>,
        %get3A_1212 = vector.shape_cast %get3A_1211 : vector<1x16xf32> to vector<16xf32>
        %add3A_1213 = arith.addf %scan3A_1143, %get3A_1212 : vector<16xf32>
        %mul3A_1214 = arith.mulf %get3A_1212, %get3A_1212 : vector<16xf32>
        %add3A_1215 = arith.addf %scan3A_1151, %mul3A_1214 : vector<16xf32>
        %add3A_1216 = arith.constant 78 : i32
        %add3A_1217 = arith.addi %add3A_1216, %scan3A_1136 : i32
        %get3A_1218 = arith.index_cast %add3A_1217 : i32 to index
        %get3A_1219 = arith.constant 112 : index
        %get3A_1220 = tpu.vector_load %arg8[%get3A_1218, %get3A_1219] {strides = array<i32>} : memref<104x128xf32, #tpu.memory_space<vmem>>, vector<1x16xf32>,
        %get3A_1221 = vector.shape_cast %get3A_1220 : vector<1x16xf32> to vector<16xf32>
        %add3A_1222 = arith.addf %scan3A_1144, %get3A_1221 : vector<16xf32>
        %mul3A_1223 = arith.mulf %get3A_1221, %get3A_1221 : vector<16xf32>
        %add3A_1224 = arith.addf %scan3A_1152, %mul3A_1223 : vector<16xf32>
        scf.yield %add3A_1159, %add3A_1168, %add3A_1177, %add3A_1186, %add3A_1195, %add3A_1204, %add3A_1213, %add3A_1222, %add3A_1161, %add3A_1170, %add3A_1179, %add3A_1188, %add3A_1197, %add3A_1206, %add3A_1215, %add3A_1224 : vector<16xf32>, vector<16xf32>, vector<16xf32>, vector<16xf32>, vector<16xf32>, vector<16xf32>, vector<16xf32>, vector<16xf32>, vector<16xf32>, vector<16xf32>, vector<16xf32>, vector<16xf32>, vector<16xf32>, vector<16xf32>, vector<16xf32>, vector<16xf32>
      }
      %scan3A_559 = arith.constant 26 : i32
      %mul3A_560 = arith.mulf %scan3A_558#0, %scan3A_558#0 : vector<16xf32>
      %sub3A_561 = arith.subf %mul3A_560, %scan3A_558#8 : vector<16xf32>
      %mul3A_562 = arith.mulf %scan3A_558#1, %scan3A_558#1 : vector<16xf32>
      %sub3A_563 = arith.subf %mul3A_562, %scan3A_558#9 : vector<16xf32>
      %add3A_564 = arith.addf %sub3A_561, %sub3A_563 : vector<16xf32>
      %mul3A_565 = arith.mulf %scan3A_558#2, %scan3A_558#2 : vector<16xf32>
      %sub3A_566 = arith.subf %mul3A_565, %scan3A_558#10 : vector<16xf32>
      %add3A_567 = arith.addf %add3A_564, %sub3A_566 : vector<16xf32>
      %mul3A_568 = arith.mulf %scan3A_558#3, %scan3A_558#3 : vector<16xf32>
      %sub3A_569 = arith.subf %mul3A_568, %scan3A_558#11 : vector<16xf32>
      %add3A_570 = arith.addf %add3A_567, %sub3A_569 : vector<16xf32>
      %mul3A_571 = arith.mulf %scan3A_558#4, %scan3A_558#4 : vector<16xf32>
      %sub3A_572 = arith.subf %mul3A_571, %scan3A_558#12 : vector<16xf32>
      %add3A_573 = arith.addf %add3A_570, %sub3A_572 : vector<16xf32>
      %mul3A_574 = arith.mulf %scan3A_558#5, %scan3A_558#5 : vector<16xf32>
      %sub3A_575 = arith.subf %mul3A_574, %scan3A_558#13 : vector<16xf32>
      %add3A_576 = arith.addf %add3A_573, %sub3A_575 : vector<16xf32>
      %mul3A_577 = arith.mulf %scan3A_558#6, %scan3A_558#6 : vector<16xf32>
      %sub3A_578 = arith.subf %mul3A_577, %scan3A_558#14 : vector<16xf32>
      %add3A_579 = arith.addf %add3A_576, %sub3A_578 : vector<16xf32>
      %mul3A_580 = arith.mulf %scan3A_558#7, %scan3A_558#7 : vector<16xf32>
      %sub3A_581 = arith.subf %mul3A_580, %scan3A_558#15 : vector<16xf32>
      %add3A_582 = arith.addf %add3A_579, %sub3A_581 : vector<16xf32>
      %get3A_583 = arith.constant 96 : index
      %get3A_584 = tpu.vector_load %arg10[%get3A_583] {strides = array<i32>} : memref<128xf32, #tpu.memory_space<vmem>>, vector<16xf32>,
      %get3A_585 = vector.shape_cast %get3A_584 : vector<16xf32> to vector<16xf32>
      %get3A_586 = arith.constant 112 : index
      %get3A_587 = tpu.vector_load %arg10[%get3A_586] {strides = array<i32>} : memref<128xf32, #tpu.memory_space<vmem>>, vector<16xf32>,
      %get3A_588 = vector.shape_cast %get3A_587 : vector<16xf32> to vector<16xf32>
      %lt3A_589 = arith.constant 10 : i32
      %lt3A_590 = vector.broadcast %lt3A_589 : i32 to vector<16xi32>
      %lt3A_591 = arith.cmpi slt, %iota3A, %lt3A_590 : vector<16xi32>
      %jit3A_592 = arith.constant 0.000000e+00 : f32
      %broadcast_in_dim3A_593 = vector.broadcast %jit3A_592 : f32 to vector<16xf32>
      %select_n3A_594 = arith.select %lt3A_591, %get3A_588, %broadcast_in_dim3A_593 : vector<16xi1>, vector<16xf32>
      %mul3A_595 = arith.constant 5.000000e-01 : f32
      %mul3A_596 = vector.broadcast %mul3A_595 : f32 to vector<16xf32>
      %mul3A_597 = arith.mulf %mul3A_596, %add3A_582 : vector<16xf32>
      %add3A_598 = arith.addf %mul3A_597, %get3A_585 : vector<16xf32>
      %add3A_599 = arith.addf %add3A_598, %select_n3A_594 : vector<16xf32>
      %lt3A_600 = arith.constant 0 : i32
      %lt3A_601 = vector.broadcast %lt3A_600 : i32 to vector<16xi32>
      %lt3A_602 = arith.cmpi slt, %and3A_12, %lt3A_601 : vector<16xi32>
      %add3A_603 = arith.constant 16 : i32
      %add3A_604 = vector.broadcast %add3A_603 : i32 to vector<16xi32>
      %add3A_605 = arith.addi %and3A_12, %add3A_604 : vector<16xi32>
      %select_n3A_606 = arith.select %lt3A_602, %add3A_605, %and3A_12 : vector<16xi1>, vector<16xi32>
      %broadcast_in_dim3A_607 = vector.shape_cast %select_n3A_606 : vector<16xi32> to vector<16x1xi32>
      %gather3A_608 = vector.shape_cast %broadcast_in_dim3A_607 : vector<16x1xi32> to vector<16xi32>
      %gather3A_609 = tpu.dynamic_gather %add3A_599[%gather3A_608] in [0] : vector<16xf32>, vector<16xi32> -> vector<16xf32>
      %add3A_610 = arith.addf %add3A_599, %gather3A_609 : vector<16xf32>
      %lt3A_611 = arith.constant 0 : i32
      %lt3A_612 = vector.broadcast %lt3A_611 : i32 to vector<16xi32>
      %lt3A_613 = arith.cmpi slt, %and3A_18, %lt3A_612 : vector<16xi32>
      %add3A_614 = arith.constant 16 : i32
      %add3A_615 = vector.broadcast %add3A_614 : i32 to vector<16xi32>
      %add3A_616 = arith.addi %and3A_18, %add3A_615 : vector<16xi32>
      %select_n3A_617 = arith.select %lt3A_613, %add3A_616, %and3A_18 : vector<16xi1>, vector<16xi32>
      %broadcast_in_dim3A_618 = vector.shape_cast %select_n3A_617 : vector<16xi32> to vector<16x1xi32>
      %gather3A_619 = vector.shape_cast %broadcast_in_dim3A_618 : vector<16x1xi32> to vector<16xi32>
      %gather3A_620 = tpu.dynamic_gather %add3A_610[%gather3A_619] in [0] : vector<16xf32>, vector<16xi32> -> vector<16xf32>
      %add3A_621 = arith.addf %add3A_610, %gather3A_620 : vector<16xf32>
      %lt3A_622 = arith.constant 0 : i32
      %lt3A_623 = vector.broadcast %lt3A_622 : i32 to vector<16xi32>
      %lt3A_624 = arith.cmpi slt, %and3A_24, %lt3A_623 : vector<16xi32>
      %add3A_625 = arith.constant 16 : i32
      %add3A_626 = vector.broadcast %add3A_625 : i32 to vector<16xi32>
      %add3A_627 = arith.addi %and3A_24, %add3A_626 : vector<16xi32>
      %select_n3A_628 = arith.select %lt3A_624, %add3A_627, %and3A_24 : vector<16xi1>, vector<16xi32>
      %broadcast_in_dim3A_629 = vector.shape_cast %select_n3A_628 : vector<16xi32> to vector<16x1xi32>
      %gather3A_630 = vector.shape_cast %broadcast_in_dim3A_629 : vector<16x1xi32> to vector<16xi32>
      %gather3A_631 = tpu.dynamic_gather %add3A_621[%gather3A_630] in [0] : vector<16xf32>, vector<16xi32> -> vector<16xf32>
      %add3A_632 = arith.addf %add3A_621, %gather3A_631 : vector<16xf32>
      %lt3A_633 = arith.constant 0 : i32
      %lt3A_634 = vector.broadcast %lt3A_633 : i32 to vector<16xi32>
      %lt3A_635 = arith.cmpi slt, %and3A_30, %lt3A_634 : vector<16xi32>
      %add3A_636 = arith.constant 16 : i32
      %add3A_637 = vector.broadcast %add3A_636 : i32 to vector<16xi32>
      %add3A_638 = arith.addi %and3A_30, %add3A_637 : vector<16xi32>
      %select_n3A_639 = arith.select %lt3A_635, %add3A_638, %and3A_30 : vector<16xi1>, vector<16xi32>
      %broadcast_in_dim3A_640 = vector.shape_cast %select_n3A_639 : vector<16xi32> to vector<16x1xi32>
      %gather3A_641 = vector.shape_cast %broadcast_in_dim3A_640 : vector<16x1xi32> to vector<16xi32>
      %gather3A_642 = tpu.dynamic_gather %add3A_632[%gather3A_641] in [0] : vector<16xf32>, vector<16xi32> -> vector<16xf32>
      %add3A_643 = arith.addf %add3A_632, %gather3A_642 : vector<16xf32>
      %mul3A_644 = arith.constant 4 : i32
      %mul3A_645 = arith.muli %add3A_243, %mul3A_644 : i32
      %add3A_646 = arith.constant 3 : i32
      %add3A_647 = arith.addi %mul3A_645, %add3A_646 : i32
      %rem3A_648 = arith.constant 16 : i32
      %rem3A_649 = arith.remsi %add3A_647, %rem3A_648 : i32
      %eq3A_650 = vector.broadcast %rem3A_649 : i32 to vector<16xi32>
      %eq3A_651 = arith.cmpi eq, %iota3A, %eq3A_650 : vector<16xi32>
      %select_n3A_652 = arith.select %eq3A_651, %add3A_643, %broadcast_in_dim3A_7 : vector<16xi1>, vector<16xf32>
      %add3A_653 = arith.addf %add3A_553, %select_n3A_652 : vector<16xf32>
      %jit3A_654 = arith.constant 4 : i32
      %div3A_655 = arith.divsi %add3A_243, %jit3A_654 : i32
      %sign3A = arith.constant 0 : i32
      %sign3A_656 = arith.cmpi sgt, %add3A_243, %sign3A : i32
      %sign3A_657 = arith.extui %sign3A_656 : i1 to i32
      %sign3A_658 = arith.constant 0 : i32
      %sign3A_659 = arith.cmpi slt, %add3A_243, %sign3A_658 : i32
      %sign3A_660 = arith.extui %sign3A_659 : i1 to i32
      %sign3A_661 = arith.subi %sign3A_657, %sign3A_660 : i32
      %sign3A_662 = arith.constant 0 : i32
      %sign3A_663 = arith.cmpi sgt, %jit3A_654, %sign3A_662 : i32
      %sign3A_664 = arith.extui %sign3A_663 : i1 to i32
      %sign3A_665 = arith.constant 0 : i32
      %sign3A_666 = arith.cmpi slt, %jit3A_654, %sign3A_665 : i32
      %sign3A_667 = arith.extui %sign3A_666 : i1 to i32
      %sign3A_668 = arith.subi %sign3A_664, %sign3A_667 : i32
      %ne3A = arith.cmpi ne, %sign3A_661, %sign3A_668 : i32
      %rem3A_669 = arith.remsi %add3A_243, %jit3A_654 : i32
      %ne3A_670 = arith.constant 0 : i32
      %ne3A_671 = arith.cmpi ne, %rem3A_669, %ne3A_670 : i32
      %and3A_672 = arith.andi %ne3A, %ne3A_671 : i1
      %sub3A_673 = arith.constant 1 : i32
      %sub3A_674 = arith.subi %div3A_655, %sub3A_673 : i32
      %select_n3A_675 = arith.select %and3A_672, %sub3A_674, %div3A_655 : i32
      %mul3A_676 = arith.constant 16 : i32
      %mul3A_677 = arith.muli %select_n3A_675, %mul3A_676 : i32
      %swap3A_678 = arith.index_cast %mul3A_677 : i32 to index
      %swap3A_679 = tpu.vector_load %arg17[%swap3A_678] {strides = array<i32>} : memref<128xf32, #tpu.memory_space<vmem>>, vector<16xf32>,
      %swap3A_680 = vector.shape_cast %swap3A_679 : vector<16xf32> to vector<16xf32>
      %swap3A_681 = vector.shape_cast %add3A_653 : vector<16xf32> to vector<16xf32>
      tpu.vector_store %arg17[%swap3A_678], %swap3A_681 {add = true, strides = array<i32>} : memref<128xf32, #tpu.memory_space<vmem>>, vector<16xf32>,
      %mul3A_682 = arith.constant 2 : i32
      %mul3A_683 = arith.muli %mul3A_682, %scan3A_238 : i32
      %add3A_684 = arith.constant 1 : i32
      %add3A_685 = arith.addi %mul3A_683, %add3A_684 : i32
      %add3A_686 = arith.constant 1 : i32
      %add3A_687 = arith.addi %add3A_685, %add3A_686 : i32
      %lt3A_688 = arith.constant 32 : i32
      %lt3A_689 = arith.cmpi slt, %add3A_687, %lt3A_688 : i32
      %convert_element_type3A_690 = arith.extui %lt3A_689 : i1 to i32
      %cond3A_691 = arith.constant 0 : i32
      %cond3A_692 = arith.cmpi ne, %convert_element_type3A_690, %cond3A_691 : i32
      scf.if %cond3A_692 {
        %add3A_1136 = arith.constant 1 : i32
        %add3A_1137 = arith.addi %add3A_685, %add3A_1136 : i32
        %mul3A_1138 = arith.constant 104 : i32
        %mul3A_1139 = arith.muli %add3A_1137, %mul3A_1138 : i32
        %add3A_1140 = arith.addi %mul3A_4, %mul3A_1139 : i32
        %dma_wait3A_1141 = tpu.memref_slice %arg3[%add3A_1140] : memref<106496xi32, #tpu.memory_space<hbm>> -> memref<104xi32, #tpu.memory_space<hbm>>
        %dma_wait3A_1142 = tpu.memref_slice %arg3[%add3A_1140] : memref<106496xi32, #tpu.memory_space<hbm>> -> memref<104xi32, #tpu.memory_space<hbm>>
        tpu.wait_dma2 semaphore(%arg20 : memref<!tpu.dma_semaphore, #tpu.memory_space<semaphore_mem>>) src(%dma_wait3A_1142 : memref<104xi32, #tpu.memory_space<hbm>>) dst(%arg12 : memref<104xi32, #tpu.memory_space<vmem>>)
        %mul3A_1143 = arith.constant 128 : i32
        %mul3A_1144 = arith.muli %add3A_1137, %mul3A_1143 : i32
        %add3A_1145 = arith.addi %mul3A_6, %mul3A_1144 : i32
        %dma_wait3A_1146 = tpu.memref_slice %arg4[%add3A_1145] : memref<131072xi32, #tpu.memory_space<hbm>> -> memref<128xi32, #tpu.memory_space<hbm>>
        %dma_wait3A_1147 = tpu.memref_slice %arg4[%add3A_1145] : memref<131072xi32, #tpu.memory_space<hbm>> -> memref<128xi32, #tpu.memory_space<hbm>>
        tpu.wait_dma2 semaphore(%arg20 : memref<!tpu.dma_semaphore, #tpu.memory_space<semaphore_mem>>) src(%dma_wait3A_1147 : memref<128xi32, #tpu.memory_space<hbm>>) dst(%arg14 : memref<128xi32, #tpu.memory_space<vmem>>)
        %dma_start3A_1148 = arith.constant 0 : i32
        %dma_start3A_1149 = arith.constant 0 : i32
        %dma_start3A_1150 = tpu.memref_slice %arg2[%dma_start3A_1148, %dma_start3A_1149] : memref<26000x128xf32, #tpu.memory_space<hbm>> -> memref<26000x128xf32, #tpu.memory_space<hbm>>
        tpu.enqueue_indirect_dma source(%dma_start3A_1150 : memref<26000x128xf32, #tpu.memory_space<hbm>>) target(%arg8 : memref<104x128xf32, #tpu.memory_space<vmem>>) offsets(%arg12 : memref<104xi32, #tpu.memory_space<vmem>>) semaphore(%arg18 : memref<!tpu.dma_semaphore, #tpu.memory_space<semaphore_mem>>)
        %dma_start3A_1151 = arith.constant 0 : i32
        %dma_start3A_1152 = tpu.memref_slice %arg5[%dma_start3A_1151] : memref<26000xf32, #tpu.memory_space<hbm>> -> memref<26000xf32, #tpu.memory_space<hbm>>
        tpu.enqueue_indirect_dma source(%dma_start3A_1152 : memref<26000xf32, #tpu.memory_space<hbm>>) target(%arg10 : memref<128xf32, #tpu.memory_space<vmem>>) offsets(%arg14 : memref<128xi32, #tpu.memory_space<vmem>>) semaphore(%arg18 : memref<!tpu.dma_semaphore, #tpu.memory_space<semaphore_mem>>)
      } else {
      }
      %dma_wait3A_693 = arith.constant 0 : i32
      %dma_wait3A_694 = arith.constant 0 : i32
      %dma_wait3A_695 = tpu.memref_slice %arg2[%dma_wait3A_693, %dma_wait3A_694] : memref<26000x128xf32, #tpu.memory_space<hbm>> -> memref<26000x128xf32, #tpu.memory_space<hbm>>
      tpu.wait_indirect_dma semaphore(%arg19 : memref<!tpu.dma_semaphore, #tpu.memory_space<semaphore_mem>>) src(%dma_wait3A_695 : memref<26000x128xf32, #tpu.memory_space<hbm>>) dst(%arg9 : memref<104x128xf32, #tpu.memory_space<vmem>>)
      %dma_wait3A_696 = arith.constant 0 : i32
      %dma_wait3A_697 = tpu.memref_slice %arg5[%dma_wait3A_696] : memref<26000xf32, #tpu.memory_space<hbm>> -> memref<26000xf32, #tpu.memory_space<hbm>>
      tpu.wait_indirect_dma semaphore(%arg19 : memref<!tpu.dma_semaphore, #tpu.memory_space<semaphore_mem>>) src(%dma_wait3A_697 : memref<26000xf32, #tpu.memory_space<hbm>>) dst(%arg11 : memref<128xf32, #tpu.memory_space<vmem>>)
      %add3A_698 = arith.constant 2 : i32
      %add3A_699 = arith.addi %add3A_685, %add3A_698 : i32
      %lt3A_700 = arith.constant 32 : i32
      %lt3A_701 = arith.cmpi slt, %add3A_699, %lt3A_700 : i32
      %convert_element_type3A_702 = arith.extui %lt3A_701 : i1 to i32
      %cond3A_703 = arith.constant 0 : i32
      %cond3A_704 = arith.cmpi ne, %convert_element_type3A_702, %cond3A_703 : i32
      scf.if %cond3A_704 {
        %add3A_1136 = arith.constant 2 : i32
        %add3A_1137 = arith.addi %add3A_685, %add3A_1136 : i32
        %mul3A_1138 = arith.constant 104 : i32
        %mul3A_1139 = arith.muli %add3A_1137, %mul3A_1138 : i32
        %add3A_1140 = arith.addi %mul3A_4, %mul3A_1139 : i32
        %dma_start3A_1141 = tpu.memref_slice %arg3[%add3A_1140] : memref<106496xi32, #tpu.memory_space<hbm>> -> memref<104xi32, #tpu.memory_space<hbm>>
        %dma_start3A_1142 = tpu.memref_slice %arg3[%add3A_1140] : memref<106496xi32, #tpu.memory_space<hbm>> -> memref<104xi32, #tpu.memory_space<hbm>>
        tpu.enqueue_dma source(%dma_start3A_1142 : memref<104xi32, #tpu.memory_space<hbm>>) target(%arg13 : memref<104xi32, #tpu.memory_space<vmem>>) target_semaphore(%arg21 : memref<!tpu.dma_semaphore, #tpu.memory_space<semaphore_mem>>)
        %mul3A_1143 = arith.constant 128 : i32
        %mul3A_1144 = arith.muli %add3A_1137, %mul3A_1143 : i32
        %add3A_1145 = arith.addi %mul3A_6, %mul3A_1144 : i32
        %dma_start3A_1146 = tpu.memref_slice %arg4[%add3A_1145] : memref<131072xi32, #tpu.memory_space<hbm>> -> memref<128xi32, #tpu.memory_space<hbm>>
        %dma_start3A_1147 = tpu.memref_slice %arg4[%add3A_1145] : memref<131072xi32, #tpu.memory_space<hbm>> -> memref<128xi32, #tpu.memory_space<hbm>>
        tpu.enqueue_dma source(%dma_start3A_1147 : memref<128xi32, #tpu.memory_space<hbm>>) target(%arg15 : memref<128xi32, #tpu.memory_space<vmem>>) target_semaphore(%arg21 : memref<!tpu.dma_semaphore, #tpu.memory_space<semaphore_mem>>)
      } else {
      }
      %scan3A_705 = arith.constant 0 : i32
      %scan3A_706 = arith.constant 26 : i32
      %scan3A_707 = arith.addi %scan3A_705, %scan3A_706 : i32
      %scan3A_708 = arith.constant 1 : i32
      %scan3A_709:16 = scf.for %scan3A_1136 = %scan3A_705 to %scan3A_707 step %scan3A_708 iter_args(%scan3A_1137 = %broadcast_in_dim3A_7, %scan3A_1138 = %broadcast_in_dim3A_7, %scan3A_1139 = %broadcast_in_dim3A_7, %scan3A_1140 = %broadcast_in_dim3A_7, %scan3A_1141 = %broadcast_in_dim3A_7, %scan3A_1142 = %broadcast_in_dim3A_7, %scan3A_1143 = %broadcast_in_dim3A_7, %scan3A_1144 = %broadcast_in_dim3A_7, %scan3A_1145 = %broadcast_in_dim3A_7, %scan3A_1146 = %broadcast_in_dim3A_7, %scan3A_1147 = %broadcast_in_dim3A_7, %scan3A_1148 = %broadcast_in_dim3A_7, %scan3A_1149 = %broadcast_in_dim3A_7, %scan3A_1150 = %broadcast_in_dim3A_7, %scan3A_1151 = %broadcast_in_dim3A_7, %scan3A_1152 = %broadcast_in_dim3A_7) -> (vector<16xf32>, vector<16xf32>, vector<16xf32>, vector<16xf32>, vector<16xf32>, vector<16xf32>, vector<16xf32>, vector<16xf32>, vector<16xf32>, vector<16xf32>, vector<16xf32>, vector<16xf32>, vector<16xf32>, vector<16xf32>, vector<16xf32>, vector<16xf32>)  : i32 {
        %add3A_1153 = arith.constant 0 : i32
        %add3A_1154 = arith.addi %add3A_1153, %scan3A_1136 : i32
        %get3A_1155 = arith.index_cast %add3A_1154 : i32 to index
        %get3A_1156 = arith.constant 0 : index
        %get3A_1157 = tpu.vector_load %arg9[%get3A_1155, %get3A_1156] {strides = array<i32>} : memref<104x128xf32, #tpu.memory_space<vmem>>, vector<1x16xf32>,
        %get3A_1158 = vector.shape_cast %get3A_1157 : vector<1x16xf32> to vector<16xf32>
        %add3A_1159 = arith.addf %scan3A_1137, %get3A_1158 : vector<16xf32>
        %mul3A_1160 = arith.mulf %get3A_1158, %get3A_1158 : vector<16xf32>
        %add3A_1161 = arith.addf %scan3A_1145, %mul3A_1160 : vector<16xf32>
        %add3A_1162 = arith.constant 0 : i32
        %add3A_1163 = arith.addi %add3A_1162, %scan3A_1136 : i32
        %get3A_1164 = arith.index_cast %add3A_1163 : i32 to index
        %get3A_1165 = arith.constant 16 : index
        %get3A_1166 = tpu.vector_load %arg9[%get3A_1164, %get3A_1165] {strides = array<i32>} : memref<104x128xf32, #tpu.memory_space<vmem>>, vector<1x16xf32>,
        %get3A_1167 = vector.shape_cast %get3A_1166 : vector<1x16xf32> to vector<16xf32>
        %add3A_1168 = arith.addf %scan3A_1138, %get3A_1167 : vector<16xf32>
        %mul3A_1169 = arith.mulf %get3A_1167, %get3A_1167 : vector<16xf32>
        %add3A_1170 = arith.addf %scan3A_1146, %mul3A_1169 : vector<16xf32>
        %add3A_1171 = arith.constant 0 : i32
        %add3A_1172 = arith.addi %add3A_1171, %scan3A_1136 : i32
        %get3A_1173 = arith.index_cast %add3A_1172 : i32 to index
        %get3A_1174 = arith.constant 32 : index
        %get3A_1175 = tpu.vector_load %arg9[%get3A_1173, %get3A_1174] {strides = array<i32>} : memref<104x128xf32, #tpu.memory_space<vmem>>, vector<1x16xf32>,
        %get3A_1176 = vector.shape_cast %get3A_1175 : vector<1x16xf32> to vector<16xf32>
        %add3A_1177 = arith.addf %scan3A_1139, %get3A_1176 : vector<16xf32>
        %mul3A_1178 = arith.mulf %get3A_1176, %get3A_1176 : vector<16xf32>
        %add3A_1179 = arith.addf %scan3A_1147, %mul3A_1178 : vector<16xf32>
        %add3A_1180 = arith.constant 0 : i32
        %add3A_1181 = arith.addi %add3A_1180, %scan3A_1136 : i32
        %get3A_1182 = arith.index_cast %add3A_1181 : i32 to index
        %get3A_1183 = arith.constant 48 : index
        %get3A_1184 = tpu.vector_load %arg9[%get3A_1182, %get3A_1183] {strides = array<i32>} : memref<104x128xf32, #tpu.memory_space<vmem>>, vector<1x16xf32>,
        %get3A_1185 = vector.shape_cast %get3A_1184 : vector<1x16xf32> to vector<16xf32>
        %add3A_1186 = arith.addf %scan3A_1140, %get3A_1185 : vector<16xf32>
        %mul3A_1187 = arith.mulf %get3A_1185, %get3A_1185 : vector<16xf32>
        %add3A_1188 = arith.addf %scan3A_1148, %mul3A_1187 : vector<16xf32>
        %add3A_1189 = arith.constant 0 : i32
        %add3A_1190 = arith.addi %add3A_1189, %scan3A_1136 : i32
        %get3A_1191 = arith.index_cast %add3A_1190 : i32 to index
        %get3A_1192 = arith.constant 64 : index
        %get3A_1193 = tpu.vector_load %arg9[%get3A_1191, %get3A_1192] {strides = array<i32>} : memref<104x128xf32, #tpu.memory_space<vmem>>, vector<1x16xf32>,
        %get3A_1194 = vector.shape_cast %get3A_1193 : vector<1x16xf32> to vector<16xf32>
        %add3A_1195 = arith.addf %scan3A_1141, %get3A_1194 : vector<16xf32>
        %mul3A_1196 = arith.mulf %get3A_1194, %get3A_1194 : vector<16xf32>
        %add3A_1197 = arith.addf %scan3A_1149, %mul3A_1196 : vector<16xf32>
        %add3A_1198 = arith.constant 0 : i32
        %add3A_1199 = arith.addi %add3A_1198, %scan3A_1136 : i32
        %get3A_1200 = arith.index_cast %add3A_1199 : i32 to index
        %get3A_1201 = arith.constant 80 : index
        %get3A_1202 = tpu.vector_load %arg9[%get3A_1200, %get3A_1201] {strides = array<i32>} : memref<104x128xf32, #tpu.memory_space<vmem>>, vector<1x16xf32>,
        %get3A_1203 = vector.shape_cast %get3A_1202 : vector<1x16xf32> to vector<16xf32>
        %add3A_1204 = arith.addf %scan3A_1142, %get3A_1203 : vector<16xf32>
        %mul3A_1205 = arith.mulf %get3A_1203, %get3A_1203 : vector<16xf32>
        %add3A_1206 = arith.addf %scan3A_1150, %mul3A_1205 : vector<16xf32>
        %add3A_1207 = arith.constant 0 : i32
        %add3A_1208 = arith.addi %add3A_1207, %scan3A_1136 : i32
        %get3A_1209 = arith.index_cast %add3A_1208 : i32 to index
        %get3A_1210 = arith.constant 96 : index
        %get3A_1211 = tpu.vector_load %arg9[%get3A_1209, %get3A_1210] {strides = array<i32>} : memref<104x128xf32, #tpu.memory_space<vmem>>, vector<1x16xf32>,
        %get3A_1212 = vector.shape_cast %get3A_1211 : vector<1x16xf32> to vector<16xf32>
        %add3A_1213 = arith.addf %scan3A_1143, %get3A_1212 : vector<16xf32>
        %mul3A_1214 = arith.mulf %get3A_1212, %get3A_1212 : vector<16xf32>
        %add3A_1215 = arith.addf %scan3A_1151, %mul3A_1214 : vector<16xf32>
        %add3A_1216 = arith.constant 0 : i32
        %add3A_1217 = arith.addi %add3A_1216, %scan3A_1136 : i32
        %get3A_1218 = arith.index_cast %add3A_1217 : i32 to index
        %get3A_1219 = arith.constant 112 : index
        %get3A_1220 = tpu.vector_load %arg9[%get3A_1218, %get3A_1219] {strides = array<i32>} : memref<104x128xf32, #tpu.memory_space<vmem>>, vector<1x16xf32>,
        %get3A_1221 = vector.shape_cast %get3A_1220 : vector<1x16xf32> to vector<16xf32>
        %add3A_1222 = arith.addf %scan3A_1144, %get3A_1221 : vector<16xf32>
        %mul3A_1223 = arith.mulf %get3A_1221, %get3A_1221 : vector<16xf32>
        %add3A_1224 = arith.addf %scan3A_1152, %mul3A_1223 : vector<16xf32>
        scf.yield %add3A_1159, %add3A_1168, %add3A_1177, %add3A_1186, %add3A_1195, %add3A_1204, %add3A_1213, %add3A_1222, %add3A_1161, %add3A_1170, %add3A_1179, %add3A_1188, %add3A_1197, %add3A_1206, %add3A_1215, %add3A_1224 : vector<16xf32>, vector<16xf32>, vector<16xf32>, vector<16xf32>, vector<16xf32>, vector<16xf32>, vector<16xf32>, vector<16xf32>, vector<16xf32>, vector<16xf32>, vector<16xf32>, vector<16xf32>, vector<16xf32>, vector<16xf32>, vector<16xf32>, vector<16xf32>
      }
      %scan3A_710 = arith.constant 26 : i32
      %mul3A_711 = arith.mulf %scan3A_709#0, %scan3A_709#0 : vector<16xf32>
      %sub3A_712 = arith.subf %mul3A_711, %scan3A_709#8 : vector<16xf32>
      %mul3A_713 = arith.mulf %scan3A_709#1, %scan3A_709#1 : vector<16xf32>
      %sub3A_714 = arith.subf %mul3A_713, %scan3A_709#9 : vector<16xf32>
      %add3A_715 = arith.addf %sub3A_712, %sub3A_714 : vector<16xf32>
      %mul3A_716 = arith.mulf %scan3A_709#2, %scan3A_709#2 : vector<16xf32>
      %sub3A_717 = arith.subf %mul3A_716, %scan3A_709#10 : vector<16xf32>
      %add3A_718 = arith.addf %add3A_715, %sub3A_717 : vector<16xf32>
      %mul3A_719 = arith.mulf %scan3A_709#3, %scan3A_709#3 : vector<16xf32>
      %sub3A_720 = arith.subf %mul3A_719, %scan3A_709#11 : vector<16xf32>
      %add3A_721 = arith.addf %add3A_718, %sub3A_720 : vector<16xf32>
      %mul3A_722 = arith.mulf %scan3A_709#4, %scan3A_709#4 : vector<16xf32>
      %sub3A_723 = arith.subf %mul3A_722, %scan3A_709#12 : vector<16xf32>
      %add3A_724 = arith.addf %add3A_721, %sub3A_723 : vector<16xf32>
      %mul3A_725 = arith.mulf %scan3A_709#5, %scan3A_709#5 : vector<16xf32>
      %sub3A_726 = arith.subf %mul3A_725, %scan3A_709#13 : vector<16xf32>
      %add3A_727 = arith.addf %add3A_724, %sub3A_726 : vector<16xf32>
      %mul3A_728 = arith.mulf %scan3A_709#6, %scan3A_709#6 : vector<16xf32>
      %sub3A_729 = arith.subf %mul3A_728, %scan3A_709#14 : vector<16xf32>
      %add3A_730 = arith.addf %add3A_727, %sub3A_729 : vector<16xf32>
      %mul3A_731 = arith.mulf %scan3A_709#7, %scan3A_709#7 : vector<16xf32>
      %sub3A_732 = arith.subf %mul3A_731, %scan3A_709#15 : vector<16xf32>
      %add3A_733 = arith.addf %add3A_730, %sub3A_732 : vector<16xf32>
      %get3A_734 = arith.constant 0 : index
      %get3A_735 = tpu.vector_load %arg11[%get3A_734] {strides = array<i32>} : memref<128xf32, #tpu.memory_space<vmem>>, vector<16xf32>,
      %get3A_736 = vector.shape_cast %get3A_735 : vector<16xf32> to vector<16xf32>
      %get3A_737 = arith.constant 16 : index
      %get3A_738 = tpu.vector_load %arg11[%get3A_737] {strides = array<i32>} : memref<128xf32, #tpu.memory_space<vmem>>, vector<16xf32>,
      %get3A_739 = vector.shape_cast %get3A_738 : vector<16xf32> to vector<16xf32>
      %lt3A_740 = arith.constant 10 : i32
      %lt3A_741 = vector.broadcast %lt3A_740 : i32 to vector<16xi32>
      %lt3A_742 = arith.cmpi slt, %iota3A, %lt3A_741 : vector<16xi32>
      %jit3A_743 = arith.constant 0.000000e+00 : f32
      %broadcast_in_dim3A_744 = vector.broadcast %jit3A_743 : f32 to vector<16xf32>
      %select_n3A_745 = arith.select %lt3A_742, %get3A_739, %broadcast_in_dim3A_744 : vector<16xi1>, vector<16xf32>
      %mul3A_746 = arith.constant 5.000000e-01 : f32
      %mul3A_747 = vector.broadcast %mul3A_746 : f32 to vector<16xf32>
      %mul3A_748 = arith.mulf %mul3A_747, %add3A_733 : vector<16xf32>
      %add3A_749 = arith.addf %mul3A_748, %get3A_736 : vector<16xf32>
      %add3A_750 = arith.addf %add3A_749, %select_n3A_745 : vector<16xf32>
      %lt3A_751 = arith.constant 0 : i32
      %lt3A_752 = vector.broadcast %lt3A_751 : i32 to vector<16xi32>
      %lt3A_753 = arith.cmpi slt, %and3A_12, %lt3A_752 : vector<16xi32>
      %add3A_754 = arith.constant 16 : i32
      %add3A_755 = vector.broadcast %add3A_754 : i32 to vector<16xi32>
      %add3A_756 = arith.addi %and3A_12, %add3A_755 : vector<16xi32>
      %select_n3A_757 = arith.select %lt3A_753, %add3A_756, %and3A_12 : vector<16xi1>, vector<16xi32>
      %broadcast_in_dim3A_758 = vector.shape_cast %select_n3A_757 : vector<16xi32> to vector<16x1xi32>
      %gather3A_759 = vector.shape_cast %broadcast_in_dim3A_758 : vector<16x1xi32> to vector<16xi32>
      %gather3A_760 = tpu.dynamic_gather %add3A_750[%gather3A_759] in [0] : vector<16xf32>, vector<16xi32> -> vector<16xf32>
      %add3A_761 = arith.addf %add3A_750, %gather3A_760 : vector<16xf32>
      %lt3A_762 = arith.constant 0 : i32
      %lt3A_763 = vector.broadcast %lt3A_762 : i32 to vector<16xi32>
      %lt3A_764 = arith.cmpi slt, %and3A_18, %lt3A_763 : vector<16xi32>
      %add3A_765 = arith.constant 16 : i32
      %add3A_766 = vector.broadcast %add3A_765 : i32 to vector<16xi32>
      %add3A_767 = arith.addi %and3A_18, %add3A_766 : vector<16xi32>
      %select_n3A_768 = arith.select %lt3A_764, %add3A_767, %and3A_18 : vector<16xi1>, vector<16xi32>
      %broadcast_in_dim3A_769 = vector.shape_cast %select_n3A_768 : vector<16xi32> to vector<16x1xi32>
      %gather3A_770 = vector.shape_cast %broadcast_in_dim3A_769 : vector<16x1xi32> to vector<16xi32>
      %gather3A_771 = tpu.dynamic_gather %add3A_761[%gather3A_770] in [0] : vector<16xf32>, vector<16xi32> -> vector<16xf32>
      %add3A_772 = arith.addf %add3A_761, %gather3A_771 : vector<16xf32>
      %lt3A_773 = arith.constant 0 : i32
      %lt3A_774 = vector.broadcast %lt3A_773 : i32 to vector<16xi32>
      %lt3A_775 = arith.cmpi slt, %and3A_24, %lt3A_774 : vector<16xi32>
      %add3A_776 = arith.constant 16 : i32
      %add3A_777 = vector.broadcast %add3A_776 : i32 to vector<16xi32>
      %add3A_778 = arith.addi %and3A_24, %add3A_777 : vector<16xi32>
      %select_n3A_779 = arith.select %lt3A_775, %add3A_778, %and3A_24 : vector<16xi1>, vector<16xi32>
      %broadcast_in_dim3A_780 = vector.shape_cast %select_n3A_779 : vector<16xi32> to vector<16x1xi32>
      %gather3A_781 = vector.shape_cast %broadcast_in_dim3A_780 : vector<16x1xi32> to vector<16xi32>
      %gather3A_782 = tpu.dynamic_gather %add3A_772[%gather3A_781] in [0] : vector<16xf32>, vector<16xi32> -> vector<16xf32>
      %add3A_783 = arith.addf %add3A_772, %gather3A_782 : vector<16xf32>
      %lt3A_784 = arith.constant 0 : i32
      %lt3A_785 = vector.broadcast %lt3A_784 : i32 to vector<16xi32>
      %lt3A_786 = arith.cmpi slt, %and3A_30, %lt3A_785 : vector<16xi32>
      %add3A_787 = arith.constant 16 : i32
      %add3A_788 = vector.broadcast %add3A_787 : i32 to vector<16xi32>
      %add3A_789 = arith.addi %and3A_30, %add3A_788 : vector<16xi32>
      %select_n3A_790 = arith.select %lt3A_786, %add3A_789, %and3A_30 : vector<16xi1>, vector<16xi32>
      %broadcast_in_dim3A_791 = vector.shape_cast %select_n3A_790 : vector<16xi32> to vector<16x1xi32>
      %gather3A_792 = vector.shape_cast %broadcast_in_dim3A_791 : vector<16x1xi32> to vector<16xi32>
      %gather3A_793 = tpu.dynamic_gather %add3A_783[%gather3A_792] in [0] : vector<16xf32>, vector<16xi32> -> vector<16xf32>
      %add3A_794 = arith.addf %add3A_783, %gather3A_793 : vector<16xf32>
      %mul3A_795 = arith.constant 4 : i32
      %mul3A_796 = arith.muli %add3A_685, %mul3A_795 : i32
      %add3A_797 = arith.constant 0 : i32
      %add3A_798 = arith.addi %mul3A_796, %add3A_797 : i32
      %rem3A_799 = arith.constant 16 : i32
      %rem3A_800 = arith.remsi %add3A_798, %rem3A_799 : i32
      %eq3A_801 = vector.broadcast %rem3A_800 : i32 to vector<16xi32>
      %eq3A_802 = arith.cmpi eq, %iota3A, %eq3A_801 : vector<16xi32>
      %select_n3A_803 = arith.select %eq3A_802, %add3A_794, %broadcast_in_dim3A_7 : vector<16xi1>, vector<16xf32>
      %add3A_804 = arith.addf %broadcast_in_dim3A_7, %select_n3A_803 : vector<16xf32>
      %scan3A_805 = arith.constant 0 : i32
      %scan3A_806 = arith.constant 26 : i32
      %scan3A_807 = arith.addi %scan3A_805, %scan3A_806 : i32
      %scan3A_808 = arith.constant 1 : i32
      %scan3A_809:16 = scf.for %scan3A_1136 = %scan3A_805 to %scan3A_807 step %scan3A_808 iter_args(%scan3A_1137 = %broadcast_in_dim3A_7, %scan3A_1138 = %broadcast_in_dim3A_7, %scan3A_1139 = %broadcast_in_dim3A_7, %scan3A_1140 = %broadcast_in_dim3A_7, %scan3A_1141 = %broadcast_in_dim3A_7, %scan3A_1142 = %broadcast_in_dim3A_7, %scan3A_1143 = %broadcast_in_dim3A_7, %scan3A_1144 = %broadcast_in_dim3A_7, %scan3A_1145 = %broadcast_in_dim3A_7, %scan3A_1146 = %broadcast_in_dim3A_7, %scan3A_1147 = %broadcast_in_dim3A_7, %scan3A_1148 = %broadcast_in_dim3A_7, %scan3A_1149 = %broadcast_in_dim3A_7, %scan3A_1150 = %broadcast_in_dim3A_7, %scan3A_1151 = %broadcast_in_dim3A_7, %scan3A_1152 = %broadcast_in_dim3A_7) -> (vector<16xf32>, vector<16xf32>, vector<16xf32>, vector<16xf32>, vector<16xf32>, vector<16xf32>, vector<16xf32>, vector<16xf32>, vector<16xf32>, vector<16xf32>, vector<16xf32>, vector<16xf32>, vector<16xf32>, vector<16xf32>, vector<16xf32>, vector<16xf32>)  : i32 {
        %add3A_1153 = arith.constant 26 : i32
        %add3A_1154 = arith.addi %add3A_1153, %scan3A_1136 : i32
        %get3A_1155 = arith.index_cast %add3A_1154 : i32 to index
        %get3A_1156 = arith.constant 0 : index
        %get3A_1157 = tpu.vector_load %arg9[%get3A_1155, %get3A_1156] {strides = array<i32>} : memref<104x128xf32, #tpu.memory_space<vmem>>, vector<1x16xf32>,
        %get3A_1158 = vector.shape_cast %get3A_1157 : vector<1x16xf32> to vector<16xf32>
        %add3A_1159 = arith.addf %scan3A_1137, %get3A_1158 : vector<16xf32>
        %mul3A_1160 = arith.mulf %get3A_1158, %get3A_1158 : vector<16xf32>
        %add3A_1161 = arith.addf %scan3A_1145, %mul3A_1160 : vector<16xf32>
        %add3A_1162 = arith.constant 26 : i32
        %add3A_1163 = arith.addi %add3A_1162, %scan3A_1136 : i32
        %get3A_1164 = arith.index_cast %add3A_1163 : i32 to index
        %get3A_1165 = arith.constant 16 : index
        %get3A_1166 = tpu.vector_load %arg9[%get3A_1164, %get3A_1165] {strides = array<i32>} : memref<104x128xf32, #tpu.memory_space<vmem>>, vector<1x16xf32>,
        %get3A_1167 = vector.shape_cast %get3A_1166 : vector<1x16xf32> to vector<16xf32>
        %add3A_1168 = arith.addf %scan3A_1138, %get3A_1167 : vector<16xf32>
        %mul3A_1169 = arith.mulf %get3A_1167, %get3A_1167 : vector<16xf32>
        %add3A_1170 = arith.addf %scan3A_1146, %mul3A_1169 : vector<16xf32>
        %add3A_1171 = arith.constant 26 : i32
        %add3A_1172 = arith.addi %add3A_1171, %scan3A_1136 : i32
        %get3A_1173 = arith.index_cast %add3A_1172 : i32 to index
        %get3A_1174 = arith.constant 32 : index
        %get3A_1175 = tpu.vector_load %arg9[%get3A_1173, %get3A_1174] {strides = array<i32>} : memref<104x128xf32, #tpu.memory_space<vmem>>, vector<1x16xf32>,
        %get3A_1176 = vector.shape_cast %get3A_1175 : vector<1x16xf32> to vector<16xf32>
        %add3A_1177 = arith.addf %scan3A_1139, %get3A_1176 : vector<16xf32>
        %mul3A_1178 = arith.mulf %get3A_1176, %get3A_1176 : vector<16xf32>
        %add3A_1179 = arith.addf %scan3A_1147, %mul3A_1178 : vector<16xf32>
        %add3A_1180 = arith.constant 26 : i32
        %add3A_1181 = arith.addi %add3A_1180, %scan3A_1136 : i32
        %get3A_1182 = arith.index_cast %add3A_1181 : i32 to index
        %get3A_1183 = arith.constant 48 : index
        %get3A_1184 = tpu.vector_load %arg9[%get3A_1182, %get3A_1183] {strides = array<i32>} : memref<104x128xf32, #tpu.memory_space<vmem>>, vector<1x16xf32>,
        %get3A_1185 = vector.shape_cast %get3A_1184 : vector<1x16xf32> to vector<16xf32>
        %add3A_1186 = arith.addf %scan3A_1140, %get3A_1185 : vector<16xf32>
        %mul3A_1187 = arith.mulf %get3A_1185, %get3A_1185 : vector<16xf32>
        %add3A_1188 = arith.addf %scan3A_1148, %mul3A_1187 : vector<16xf32>
        %add3A_1189 = arith.constant 26 : i32
        %add3A_1190 = arith.addi %add3A_1189, %scan3A_1136 : i32
        %get3A_1191 = arith.index_cast %add3A_1190 : i32 to index
        %get3A_1192 = arith.constant 64 : index
        %get3A_1193 = tpu.vector_load %arg9[%get3A_1191, %get3A_1192] {strides = array<i32>} : memref<104x128xf32, #tpu.memory_space<vmem>>, vector<1x16xf32>,
        %get3A_1194 = vector.shape_cast %get3A_1193 : vector<1x16xf32> to vector<16xf32>
        %add3A_1195 = arith.addf %scan3A_1141, %get3A_1194 : vector<16xf32>
        %mul3A_1196 = arith.mulf %get3A_1194, %get3A_1194 : vector<16xf32>
        %add3A_1197 = arith.addf %scan3A_1149, %mul3A_1196 : vector<16xf32>
        %add3A_1198 = arith.constant 26 : i32
        %add3A_1199 = arith.addi %add3A_1198, %scan3A_1136 : i32
        %get3A_1200 = arith.index_cast %add3A_1199 : i32 to index
        %get3A_1201 = arith.constant 80 : index
        %get3A_1202 = tpu.vector_load %arg9[%get3A_1200, %get3A_1201] {strides = array<i32>} : memref<104x128xf32, #tpu.memory_space<vmem>>, vector<1x16xf32>,
        %get3A_1203 = vector.shape_cast %get3A_1202 : vector<1x16xf32> to vector<16xf32>
        %add3A_1204 = arith.addf %scan3A_1142, %get3A_1203 : vector<16xf32>
        %mul3A_1205 = arith.mulf %get3A_1203, %get3A_1203 : vector<16xf32>
        %add3A_1206 = arith.addf %scan3A_1150, %mul3A_1205 : vector<16xf32>
        %add3A_1207 = arith.constant 26 : i32
        %add3A_1208 = arith.addi %add3A_1207, %scan3A_1136 : i32
        %get3A_1209 = arith.index_cast %add3A_1208 : i32 to index
        %get3A_1210 = arith.constant 96 : index
        %get3A_1211 = tpu.vector_load %arg9[%get3A_1209, %get3A_1210] {strides = array<i32>} : memref<104x128xf32, #tpu.memory_space<vmem>>, vector<1x16xf32>,
        %get3A_1212 = vector.shape_cast %get3A_1211 : vector<1x16xf32> to vector<16xf32>
        %add3A_1213 = arith.addf %scan3A_1143, %get3A_1212 : vector<16xf32>
        %mul3A_1214 = arith.mulf %get3A_1212, %get3A_1212 : vector<16xf32>
        %add3A_1215 = arith.addf %scan3A_1151, %mul3A_1214 : vector<16xf32>
        %add3A_1216 = arith.constant 26 : i32
        %add3A_1217 = arith.addi %add3A_1216, %scan3A_1136 : i32
        %get3A_1218 = arith.index_cast %add3A_1217 : i32 to index
        %get3A_1219 = arith.constant 112 : index
        %get3A_1220 = tpu.vector_load %arg9[%get3A_1218, %get3A_1219] {strides = array<i32>} : memref<104x128xf32, #tpu.memory_space<vmem>>, vector<1x16xf32>,
        %get3A_1221 = vector.shape_cast %get3A_1220 : vector<1x16xf32> to vector<16xf32>
        %add3A_1222 = arith.addf %scan3A_1144, %get3A_1221 : vector<16xf32>
        %mul3A_1223 = arith.mulf %get3A_1221, %get3A_1221 : vector<16xf32>
        %add3A_1224 = arith.addf %scan3A_1152, %mul3A_1223 : vector<16xf32>
        scf.yield %add3A_1159, %add3A_1168, %add3A_1177, %add3A_1186, %add3A_1195, %add3A_1204, %add3A_1213, %add3A_1222, %add3A_1161, %add3A_1170, %add3A_1179, %add3A_1188, %add3A_1197, %add3A_1206, %add3A_1215, %add3A_1224 : vector<16xf32>, vector<16xf32>, vector<16xf32>, vector<16xf32>, vector<16xf32>, vector<16xf32>, vector<16xf32>, vector<16xf32>, vector<16xf32>, vector<16xf32>, vector<16xf32>, vector<16xf32>, vector<16xf32>, vector<16xf32>, vector<16xf32>, vector<16xf32>
      }
      %scan3A_810 = arith.constant 26 : i32
      %mul3A_811 = arith.mulf %scan3A_809#0, %scan3A_809#0 : vector<16xf32>
      %sub3A_812 = arith.subf %mul3A_811, %scan3A_809#8 : vector<16xf32>
      %mul3A_813 = arith.mulf %scan3A_809#1, %scan3A_809#1 : vector<16xf32>
      %sub3A_814 = arith.subf %mul3A_813, %scan3A_809#9 : vector<16xf32>
      %add3A_815 = arith.addf %sub3A_812, %sub3A_814 : vector<16xf32>
      %mul3A_816 = arith.mulf %scan3A_809#2, %scan3A_809#2 : vector<16xf32>
      %sub3A_817 = arith.subf %mul3A_816, %scan3A_809#10 : vector<16xf32>
      %add3A_818 = arith.addf %add3A_815, %sub3A_817 : vector<16xf32>
      %mul3A_819 = arith.mulf %scan3A_809#3, %scan3A_809#3 : vector<16xf32>
      %sub3A_820 = arith.subf %mul3A_819, %scan3A_809#11 : vector<16xf32>
      %add3A_821 = arith.addf %add3A_818, %sub3A_820 : vector<16xf32>
      %mul3A_822 = arith.mulf %scan3A_809#4, %scan3A_809#4 : vector<16xf32>
      %sub3A_823 = arith.subf %mul3A_822, %scan3A_809#12 : vector<16xf32>
      %add3A_824 = arith.addf %add3A_821, %sub3A_823 : vector<16xf32>
      %mul3A_825 = arith.mulf %scan3A_809#5, %scan3A_809#5 : vector<16xf32>
      %sub3A_826 = arith.subf %mul3A_825, %scan3A_809#13 : vector<16xf32>
      %add3A_827 = arith.addf %add3A_824, %sub3A_826 : vector<16xf32>
      %mul3A_828 = arith.mulf %scan3A_809#6, %scan3A_809#6 : vector<16xf32>
      %sub3A_829 = arith.subf %mul3A_828, %scan3A_809#14 : vector<16xf32>
      %add3A_830 = arith.addf %add3A_827, %sub3A_829 : vector<16xf32>
      %mul3A_831 = arith.mulf %scan3A_809#7, %scan3A_809#7 : vector<16xf32>
      %sub3A_832 = arith.subf %mul3A_831, %scan3A_809#15 : vector<16xf32>
      %add3A_833 = arith.addf %add3A_830, %sub3A_832 : vector<16xf32>
      %get3A_834 = arith.constant 32 : index
      %get3A_835 = tpu.vector_load %arg11[%get3A_834] {strides = array<i32>} : memref<128xf32, #tpu.memory_space<vmem>>, vector<16xf32>,
      %get3A_836 = vector.shape_cast %get3A_835 : vector<16xf32> to vector<16xf32>
      %get3A_837 = arith.constant 48 : index
      %get3A_838 = tpu.vector_load %arg11[%get3A_837] {strides = array<i32>} : memref<128xf32, #tpu.memory_space<vmem>>, vector<16xf32>,
      %get3A_839 = vector.shape_cast %get3A_838 : vector<16xf32> to vector<16xf32>
      %lt3A_840 = arith.constant 10 : i32
      %lt3A_841 = vector.broadcast %lt3A_840 : i32 to vector<16xi32>
      %lt3A_842 = arith.cmpi slt, %iota3A, %lt3A_841 : vector<16xi32>
      %jit3A_843 = arith.constant 0.000000e+00 : f32
      %broadcast_in_dim3A_844 = vector.broadcast %jit3A_843 : f32 to vector<16xf32>
      %select_n3A_845 = arith.select %lt3A_842, %get3A_839, %broadcast_in_dim3A_844 : vector<16xi1>, vector<16xf32>
      %mul3A_846 = arith.constant 5.000000e-01 : f32
      %mul3A_847 = vector.broadcast %mul3A_846 : f32 to vector<16xf32>
      %mul3A_848 = arith.mulf %mul3A_847, %add3A_833 : vector<16xf32>
      %add3A_849 = arith.addf %mul3A_848, %get3A_836 : vector<16xf32>
      %add3A_850 = arith.addf %add3A_849, %select_n3A_845 : vector<16xf32>
      %lt3A_851 = arith.constant 0 : i32
      %lt3A_852 = vector.broadcast %lt3A_851 : i32 to vector<16xi32>
      %lt3A_853 = arith.cmpi slt, %and3A_12, %lt3A_852 : vector<16xi32>
      %add3A_854 = arith.constant 16 : i32
      %add3A_855 = vector.broadcast %add3A_854 : i32 to vector<16xi32>
      %add3A_856 = arith.addi %and3A_12, %add3A_855 : vector<16xi32>
      %select_n3A_857 = arith.select %lt3A_853, %add3A_856, %and3A_12 : vector<16xi1>, vector<16xi32>
      %broadcast_in_dim3A_858 = vector.shape_cast %select_n3A_857 : vector<16xi32> to vector<16x1xi32>
      %gather3A_859 = vector.shape_cast %broadcast_in_dim3A_858 : vector<16x1xi32> to vector<16xi32>
      %gather3A_860 = tpu.dynamic_gather %add3A_850[%gather3A_859] in [0] : vector<16xf32>, vector<16xi32> -> vector<16xf32>
      %add3A_861 = arith.addf %add3A_850, %gather3A_860 : vector<16xf32>
      %lt3A_862 = arith.constant 0 : i32
      %lt3A_863 = vector.broadcast %lt3A_862 : i32 to vector<16xi32>
      %lt3A_864 = arith.cmpi slt, %and3A_18, %lt3A_863 : vector<16xi32>
      %add3A_865 = arith.constant 16 : i32
      %add3A_866 = vector.broadcast %add3A_865 : i32 to vector<16xi32>
      %add3A_867 = arith.addi %and3A_18, %add3A_866 : vector<16xi32>
      %select_n3A_868 = arith.select %lt3A_864, %add3A_867, %and3A_18 : vector<16xi1>, vector<16xi32>
      %broadcast_in_dim3A_869 = vector.shape_cast %select_n3A_868 : vector<16xi32> to vector<16x1xi32>
      %gather3A_870 = vector.shape_cast %broadcast_in_dim3A_869 : vector<16x1xi32> to vector<16xi32>
      %gather3A_871 = tpu.dynamic_gather %add3A_861[%gather3A_870] in [0] : vector<16xf32>, vector<16xi32> -> vector<16xf32>
      %add3A_872 = arith.addf %add3A_861, %gather3A_871 : vector<16xf32>
      %lt3A_873 = arith.constant 0 : i32
      %lt3A_874 = vector.broadcast %lt3A_873 : i32 to vector<16xi32>
      %lt3A_875 = arith.cmpi slt, %and3A_24, %lt3A_874 : vector<16xi32>
      %add3A_876 = arith.constant 16 : i32
      %add3A_877 = vector.broadcast %add3A_876 : i32 to vector<16xi32>
      %add3A_878 = arith.addi %and3A_24, %add3A_877 : vector<16xi32>
      %select_n3A_879 = arith.select %lt3A_875, %add3A_878, %and3A_24 : vector<16xi1>, vector<16xi32>
      %broadcast_in_dim3A_880 = vector.shape_cast %select_n3A_879 : vector<16xi32> to vector<16x1xi32>
      %gather3A_881 = vector.shape_cast %broadcast_in_dim3A_880 : vector<16x1xi32> to vector<16xi32>
      %gather3A_882 = tpu.dynamic_gather %add3A_872[%gather3A_881] in [0] : vector<16xf32>, vector<16xi32> -> vector<16xf32>
      %add3A_883 = arith.addf %add3A_872, %gather3A_882 : vector<16xf32>
      %lt3A_884 = arith.constant 0 : i32
      %lt3A_885 = vector.broadcast %lt3A_884 : i32 to vector<16xi32>
      %lt3A_886 = arith.cmpi slt, %and3A_30, %lt3A_885 : vector<16xi32>
      %add3A_887 = arith.constant 16 : i32
      %add3A_888 = vector.broadcast %add3A_887 : i32 to vector<16xi32>
      %add3A_889 = arith.addi %and3A_30, %add3A_888 : vector<16xi32>
      %select_n3A_890 = arith.select %lt3A_886, %add3A_889, %and3A_30 : vector<16xi1>, vector<16xi32>
      %broadcast_in_dim3A_891 = vector.shape_cast %select_n3A_890 : vector<16xi32> to vector<16x1xi32>
      %gather3A_892 = vector.shape_cast %broadcast_in_dim3A_891 : vector<16x1xi32> to vector<16xi32>
      %gather3A_893 = tpu.dynamic_gather %add3A_883[%gather3A_892] in [0] : vector<16xf32>, vector<16xi32> -> vector<16xf32>
      %add3A_894 = arith.addf %add3A_883, %gather3A_893 : vector<16xf32>
      %mul3A_895 = arith.constant 4 : i32
      %mul3A_896 = arith.muli %add3A_685, %mul3A_895 : i32
      %add3A_897 = arith.constant 1 : i32
      %add3A_898 = arith.addi %mul3A_896, %add3A_897 : i32
      %rem3A_899 = arith.constant 16 : i32
      %rem3A_900 = arith.remsi %add3A_898, %rem3A_899 : i32
      %eq3A_901 = vector.broadcast %rem3A_900 : i32 to vector<16xi32>
      %eq3A_902 = arith.cmpi eq, %iota3A, %eq3A_901 : vector<16xi32>
      %select_n3A_903 = arith.select %eq3A_902, %add3A_894, %broadcast_in_dim3A_7 : vector<16xi1>, vector<16xf32>
      %add3A_904 = arith.addf %add3A_804, %select_n3A_903 : vector<16xf32>
      %scan3A_905 = arith.constant 0 : i32
      %scan3A_906 = arith.constant 26 : i32
      %scan3A_907 = arith.addi %scan3A_905, %scan3A_906 : i32
      %scan3A_908 = arith.constant 1 : i32
      %scan3A_909:16 = scf.for %scan3A_1136 = %scan3A_905 to %scan3A_907 step %scan3A_908 iter_args(%scan3A_1137 = %broadcast_in_dim3A_7, %scan3A_1138 = %broadcast_in_dim3A_7, %scan3A_1139 = %broadcast_in_dim3A_7, %scan3A_1140 = %broadcast_in_dim3A_7, %scan3A_1141 = %broadcast_in_dim3A_7, %scan3A_1142 = %broadcast_in_dim3A_7, %scan3A_1143 = %broadcast_in_dim3A_7, %scan3A_1144 = %broadcast_in_dim3A_7, %scan3A_1145 = %broadcast_in_dim3A_7, %scan3A_1146 = %broadcast_in_dim3A_7, %scan3A_1147 = %broadcast_in_dim3A_7, %scan3A_1148 = %broadcast_in_dim3A_7, %scan3A_1149 = %broadcast_in_dim3A_7, %scan3A_1150 = %broadcast_in_dim3A_7, %scan3A_1151 = %broadcast_in_dim3A_7, %scan3A_1152 = %broadcast_in_dim3A_7) -> (vector<16xf32>, vector<16xf32>, vector<16xf32>, vector<16xf32>, vector<16xf32>, vector<16xf32>, vector<16xf32>, vector<16xf32>, vector<16xf32>, vector<16xf32>, vector<16xf32>, vector<16xf32>, vector<16xf32>, vector<16xf32>, vector<16xf32>, vector<16xf32>)  : i32 {
        %add3A_1153 = arith.constant 52 : i32
        %add3A_1154 = arith.addi %add3A_1153, %scan3A_1136 : i32
        %get3A_1155 = arith.index_cast %add3A_1154 : i32 to index
        %get3A_1156 = arith.constant 0 : index
        %get3A_1157 = tpu.vector_load %arg9[%get3A_1155, %get3A_1156] {strides = array<i32>} : memref<104x128xf32, #tpu.memory_space<vmem>>, vector<1x16xf32>,
        %get3A_1158 = vector.shape_cast %get3A_1157 : vector<1x16xf32> to vector<16xf32>
        %add3A_1159 = arith.addf %scan3A_1137, %get3A_1158 : vector<16xf32>
        %mul3A_1160 = arith.mulf %get3A_1158, %get3A_1158 : vector<16xf32>
        %add3A_1161 = arith.addf %scan3A_1145, %mul3A_1160 : vector<16xf32>
        %add3A_1162 = arith.constant 52 : i32
        %add3A_1163 = arith.addi %add3A_1162, %scan3A_1136 : i32
        %get3A_1164 = arith.index_cast %add3A_1163 : i32 to index
        %get3A_1165 = arith.constant 16 : index
        %get3A_1166 = tpu.vector_load %arg9[%get3A_1164, %get3A_1165] {strides = array<i32>} : memref<104x128xf32, #tpu.memory_space<vmem>>, vector<1x16xf32>,
        %get3A_1167 = vector.shape_cast %get3A_1166 : vector<1x16xf32> to vector<16xf32>
        %add3A_1168 = arith.addf %scan3A_1138, %get3A_1167 : vector<16xf32>
        %mul3A_1169 = arith.mulf %get3A_1167, %get3A_1167 : vector<16xf32>
        %add3A_1170 = arith.addf %scan3A_1146, %mul3A_1169 : vector<16xf32>
        %add3A_1171 = arith.constant 52 : i32
        %add3A_1172 = arith.addi %add3A_1171, %scan3A_1136 : i32
        %get3A_1173 = arith.index_cast %add3A_1172 : i32 to index
        %get3A_1174 = arith.constant 32 : index
        %get3A_1175 = tpu.vector_load %arg9[%get3A_1173, %get3A_1174] {strides = array<i32>} : memref<104x128xf32, #tpu.memory_space<vmem>>, vector<1x16xf32>,
        %get3A_1176 = vector.shape_cast %get3A_1175 : vector<1x16xf32> to vector<16xf32>
        %add3A_1177 = arith.addf %scan3A_1139, %get3A_1176 : vector<16xf32>
        %mul3A_1178 = arith.mulf %get3A_1176, %get3A_1176 : vector<16xf32>
        %add3A_1179 = arith.addf %scan3A_1147, %mul3A_1178 : vector<16xf32>
        %add3A_1180 = arith.constant 52 : i32
        %add3A_1181 = arith.addi %add3A_1180, %scan3A_1136 : i32
        %get3A_1182 = arith.index_cast %add3A_1181 : i32 to index
        %get3A_1183 = arith.constant 48 : index
        %get3A_1184 = tpu.vector_load %arg9[%get3A_1182, %get3A_1183] {strides = array<i32>} : memref<104x128xf32, #tpu.memory_space<vmem>>, vector<1x16xf32>,
        %get3A_1185 = vector.shape_cast %get3A_1184 : vector<1x16xf32> to vector<16xf32>
        %add3A_1186 = arith.addf %scan3A_1140, %get3A_1185 : vector<16xf32>
        %mul3A_1187 = arith.mulf %get3A_1185, %get3A_1185 : vector<16xf32>
        %add3A_1188 = arith.addf %scan3A_1148, %mul3A_1187 : vector<16xf32>
        %add3A_1189 = arith.constant 52 : i32
        %add3A_1190 = arith.addi %add3A_1189, %scan3A_1136 : i32
        %get3A_1191 = arith.index_cast %add3A_1190 : i32 to index
        %get3A_1192 = arith.constant 64 : index
        %get3A_1193 = tpu.vector_load %arg9[%get3A_1191, %get3A_1192] {strides = array<i32>} : memref<104x128xf32, #tpu.memory_space<vmem>>, vector<1x16xf32>,
        %get3A_1194 = vector.shape_cast %get3A_1193 : vector<1x16xf32> to vector<16xf32>
        %add3A_1195 = arith.addf %scan3A_1141, %get3A_1194 : vector<16xf32>
        %mul3A_1196 = arith.mulf %get3A_1194, %get3A_1194 : vector<16xf32>
        %add3A_1197 = arith.addf %scan3A_1149, %mul3A_1196 : vector<16xf32>
        %add3A_1198 = arith.constant 52 : i32
        %add3A_1199 = arith.addi %add3A_1198, %scan3A_1136 : i32
        %get3A_1200 = arith.index_cast %add3A_1199 : i32 to index
        %get3A_1201 = arith.constant 80 : index
        %get3A_1202 = tpu.vector_load %arg9[%get3A_1200, %get3A_1201] {strides = array<i32>} : memref<104x128xf32, #tpu.memory_space<vmem>>, vector<1x16xf32>,
        %get3A_1203 = vector.shape_cast %get3A_1202 : vector<1x16xf32> to vector<16xf32>
        %add3A_1204 = arith.addf %scan3A_1142, %get3A_1203 : vector<16xf32>
        %mul3A_1205 = arith.mulf %get3A_1203, %get3A_1203 : vector<16xf32>
        %add3A_1206 = arith.addf %scan3A_1150, %mul3A_1205 : vector<16xf32>
        %add3A_1207 = arith.constant 52 : i32
        %add3A_1208 = arith.addi %add3A_1207, %scan3A_1136 : i32
        %get3A_1209 = arith.index_cast %add3A_1208 : i32 to index
        %get3A_1210 = arith.constant 96 : index
        %get3A_1211 = tpu.vector_load %arg9[%get3A_1209, %get3A_1210] {strides = array<i32>} : memref<104x128xf32, #tpu.memory_space<vmem>>, vector<1x16xf32>,
        %get3A_1212 = vector.shape_cast %get3A_1211 : vector<1x16xf32> to vector<16xf32>
        %add3A_1213 = arith.addf %scan3A_1143, %get3A_1212 : vector<16xf32>
        %mul3A_1214 = arith.mulf %get3A_1212, %get3A_1212 : vector<16xf32>
        %add3A_1215 = arith.addf %scan3A_1151, %mul3A_1214 : vector<16xf32>
        %add3A_1216 = arith.constant 52 : i32
        %add3A_1217 = arith.addi %add3A_1216, %scan3A_1136 : i32
        %get3A_1218 = arith.index_cast %add3A_1217 : i32 to index
        %get3A_1219 = arith.constant 112 : index
        %get3A_1220 = tpu.vector_load %arg9[%get3A_1218, %get3A_1219] {strides = array<i32>} : memref<104x128xf32, #tpu.memory_space<vmem>>, vector<1x16xf32>,
        %get3A_1221 = vector.shape_cast %get3A_1220 : vector<1x16xf32> to vector<16xf32>
        %add3A_1222 = arith.addf %scan3A_1144, %get3A_1221 : vector<16xf32>
        %mul3A_1223 = arith.mulf %get3A_1221, %get3A_1221 : vector<16xf32>
        %add3A_1224 = arith.addf %scan3A_1152, %mul3A_1223 : vector<16xf32>
        scf.yield %add3A_1159, %add3A_1168, %add3A_1177, %add3A_1186, %add3A_1195, %add3A_1204, %add3A_1213, %add3A_1222, %add3A_1161, %add3A_1170, %add3A_1179, %add3A_1188, %add3A_1197, %add3A_1206, %add3A_1215, %add3A_1224 : vector<16xf32>, vector<16xf32>, vector<16xf32>, vector<16xf32>, vector<16xf32>, vector<16xf32>, vector<16xf32>, vector<16xf32>, vector<16xf32>, vector<16xf32>, vector<16xf32>, vector<16xf32>, vector<16xf32>, vector<16xf32>, vector<16xf32>, vector<16xf32>
      }
      %scan3A_910 = arith.constant 26 : i32
      %mul3A_911 = arith.mulf %scan3A_909#0, %scan3A_909#0 : vector<16xf32>
      %sub3A_912 = arith.subf %mul3A_911, %scan3A_909#8 : vector<16xf32>
      %mul3A_913 = arith.mulf %scan3A_909#1, %scan3A_909#1 : vector<16xf32>
      %sub3A_914 = arith.subf %mul3A_913, %scan3A_909#9 : vector<16xf32>
      %add3A_915 = arith.addf %sub3A_912, %sub3A_914 : vector<16xf32>
      %mul3A_916 = arith.mulf %scan3A_909#2, %scan3A_909#2 : vector<16xf32>
      %sub3A_917 = arith.subf %mul3A_916, %scan3A_909#10 : vector<16xf32>
      %add3A_918 = arith.addf %add3A_915, %sub3A_917 : vector<16xf32>
      %mul3A_919 = arith.mulf %scan3A_909#3, %scan3A_909#3 : vector<16xf32>
      %sub3A_920 = arith.subf %mul3A_919, %scan3A_909#11 : vector<16xf32>
      %add3A_921 = arith.addf %add3A_918, %sub3A_920 : vector<16xf32>
      %mul3A_922 = arith.mulf %scan3A_909#4, %scan3A_909#4 : vector<16xf32>
      %sub3A_923 = arith.subf %mul3A_922, %scan3A_909#12 : vector<16xf32>
      %add3A_924 = arith.addf %add3A_921, %sub3A_923 : vector<16xf32>
      %mul3A_925 = arith.mulf %scan3A_909#5, %scan3A_909#5 : vector<16xf32>
      %sub3A_926 = arith.subf %mul3A_925, %scan3A_909#13 : vector<16xf32>
      %add3A_927 = arith.addf %add3A_924, %sub3A_926 : vector<16xf32>
      %mul3A_928 = arith.mulf %scan3A_909#6, %scan3A_909#6 : vector<16xf32>
      %sub3A_929 = arith.subf %mul3A_928, %scan3A_909#14 : vector<16xf32>
      %add3A_930 = arith.addf %add3A_927, %sub3A_929 : vector<16xf32>
      %mul3A_931 = arith.mulf %scan3A_909#7, %scan3A_909#7 : vector<16xf32>
      %sub3A_932 = arith.subf %mul3A_931, %scan3A_909#15 : vector<16xf32>
      %add3A_933 = arith.addf %add3A_930, %sub3A_932 : vector<16xf32>
      %get3A_934 = arith.constant 64 : index
      %get3A_935 = tpu.vector_load %arg11[%get3A_934] {strides = array<i32>} : memref<128xf32, #tpu.memory_space<vmem>>, vector<16xf32>,
      %get3A_936 = vector.shape_cast %get3A_935 : vector<16xf32> to vector<16xf32>
      %get3A_937 = arith.constant 80 : index
      %get3A_938 = tpu.vector_load %arg11[%get3A_937] {strides = array<i32>} : memref<128xf32, #tpu.memory_space<vmem>>, vector<16xf32>,
      %get3A_939 = vector.shape_cast %get3A_938 : vector<16xf32> to vector<16xf32>
      %lt3A_940 = arith.constant 10 : i32
      %lt3A_941 = vector.broadcast %lt3A_940 : i32 to vector<16xi32>
      %lt3A_942 = arith.cmpi slt, %iota3A, %lt3A_941 : vector<16xi32>
      %jit3A_943 = arith.constant 0.000000e+00 : f32
      %broadcast_in_dim3A_944 = vector.broadcast %jit3A_943 : f32 to vector<16xf32>
      %select_n3A_945 = arith.select %lt3A_942, %get3A_939, %broadcast_in_dim3A_944 : vector<16xi1>, vector<16xf32>
      %mul3A_946 = arith.constant 5.000000e-01 : f32
      %mul3A_947 = vector.broadcast %mul3A_946 : f32 to vector<16xf32>
      %mul3A_948 = arith.mulf %mul3A_947, %add3A_933 : vector<16xf32>
      %add3A_949 = arith.addf %mul3A_948, %get3A_936 : vector<16xf32>
      %add3A_950 = arith.addf %add3A_949, %select_n3A_945 : vector<16xf32>
      %lt3A_951 = arith.constant 0 : i32
      %lt3A_952 = vector.broadcast %lt3A_951 : i32 to vector<16xi32>
      %lt3A_953 = arith.cmpi slt, %and3A_12, %lt3A_952 : vector<16xi32>
      %add3A_954 = arith.constant 16 : i32
      %add3A_955 = vector.broadcast %add3A_954 : i32 to vector<16xi32>
      %add3A_956 = arith.addi %and3A_12, %add3A_955 : vector<16xi32>
      %select_n3A_957 = arith.select %lt3A_953, %add3A_956, %and3A_12 : vector<16xi1>, vector<16xi32>
      %broadcast_in_dim3A_958 = vector.shape_cast %select_n3A_957 : vector<16xi32> to vector<16x1xi32>
      %gather3A_959 = vector.shape_cast %broadcast_in_dim3A_958 : vector<16x1xi32> to vector<16xi32>
      %gather3A_960 = tpu.dynamic_gather %add3A_950[%gather3A_959] in [0] : vector<16xf32>, vector<16xi32> -> vector<16xf32>
      %add3A_961 = arith.addf %add3A_950, %gather3A_960 : vector<16xf32>
      %lt3A_962 = arith.constant 0 : i32
      %lt3A_963 = vector.broadcast %lt3A_962 : i32 to vector<16xi32>
      %lt3A_964 = arith.cmpi slt, %and3A_18, %lt3A_963 : vector<16xi32>
      %add3A_965 = arith.constant 16 : i32
      %add3A_966 = vector.broadcast %add3A_965 : i32 to vector<16xi32>
      %add3A_967 = arith.addi %and3A_18, %add3A_966 : vector<16xi32>
      %select_n3A_968 = arith.select %lt3A_964, %add3A_967, %and3A_18 : vector<16xi1>, vector<16xi32>
      %broadcast_in_dim3A_969 = vector.shape_cast %select_n3A_968 : vector<16xi32> to vector<16x1xi32>
      %gather3A_970 = vector.shape_cast %broadcast_in_dim3A_969 : vector<16x1xi32> to vector<16xi32>
      %gather3A_971 = tpu.dynamic_gather %add3A_961[%gather3A_970] in [0] : vector<16xf32>, vector<16xi32> -> vector<16xf32>
      %add3A_972 = arith.addf %add3A_961, %gather3A_971 : vector<16xf32>
      %lt3A_973 = arith.constant 0 : i32
      %lt3A_974 = vector.broadcast %lt3A_973 : i32 to vector<16xi32>
      %lt3A_975 = arith.cmpi slt, %and3A_24, %lt3A_974 : vector<16xi32>
      %add3A_976 = arith.constant 16 : i32
      %add3A_977 = vector.broadcast %add3A_976 : i32 to vector<16xi32>
      %add3A_978 = arith.addi %and3A_24, %add3A_977 : vector<16xi32>
      %select_n3A_979 = arith.select %lt3A_975, %add3A_978, %and3A_24 : vector<16xi1>, vector<16xi32>
      %broadcast_in_dim3A_980 = vector.shape_cast %select_n3A_979 : vector<16xi32> to vector<16x1xi32>
      %gather3A_981 = vector.shape_cast %broadcast_in_dim3A_980 : vector<16x1xi32> to vector<16xi32>
      %gather3A_982 = tpu.dynamic_gather %add3A_972[%gather3A_981] in [0] : vector<16xf32>, vector<16xi32> -> vector<16xf32>
      %add3A_983 = arith.addf %add3A_972, %gather3A_982 : vector<16xf32>
      %lt3A_984 = arith.constant 0 : i32
      %lt3A_985 = vector.broadcast %lt3A_984 : i32 to vector<16xi32>
      %lt3A_986 = arith.cmpi slt, %and3A_30, %lt3A_985 : vector<16xi32>
      %add3A_987 = arith.constant 16 : i32
      %add3A_988 = vector.broadcast %add3A_987 : i32 to vector<16xi32>
      %add3A_989 = arith.addi %and3A_30, %add3A_988 : vector<16xi32>
      %select_n3A_990 = arith.select %lt3A_986, %add3A_989, %and3A_30 : vector<16xi1>, vector<16xi32>
      %broadcast_in_dim3A_991 = vector.shape_cast %select_n3A_990 : vector<16xi32> to vector<16x1xi32>
      %gather3A_992 = vector.shape_cast %broadcast_in_dim3A_991 : vector<16x1xi32> to vector<16xi32>
      %gather3A_993 = tpu.dynamic_gather %add3A_983[%gather3A_992] in [0] : vector<16xf32>, vector<16xi32> -> vector<16xf32>
      %add3A_994 = arith.addf %add3A_983, %gather3A_993 : vector<16xf32>
      %mul3A_995 = arith.constant 4 : i32
      %mul3A_996 = arith.muli %add3A_685, %mul3A_995 : i32
      %add3A_997 = arith.constant 2 : i32
      %add3A_998 = arith.addi %mul3A_996, %add3A_997 : i32
      %rem3A_999 = arith.constant 16 : i32
      %rem3A_1000 = arith.remsi %add3A_998, %rem3A_999 : i32
      %eq3A_1001 = vector.broadcast %rem3A_1000 : i32 to vector<16xi32>
      %eq3A_1002 = arith.cmpi eq, %iota3A, %eq3A_1001 : vector<16xi32>
      %select_n3A_1003 = arith.select %eq3A_1002, %add3A_994, %broadcast_in_dim3A_7 : vector<16xi1>, vector<16xf32>
      %add3A_1004 = arith.addf %add3A_904, %select_n3A_1003 : vector<16xf32>
      %scan3A_1005 = arith.constant 0 : i32
      %scan3A_1006 = arith.constant 26 : i32
      %scan3A_1007 = arith.addi %scan3A_1005, %scan3A_1006 : i32
      %scan3A_1008 = arith.constant 1 : i32
      %scan3A_1009:16 = scf.for %scan3A_1136 = %scan3A_1005 to %scan3A_1007 step %scan3A_1008 iter_args(%scan3A_1137 = %broadcast_in_dim3A_7, %scan3A_1138 = %broadcast_in_dim3A_7, %scan3A_1139 = %broadcast_in_dim3A_7, %scan3A_1140 = %broadcast_in_dim3A_7, %scan3A_1141 = %broadcast_in_dim3A_7, %scan3A_1142 = %broadcast_in_dim3A_7, %scan3A_1143 = %broadcast_in_dim3A_7, %scan3A_1144 = %broadcast_in_dim3A_7, %scan3A_1145 = %broadcast_in_dim3A_7, %scan3A_1146 = %broadcast_in_dim3A_7, %scan3A_1147 = %broadcast_in_dim3A_7, %scan3A_1148 = %broadcast_in_dim3A_7, %scan3A_1149 = %broadcast_in_dim3A_7, %scan3A_1150 = %broadcast_in_dim3A_7, %scan3A_1151 = %broadcast_in_dim3A_7, %scan3A_1152 = %broadcast_in_dim3A_7) -> (vector<16xf32>, vector<16xf32>, vector<16xf32>, vector<16xf32>, vector<16xf32>, vector<16xf32>, vector<16xf32>, vector<16xf32>, vector<16xf32>, vector<16xf32>, vector<16xf32>, vector<16xf32>, vector<16xf32>, vector<16xf32>, vector<16xf32>, vector<16xf32>)  : i32 {
        %add3A_1153 = arith.constant 78 : i32
        %add3A_1154 = arith.addi %add3A_1153, %scan3A_1136 : i32
        %get3A_1155 = arith.index_cast %add3A_1154 : i32 to index
        %get3A_1156 = arith.constant 0 : index
        %get3A_1157 = tpu.vector_load %arg9[%get3A_1155, %get3A_1156] {strides = array<i32>} : memref<104x128xf32, #tpu.memory_space<vmem>>, vector<1x16xf32>,
        %get3A_1158 = vector.shape_cast %get3A_1157 : vector<1x16xf32> to vector<16xf32>
        %add3A_1159 = arith.addf %scan3A_1137, %get3A_1158 : vector<16xf32>
        %mul3A_1160 = arith.mulf %get3A_1158, %get3A_1158 : vector<16xf32>
        %add3A_1161 = arith.addf %scan3A_1145, %mul3A_1160 : vector<16xf32>
        %add3A_1162 = arith.constant 78 : i32
        %add3A_1163 = arith.addi %add3A_1162, %scan3A_1136 : i32
        %get3A_1164 = arith.index_cast %add3A_1163 : i32 to index
        %get3A_1165 = arith.constant 16 : index
        %get3A_1166 = tpu.vector_load %arg9[%get3A_1164, %get3A_1165] {strides = array<i32>} : memref<104x128xf32, #tpu.memory_space<vmem>>, vector<1x16xf32>,
        %get3A_1167 = vector.shape_cast %get3A_1166 : vector<1x16xf32> to vector<16xf32>
        %add3A_1168 = arith.addf %scan3A_1138, %get3A_1167 : vector<16xf32>
        %mul3A_1169 = arith.mulf %get3A_1167, %get3A_1167 : vector<16xf32>
        %add3A_1170 = arith.addf %scan3A_1146, %mul3A_1169 : vector<16xf32>
        %add3A_1171 = arith.constant 78 : i32
        %add3A_1172 = arith.addi %add3A_1171, %scan3A_1136 : i32
        %get3A_1173 = arith.index_cast %add3A_1172 : i32 to index
        %get3A_1174 = arith.constant 32 : index
        %get3A_1175 = tpu.vector_load %arg9[%get3A_1173, %get3A_1174] {strides = array<i32>} : memref<104x128xf32, #tpu.memory_space<vmem>>, vector<1x16xf32>,
        %get3A_1176 = vector.shape_cast %get3A_1175 : vector<1x16xf32> to vector<16xf32>
        %add3A_1177 = arith.addf %scan3A_1139, %get3A_1176 : vector<16xf32>
        %mul3A_1178 = arith.mulf %get3A_1176, %get3A_1176 : vector<16xf32>
        %add3A_1179 = arith.addf %scan3A_1147, %mul3A_1178 : vector<16xf32>
        %add3A_1180 = arith.constant 78 : i32
        %add3A_1181 = arith.addi %add3A_1180, %scan3A_1136 : i32
        %get3A_1182 = arith.index_cast %add3A_1181 : i32 to index
        %get3A_1183 = arith.constant 48 : index
        %get3A_1184 = tpu.vector_load %arg9[%get3A_1182, %get3A_1183] {strides = array<i32>} : memref<104x128xf32, #tpu.memory_space<vmem>>, vector<1x16xf32>,
        %get3A_1185 = vector.shape_cast %get3A_1184 : vector<1x16xf32> to vector<16xf32>
        %add3A_1186 = arith.addf %scan3A_1140, %get3A_1185 : vector<16xf32>
        %mul3A_1187 = arith.mulf %get3A_1185, %get3A_1185 : vector<16xf32>
        %add3A_1188 = arith.addf %scan3A_1148, %mul3A_1187 : vector<16xf32>
        %add3A_1189 = arith.constant 78 : i32
        %add3A_1190 = arith.addi %add3A_1189, %scan3A_1136 : i32
        %get3A_1191 = arith.index_cast %add3A_1190 : i32 to index
        %get3A_1192 = arith.constant 64 : index
        %get3A_1193 = tpu.vector_load %arg9[%get3A_1191, %get3A_1192] {strides = array<i32>} : memref<104x128xf32, #tpu.memory_space<vmem>>, vector<1x16xf32>,
        %get3A_1194 = vector.shape_cast %get3A_1193 : vector<1x16xf32> to vector<16xf32>
        %add3A_1195 = arith.addf %scan3A_1141, %get3A_1194 : vector<16xf32>
        %mul3A_1196 = arith.mulf %get3A_1194, %get3A_1194 : vector<16xf32>
        %add3A_1197 = arith.addf %scan3A_1149, %mul3A_1196 : vector<16xf32>
        %add3A_1198 = arith.constant 78 : i32
        %add3A_1199 = arith.addi %add3A_1198, %scan3A_1136 : i32
        %get3A_1200 = arith.index_cast %add3A_1199 : i32 to index
        %get3A_1201 = arith.constant 80 : index
        %get3A_1202 = tpu.vector_load %arg9[%get3A_1200, %get3A_1201] {strides = array<i32>} : memref<104x128xf32, #tpu.memory_space<vmem>>, vector<1x16xf32>,
        %get3A_1203 = vector.shape_cast %get3A_1202 : vector<1x16xf32> to vector<16xf32>
        %add3A_1204 = arith.addf %scan3A_1142, %get3A_1203 : vector<16xf32>
        %mul3A_1205 = arith.mulf %get3A_1203, %get3A_1203 : vector<16xf32>
        %add3A_1206 = arith.addf %scan3A_1150, %mul3A_1205 : vector<16xf32>
        %add3A_1207 = arith.constant 78 : i32
        %add3A_1208 = arith.addi %add3A_1207, %scan3A_1136 : i32
        %get3A_1209 = arith.index_cast %add3A_1208 : i32 to index
        %get3A_1210 = arith.constant 96 : index
        %get3A_1211 = tpu.vector_load %arg9[%get3A_1209, %get3A_1210] {strides = array<i32>} : memref<104x128xf32, #tpu.memory_space<vmem>>, vector<1x16xf32>,
        %get3A_1212 = vector.shape_cast %get3A_1211 : vector<1x16xf32> to vector<16xf32>
        %add3A_1213 = arith.addf %scan3A_1143, %get3A_1212 : vector<16xf32>
        %mul3A_1214 = arith.mulf %get3A_1212, %get3A_1212 : vector<16xf32>
        %add3A_1215 = arith.addf %scan3A_1151, %mul3A_1214 : vector<16xf32>
        %add3A_1216 = arith.constant 78 : i32
        %add3A_1217 = arith.addi %add3A_1216, %scan3A_1136 : i32
        %get3A_1218 = arith.index_cast %add3A_1217 : i32 to index
        %get3A_1219 = arith.constant 112 : index
        %get3A_1220 = tpu.vector_load %arg9[%get3A_1218, %get3A_1219] {strides = array<i32>} : memref<104x128xf32, #tpu.memory_space<vmem>>, vector<1x16xf32>,
        %get3A_1221 = vector.shape_cast %get3A_1220 : vector<1x16xf32> to vector<16xf32>
        %add3A_1222 = arith.addf %scan3A_1144, %get3A_1221 : vector<16xf32>
        %mul3A_1223 = arith.mulf %get3A_1221, %get3A_1221 : vector<16xf32>
        %add3A_1224 = arith.addf %scan3A_1152, %mul3A_1223 : vector<16xf32>
        scf.yield %add3A_1159, %add3A_1168, %add3A_1177, %add3A_1186, %add3A_1195, %add3A_1204, %add3A_1213, %add3A_1222, %add3A_1161, %add3A_1170, %add3A_1179, %add3A_1188, %add3A_1197, %add3A_1206, %add3A_1215, %add3A_1224 : vector<16xf32>, vector<16xf32>, vector<16xf32>, vector<16xf32>, vector<16xf32>, vector<16xf32>, vector<16xf32>, vector<16xf32>, vector<16xf32>, vector<16xf32>, vector<16xf32>, vector<16xf32>, vector<16xf32>, vector<16xf32>, vector<16xf32>, vector<16xf32>
      }
      %scan3A_1010 = arith.constant 26 : i32
      %mul3A_1011 = arith.mulf %scan3A_1009#0, %scan3A_1009#0 : vector<16xf32>
      %sub3A_1012 = arith.subf %mul3A_1011, %scan3A_1009#8 : vector<16xf32>
      %mul3A_1013 = arith.mulf %scan3A_1009#1, %scan3A_1009#1 : vector<16xf32>
      %sub3A_1014 = arith.subf %mul3A_1013, %scan3A_1009#9 : vector<16xf32>
      %add3A_1015 = arith.addf %sub3A_1012, %sub3A_1014 : vector<16xf32>
      %mul3A_1016 = arith.mulf %scan3A_1009#2, %scan3A_1009#2 : vector<16xf32>
      %sub3A_1017 = arith.subf %mul3A_1016, %scan3A_1009#10 : vector<16xf32>
      %add3A_1018 = arith.addf %add3A_1015, %sub3A_1017 : vector<16xf32>
      %mul3A_1019 = arith.mulf %scan3A_1009#3, %scan3A_1009#3 : vector<16xf32>
      %sub3A_1020 = arith.subf %mul3A_1019, %scan3A_1009#11 : vector<16xf32>
      %add3A_1021 = arith.addf %add3A_1018, %sub3A_1020 : vector<16xf32>
      %mul3A_1022 = arith.mulf %scan3A_1009#4, %scan3A_1009#4 : vector<16xf32>
      %sub3A_1023 = arith.subf %mul3A_1022, %scan3A_1009#12 : vector<16xf32>
      %add3A_1024 = arith.addf %add3A_1021, %sub3A_1023 : vector<16xf32>
      %mul3A_1025 = arith.mulf %scan3A_1009#5, %scan3A_1009#5 : vector<16xf32>
      %sub3A_1026 = arith.subf %mul3A_1025, %scan3A_1009#13 : vector<16xf32>
      %add3A_1027 = arith.addf %add3A_1024, %sub3A_1026 : vector<16xf32>
      %mul3A_1028 = arith.mulf %scan3A_1009#6, %scan3A_1009#6 : vector<16xf32>
      %sub3A_1029 = arith.subf %mul3A_1028, %scan3A_1009#14 : vector<16xf32>
      %add3A_1030 = arith.addf %add3A_1027, %sub3A_1029 : vector<16xf32>
      %mul3A_1031 = arith.mulf %scan3A_1009#7, %scan3A_1009#7 : vector<16xf32>
      %sub3A_1032 = arith.subf %mul3A_1031, %scan3A_1009#15 : vector<16xf32>
      %add3A_1033 = arith.addf %add3A_1030, %sub3A_1032 : vector<16xf32>
      %get3A_1034 = arith.constant 96 : index
      %get3A_1035 = tpu.vector_load %arg11[%get3A_1034] {strides = array<i32>} : memref<128xf32, #tpu.memory_space<vmem>>, vector<16xf32>,
      %get3A_1036 = vector.shape_cast %get3A_1035 : vector<16xf32> to vector<16xf32>
      %get3A_1037 = arith.constant 112 : index
      %get3A_1038 = tpu.vector_load %arg11[%get3A_1037] {strides = array<i32>} : memref<128xf32, #tpu.memory_space<vmem>>, vector<16xf32>,
      %get3A_1039 = vector.shape_cast %get3A_1038 : vector<16xf32> to vector<16xf32>
      %lt3A_1040 = arith.constant 10 : i32
      %lt3A_1041 = vector.broadcast %lt3A_1040 : i32 to vector<16xi32>
      %lt3A_1042 = arith.cmpi slt, %iota3A, %lt3A_1041 : vector<16xi32>
      %jit3A_1043 = arith.constant 0.000000e+00 : f32
      %broadcast_in_dim3A_1044 = vector.broadcast %jit3A_1043 : f32 to vector<16xf32>
      %select_n3A_1045 = arith.select %lt3A_1042, %get3A_1039, %broadcast_in_dim3A_1044 : vector<16xi1>, vector<16xf32>
      %mul3A_1046 = arith.constant 5.000000e-01 : f32
      %mul3A_1047 = vector.broadcast %mul3A_1046 : f32 to vector<16xf32>
      %mul3A_1048 = arith.mulf %mul3A_1047, %add3A_1033 : vector<16xf32>
      %add3A_1049 = arith.addf %mul3A_1048, %get3A_1036 : vector<16xf32>
      %add3A_1050 = arith.addf %add3A_1049, %select_n3A_1045 : vector<16xf32>
      %lt3A_1051 = arith.constant 0 : i32
      %lt3A_1052 = vector.broadcast %lt3A_1051 : i32 to vector<16xi32>
      %lt3A_1053 = arith.cmpi slt, %and3A_12, %lt3A_1052 : vector<16xi32>
      %add3A_1054 = arith.constant 16 : i32
      %add3A_1055 = vector.broadcast %add3A_1054 : i32 to vector<16xi32>
      %add3A_1056 = arith.addi %and3A_12, %add3A_1055 : vector<16xi32>
      %select_n3A_1057 = arith.select %lt3A_1053, %add3A_1056, %and3A_12 : vector<16xi1>, vector<16xi32>
      %broadcast_in_dim3A_1058 = vector.shape_cast %select_n3A_1057 : vector<16xi32> to vector<16x1xi32>
      %gather3A_1059 = vector.shape_cast %broadcast_in_dim3A_1058 : vector<16x1xi32> to vector<16xi32>
      %gather3A_1060 = tpu.dynamic_gather %add3A_1050[%gather3A_1059] in [0] : vector<16xf32>, vector<16xi32> -> vector<16xf32>
      %add3A_1061 = arith.addf %add3A_1050, %gather3A_1060 : vector<16xf32>
      %lt3A_1062 = arith.constant 0 : i32
      %lt3A_1063 = vector.broadcast %lt3A_1062 : i32 to vector<16xi32>
      %lt3A_1064 = arith.cmpi slt, %and3A_18, %lt3A_1063 : vector<16xi32>
      %add3A_1065 = arith.constant 16 : i32
      %add3A_1066 = vector.broadcast %add3A_1065 : i32 to vector<16xi32>
      %add3A_1067 = arith.addi %and3A_18, %add3A_1066 : vector<16xi32>
      %select_n3A_1068 = arith.select %lt3A_1064, %add3A_1067, %and3A_18 : vector<16xi1>, vector<16xi32>
      %broadcast_in_dim3A_1069 = vector.shape_cast %select_n3A_1068 : vector<16xi32> to vector<16x1xi32>
      %gather3A_1070 = vector.shape_cast %broadcast_in_dim3A_1069 : vector<16x1xi32> to vector<16xi32>
      %gather3A_1071 = tpu.dynamic_gather %add3A_1061[%gather3A_1070] in [0] : vector<16xf32>, vector<16xi32> -> vector<16xf32>
      %add3A_1072 = arith.addf %add3A_1061, %gather3A_1071 : vector<16xf32>
      %lt3A_1073 = arith.constant 0 : i32
      %lt3A_1074 = vector.broadcast %lt3A_1073 : i32 to vector<16xi32>
      %lt3A_1075 = arith.cmpi slt, %and3A_24, %lt3A_1074 : vector<16xi32>
      %add3A_1076 = arith.constant 16 : i32
      %add3A_1077 = vector.broadcast %add3A_1076 : i32 to vector<16xi32>
      %add3A_1078 = arith.addi %and3A_24, %add3A_1077 : vector<16xi32>
      %select_n3A_1079 = arith.select %lt3A_1075, %add3A_1078, %and3A_24 : vector<16xi1>, vector<16xi32>
      %broadcast_in_dim3A_1080 = vector.shape_cast %select_n3A_1079 : vector<16xi32> to vector<16x1xi32>
      %gather3A_1081 = vector.shape_cast %broadcast_in_dim3A_1080 : vector<16x1xi32> to vector<16xi32>
      %gather3A_1082 = tpu.dynamic_gather %add3A_1072[%gather3A_1081] in [0] : vector<16xf32>, vector<16xi32> -> vector<16xf32>
      %add3A_1083 = arith.addf %add3A_1072, %gather3A_1082 : vector<16xf32>
      %lt3A_1084 = arith.constant 0 : i32
      %lt3A_1085 = vector.broadcast %lt3A_1084 : i32 to vector<16xi32>
      %lt3A_1086 = arith.cmpi slt, %and3A_30, %lt3A_1085 : vector<16xi32>
      %add3A_1087 = arith.constant 16 : i32
      %add3A_1088 = vector.broadcast %add3A_1087 : i32 to vector<16xi32>
      %add3A_1089 = arith.addi %and3A_30, %add3A_1088 : vector<16xi32>
      %select_n3A_1090 = arith.select %lt3A_1086, %add3A_1089, %and3A_30 : vector<16xi1>, vector<16xi32>
      %broadcast_in_dim3A_1091 = vector.shape_cast %select_n3A_1090 : vector<16xi32> to vector<16x1xi32>
      %gather3A_1092 = vector.shape_cast %broadcast_in_dim3A_1091 : vector<16x1xi32> to vector<16xi32>
      %gather3A_1093 = tpu.dynamic_gather %add3A_1083[%gather3A_1092] in [0] : vector<16xf32>, vector<16xi32> -> vector<16xf32>
      %add3A_1094 = arith.addf %add3A_1083, %gather3A_1093 : vector<16xf32>
      %mul3A_1095 = arith.constant 4 : i32
      %mul3A_1096 = arith.muli %add3A_685, %mul3A_1095 : i32
      %add3A_1097 = arith.constant 3 : i32
      %add3A_1098 = arith.addi %mul3A_1096, %add3A_1097 : i32
      %rem3A_1099 = arith.constant 16 : i32
      %rem3A_1100 = arith.remsi %add3A_1098, %rem3A_1099 : i32
      %eq3A_1101 = vector.broadcast %rem3A_1100 : i32 to vector<16xi32>
      %eq3A_1102 = arith.cmpi eq, %iota3A, %eq3A_1101 : vector<16xi32>
      %select_n3A_1103 = arith.select %eq3A_1102, %add3A_1094, %broadcast_in_dim3A_7 : vector<16xi1>, vector<16xf32>
      %add3A_1104 = arith.addf %add3A_1004, %select_n3A_1103 : vector<16xf32>
      %jit3A_1105 = arith.constant 4 : i32
      %div3A_1106 = arith.divsi %add3A_685, %jit3A_1105 : i32
      %sign3A_1107 = arith.constant 0 : i32
      %sign3A_1108 = arith.cmpi sgt, %add3A_685, %sign3A_1107 : i32
      %sign3A_1109 = arith.extui %sign3A_1108 : i1 to i32
      %sign3A_1110 = arith.constant 0 : i32
      %sign3A_1111 = arith.cmpi slt, %add3A_685, %sign3A_1110 : i32
      %sign3A_1112 = arith.extui %sign3A_1111 : i1 to i32
      %sign3A_1113 = arith.subi %sign3A_1109, %sign3A_1112 : i32
      %sign3A_1114 = arith.constant 0 : i32
      %sign3A_1115 = arith.cmpi sgt, %jit3A_1105, %sign3A_1114 : i32
      %sign3A_1116 = arith.extui %sign3A_1115 : i1 to i32
      %sign3A_1117 = arith.constant 0 : i32
      %sign3A_1118 = arith.cmpi slt, %jit3A_1105, %sign3A_1117 : i32
      %sign3A_1119 = arith.extui %sign3A_1118 : i1 to i32
      %sign3A_1120 = arith.subi %sign3A_1116, %sign3A_1119 : i32
      %ne3A_1121 = arith.cmpi ne, %sign3A_1113, %sign3A_1120 : i32
      %rem3A_1122 = arith.remsi %add3A_685, %jit3A_1105 : i32
      %ne3A_1123 = arith.constant 0 : i32
      %ne3A_1124 = arith.cmpi ne, %rem3A_1122, %ne3A_1123 : i32
      %and3A_1125 = arith.andi %ne3A_1121, %ne3A_1124 : i1
      %sub3A_1126 = arith.constant 1 : i32
      %sub3A_1127 = arith.subi %div3A_1106, %sub3A_1126 : i32
      %select_n3A_1128 = arith.select %and3A_1125, %sub3A_1127, %div3A_1106 : i32
      %mul3A_1129 = arith.constant 16 : i32
      %mul3A_1130 = arith.muli %select_n3A_1128, %mul3A_1129 : i32
      %swap3A_1131 = arith.index_cast %mul3A_1130 : i32 to index
      %swap3A_1132 = tpu.vector_load %arg17[%swap3A_1131] {strides = array<i32>} : memref<128xf32, #tpu.memory_space<vmem>>, vector<16xf32>,
      %swap3A_1133 = vector.shape_cast %swap3A_1132 : vector<16xf32> to vector<16xf32>
      %swap3A_1134 = vector.shape_cast %add3A_1104 : vector<16xf32> to vector<16xf32>
      tpu.vector_store %arg17[%swap3A_1131], %swap3A_1134 {add = true, strides = array<i32>} : memref<128xf32, #tpu.memory_space<vmem>>, vector<16xf32>,
      %scan3A_1135 = arith.constant 0 : i32
      scf.yield %scan3A_1135 : i32
    }
    %scan3A_94 = arith.constant 16 : i32
    %get3A = arith.constant 0 : index
    %get3A_95 = tpu.vector_load %arg16[%get3A] {strides = array<i32>} : memref<16xf32, #tpu.memory_space<vmem>>, vector<16xf32>,
    %get3A_96 = vector.shape_cast %get3A_95 : vector<16xf32> to vector<16xf32>
    %get3A_97 = arith.constant 0 : index
    %get3A_98 = tpu.vector_load %arg17[%get3A_97] {strides = array<i32>} : memref<128xf32, #tpu.memory_space<vmem>>, vector<16xf32>,
    %get3A_99 = vector.shape_cast %get3A_98 : vector<16xf32> to vector<16xf32>
    %add3A_100 = arith.addf %get3A_99, %get3A_96 : vector<16xf32>
    %neg3A = arith.constant 0.000000e+00 : f32
    %neg3A_101 = vector.broadcast %neg3A : f32 to vector<16xf32>
    %neg3A_102 = arith.subf %neg3A_101, %add3A_100 : vector<16xf32>
    %exp3A = math.exp %neg3A_102 : vector<16xf32>
    %add3A_103 = arith.constant 1.000000e+00 : f32
    %add3A_104 = vector.broadcast %add3A_103 : f32 to vector<16xf32>
    %add3A_105 = arith.addf %add3A_104, %exp3A : vector<16xf32>
    %div3A = arith.constant 1.000000e+00 : f32
    %div3A_106 = vector.broadcast %div3A : f32 to vector<16xf32>
    %div3A_107 = arith.divf %div3A_106, %add3A_105 : vector<16xf32>
    %swap3A_108 = arith.constant 0 : index
    %swap3A_109 = tpu.vector_load %arg17[%swap3A_108] {strides = array<i32>} : memref<128xf32, #tpu.memory_space<vmem>>, vector<16xf32>,
    %swap3A_110 = vector.shape_cast %swap3A_109 : vector<16xf32> to vector<16xf32>
    %swap3A_111 = vector.shape_cast %div3A_107 : vector<16xf32> to vector<16xf32>
    tpu.vector_store %arg17[%swap3A_108], %swap3A_111 {strides = array<i32>} : memref<128xf32, #tpu.memory_space<vmem>>, vector<16xf32>,
    %get3A_112 = arith.constant 16 : index
    %get3A_113 = tpu.vector_load %arg17[%get3A_112] {strides = array<i32>} : memref<128xf32, #tpu.memory_space<vmem>>, vector<16xf32>,
    %get3A_114 = vector.shape_cast %get3A_113 : vector<16xf32> to vector<16xf32>
    %add3A_115 = arith.addf %get3A_114, %get3A_96 : vector<16xf32>
    %neg3A_116 = arith.constant 0.000000e+00 : f32
    %neg3A_117 = vector.broadcast %neg3A_116 : f32 to vector<16xf32>
    %neg3A_118 = arith.subf %neg3A_117, %add3A_115 : vector<16xf32>
    %exp3A_119 = math.exp %neg3A_118 : vector<16xf32>
    %add3A_120 = arith.constant 1.000000e+00 : f32
    %add3A_121 = vector.broadcast %add3A_120 : f32 to vector<16xf32>
    %add3A_122 = arith.addf %add3A_121, %exp3A_119 : vector<16xf32>
    %div3A_123 = arith.constant 1.000000e+00 : f32
    %div3A_124 = vector.broadcast %div3A_123 : f32 to vector<16xf32>
    %div3A_125 = arith.divf %div3A_124, %add3A_122 : vector<16xf32>
    %swap3A_126 = arith.constant 16 : index
    %swap3A_127 = tpu.vector_load %arg17[%swap3A_126] {strides = array<i32>} : memref<128xf32, #tpu.memory_space<vmem>>, vector<16xf32>,
    %swap3A_128 = vector.shape_cast %swap3A_127 : vector<16xf32> to vector<16xf32>
    %swap3A_129 = vector.shape_cast %div3A_125 : vector<16xf32> to vector<16xf32>
    tpu.vector_store %arg17[%swap3A_126], %swap3A_129 {strides = array<i32>} : memref<128xf32, #tpu.memory_space<vmem>>, vector<16xf32>,
    %get3A_130 = arith.constant 32 : index
    %get3A_131 = tpu.vector_load %arg17[%get3A_130] {strides = array<i32>} : memref<128xf32, #tpu.memory_space<vmem>>, vector<16xf32>,
    %get3A_132 = vector.shape_cast %get3A_131 : vector<16xf32> to vector<16xf32>
    %add3A_133 = arith.addf %get3A_132, %get3A_96 : vector<16xf32>
    %neg3A_134 = arith.constant 0.000000e+00 : f32
    %neg3A_135 = vector.broadcast %neg3A_134 : f32 to vector<16xf32>
    %neg3A_136 = arith.subf %neg3A_135, %add3A_133 : vector<16xf32>
    %exp3A_137 = math.exp %neg3A_136 : vector<16xf32>
    %add3A_138 = arith.constant 1.000000e+00 : f32
    %add3A_139 = vector.broadcast %add3A_138 : f32 to vector<16xf32>
    %add3A_140 = arith.addf %add3A_139, %exp3A_137 : vector<16xf32>
    %div3A_141 = arith.constant 1.000000e+00 : f32
    %div3A_142 = vector.broadcast %div3A_141 : f32 to vector<16xf32>
    %div3A_143 = arith.divf %div3A_142, %add3A_140 : vector<16xf32>
    %swap3A_144 = arith.constant 32 : index
    %swap3A_145 = tpu.vector_load %arg17[%swap3A_144] {strides = array<i32>} : memref<128xf32, #tpu.memory_space<vmem>>, vector<16xf32>,
    %swap3A_146 = vector.shape_cast %swap3A_145 : vector<16xf32> to vector<16xf32>
    %swap3A_147 = vector.shape_cast %div3A_143 : vector<16xf32> to vector<16xf32>
    tpu.vector_store %arg17[%swap3A_144], %swap3A_147 {strides = array<i32>} : memref<128xf32, #tpu.memory_space<vmem>>, vector<16xf32>,
    %get3A_148 = arith.constant 48 : index
    %get3A_149 = tpu.vector_load %arg17[%get3A_148] {strides = array<i32>} : memref<128xf32, #tpu.memory_space<vmem>>, vector<16xf32>,
    %get3A_150 = vector.shape_cast %get3A_149 : vector<16xf32> to vector<16xf32>
    %add3A_151 = arith.addf %get3A_150, %get3A_96 : vector<16xf32>
    %neg3A_152 = arith.constant 0.000000e+00 : f32
    %neg3A_153 = vector.broadcast %neg3A_152 : f32 to vector<16xf32>
    %neg3A_154 = arith.subf %neg3A_153, %add3A_151 : vector<16xf32>
    %exp3A_155 = math.exp %neg3A_154 : vector<16xf32>
    %add3A_156 = arith.constant 1.000000e+00 : f32
    %add3A_157 = vector.broadcast %add3A_156 : f32 to vector<16xf32>
    %add3A_158 = arith.addf %add3A_157, %exp3A_155 : vector<16xf32>
    %div3A_159 = arith.constant 1.000000e+00 : f32
    %div3A_160 = vector.broadcast %div3A_159 : f32 to vector<16xf32>
    %div3A_161 = arith.divf %div3A_160, %add3A_158 : vector<16xf32>
    %swap3A_162 = arith.constant 48 : index
    %swap3A_163 = tpu.vector_load %arg17[%swap3A_162] {strides = array<i32>} : memref<128xf32, #tpu.memory_space<vmem>>, vector<16xf32>,
    %swap3A_164 = vector.shape_cast %swap3A_163 : vector<16xf32> to vector<16xf32>
    %swap3A_165 = vector.shape_cast %div3A_161 : vector<16xf32> to vector<16xf32>
    tpu.vector_store %arg17[%swap3A_162], %swap3A_165 {strides = array<i32>} : memref<128xf32, #tpu.memory_space<vmem>>, vector<16xf32>,
    %get3A_166 = arith.constant 64 : index
    %get3A_167 = tpu.vector_load %arg17[%get3A_166] {strides = array<i32>} : memref<128xf32, #tpu.memory_space<vmem>>, vector<16xf32>,
    %get3A_168 = vector.shape_cast %get3A_167 : vector<16xf32> to vector<16xf32>
    %add3A_169 = arith.addf %get3A_168, %get3A_96 : vector<16xf32>
    %neg3A_170 = arith.constant 0.000000e+00 : f32
    %neg3A_171 = vector.broadcast %neg3A_170 : f32 to vector<16xf32>
    %neg3A_172 = arith.subf %neg3A_171, %add3A_169 : vector<16xf32>
    %exp3A_173 = math.exp %neg3A_172 : vector<16xf32>
    %add3A_174 = arith.constant 1.000000e+00 : f32
    %add3A_175 = vector.broadcast %add3A_174 : f32 to vector<16xf32>
    %add3A_176 = arith.addf %add3A_175, %exp3A_173 : vector<16xf32>
    %div3A_177 = arith.constant 1.000000e+00 : f32
    %div3A_178 = vector.broadcast %div3A_177 : f32 to vector<16xf32>
    %div3A_179 = arith.divf %div3A_178, %add3A_176 : vector<16xf32>
    %swap3A_180 = arith.constant 64 : index
    %swap3A_181 = tpu.vector_load %arg17[%swap3A_180] {strides = array<i32>} : memref<128xf32, #tpu.memory_space<vmem>>, vector<16xf32>,
    %swap3A_182 = vector.shape_cast %swap3A_181 : vector<16xf32> to vector<16xf32>
    %swap3A_183 = vector.shape_cast %div3A_179 : vector<16xf32> to vector<16xf32>
    tpu.vector_store %arg17[%swap3A_180], %swap3A_183 {strides = array<i32>} : memref<128xf32, #tpu.memory_space<vmem>>, vector<16xf32>,
    %get3A_184 = arith.constant 80 : index
    %get3A_185 = tpu.vector_load %arg17[%get3A_184] {strides = array<i32>} : memref<128xf32, #tpu.memory_space<vmem>>, vector<16xf32>,
    %get3A_186 = vector.shape_cast %get3A_185 : vector<16xf32> to vector<16xf32>
    %add3A_187 = arith.addf %get3A_186, %get3A_96 : vector<16xf32>
    %neg3A_188 = arith.constant 0.000000e+00 : f32
    %neg3A_189 = vector.broadcast %neg3A_188 : f32 to vector<16xf32>
    %neg3A_190 = arith.subf %neg3A_189, %add3A_187 : vector<16xf32>
    %exp3A_191 = math.exp %neg3A_190 : vector<16xf32>
    %add3A_192 = arith.constant 1.000000e+00 : f32
    %add3A_193 = vector.broadcast %add3A_192 : f32 to vector<16xf32>
    %add3A_194 = arith.addf %add3A_193, %exp3A_191 : vector<16xf32>
    %div3A_195 = arith.constant 1.000000e+00 : f32
    %div3A_196 = vector.broadcast %div3A_195 : f32 to vector<16xf32>
    %div3A_197 = arith.divf %div3A_196, %add3A_194 : vector<16xf32>
    %swap3A_198 = arith.constant 80 : index
    %swap3A_199 = tpu.vector_load %arg17[%swap3A_198] {strides = array<i32>} : memref<128xf32, #tpu.memory_space<vmem>>, vector<16xf32>,
    %swap3A_200 = vector.shape_cast %swap3A_199 : vector<16xf32> to vector<16xf32>
    %swap3A_201 = vector.shape_cast %div3A_197 : vector<16xf32> to vector<16xf32>
    tpu.vector_store %arg17[%swap3A_198], %swap3A_201 {strides = array<i32>} : memref<128xf32, #tpu.memory_space<vmem>>, vector<16xf32>,
    %get3A_202 = arith.constant 96 : index
    %get3A_203 = tpu.vector_load %arg17[%get3A_202] {strides = array<i32>} : memref<128xf32, #tpu.memory_space<vmem>>, vector<16xf32>,
    %get3A_204 = vector.shape_cast %get3A_203 : vector<16xf32> to vector<16xf32>
    %add3A_205 = arith.addf %get3A_204, %get3A_96 : vector<16xf32>
    %neg3A_206 = arith.constant 0.000000e+00 : f32
    %neg3A_207 = vector.broadcast %neg3A_206 : f32 to vector<16xf32>
    %neg3A_208 = arith.subf %neg3A_207, %add3A_205 : vector<16xf32>
    %exp3A_209 = math.exp %neg3A_208 : vector<16xf32>
    %add3A_210 = arith.constant 1.000000e+00 : f32
    %add3A_211 = vector.broadcast %add3A_210 : f32 to vector<16xf32>
    %add3A_212 = arith.addf %add3A_211, %exp3A_209 : vector<16xf32>
    %div3A_213 = arith.constant 1.000000e+00 : f32
    %div3A_214 = vector.broadcast %div3A_213 : f32 to vector<16xf32>
    %div3A_215 = arith.divf %div3A_214, %add3A_212 : vector<16xf32>
    %swap3A_216 = arith.constant 96 : index
    %swap3A_217 = tpu.vector_load %arg17[%swap3A_216] {strides = array<i32>} : memref<128xf32, #tpu.memory_space<vmem>>, vector<16xf32>,
    %swap3A_218 = vector.shape_cast %swap3A_217 : vector<16xf32> to vector<16xf32>
    %swap3A_219 = vector.shape_cast %div3A_215 : vector<16xf32> to vector<16xf32>
    tpu.vector_store %arg17[%swap3A_216], %swap3A_219 {strides = array<i32>} : memref<128xf32, #tpu.memory_space<vmem>>, vector<16xf32>,
    %get3A_220 = arith.constant 112 : index
    %get3A_221 = tpu.vector_load %arg17[%get3A_220] {strides = array<i32>} : memref<128xf32, #tpu.memory_space<vmem>>, vector<16xf32>,
    %get3A_222 = vector.shape_cast %get3A_221 : vector<16xf32> to vector<16xf32>
    %add3A_223 = arith.addf %get3A_222, %get3A_96 : vector<16xf32>
    %neg3A_224 = arith.constant 0.000000e+00 : f32
    %neg3A_225 = vector.broadcast %neg3A_224 : f32 to vector<16xf32>
    %neg3A_226 = arith.subf %neg3A_225, %add3A_223 : vector<16xf32>
    %exp3A_227 = math.exp %neg3A_226 : vector<16xf32>
    %add3A_228 = arith.constant 1.000000e+00 : f32
    %add3A_229 = vector.broadcast %add3A_228 : f32 to vector<16xf32>
    %add3A_230 = arith.addf %add3A_229, %exp3A_227 : vector<16xf32>
    %div3A_231 = arith.constant 1.000000e+00 : f32
    %div3A_232 = vector.broadcast %div3A_231 : f32 to vector<16xf32>
    %div3A_233 = arith.divf %div3A_232, %add3A_230 : vector<16xf32>
    %swap3A_234 = arith.constant 112 : index
    %swap3A_235 = tpu.vector_load %arg17[%swap3A_234] {strides = array<i32>} : memref<128xf32, #tpu.memory_space<vmem>>, vector<16xf32>,
    %swap3A_236 = vector.shape_cast %swap3A_235 : vector<16xf32> to vector<16xf32>
    %swap3A_237 = vector.shape_cast %div3A_233 : vector<16xf32> to vector<16xf32>
    tpu.vector_store %arg17[%swap3A_234], %swap3A_237 {strides = array<i32>} : memref<128xf32, #tpu.memory_space<vmem>>, vector<16xf32>,
    "tpu.region"() ({
      %run_scoped3A = tpu.sem_alloc : memref<!tpu.dma_semaphore, #tpu.memory_space<semaphore_mem>>
      %dma_start3A_238 = tpu.memref_slice %arg7[%mul3A_2] : memref<4096xf32, #tpu.memory_space<hbm>> -> memref<128xf32, #tpu.memory_space<hbm>>
      %dma_start3A_239 = tpu.memref_slice %arg7[%mul3A_2] : memref<4096xf32, #tpu.memory_space<hbm>> -> memref<128xf32, #tpu.memory_space<hbm>>
      tpu.enqueue_dma source(%arg17 : memref<128xf32, #tpu.memory_space<vmem>>) target(%dma_start3A_239 : memref<128xf32, #tpu.memory_space<hbm>>) target_semaphore(%run_scoped3A : memref<!tpu.dma_semaphore, #tpu.memory_space<semaphore_mem>>)
      %dma_wait3A_240 = tpu.memref_slice %arg7[%mul3A_2] : memref<4096xf32, #tpu.memory_space<hbm>> -> memref<128xf32, #tpu.memory_space<hbm>>
      %dma_wait3A_241 = tpu.memref_slice %arg7[%mul3A_2] : memref<4096xf32, #tpu.memory_space<hbm>> -> memref<128xf32, #tpu.memory_space<hbm>>
      tpu.wait_dma2 semaphore(%run_scoped3A : memref<!tpu.dma_semaphore, #tpu.memory_space<semaphore_mem>>) src(%arg17 : memref<128xf32, #tpu.memory_space<vmem>>) dst(%dma_wait3A_241 : memref<128xf32, #tpu.memory_space<hbm>>)
      tpu.yield
    }) : () -> ()
    return
  }
}

</mosaic_0001>

<sc_bundles>
// kernel: kernel.3.cloned.1.call-start
scs
__scs_entry_jumppad:
0x0: {  	(pc) =	sbr.rel $0x88, $3  }
0x1: {  	(tag) =	ssettag $0x0;
	lr =	simm.s32 $0x1  }
0x2: {  	[smem:$0x3F9D] =	sst lr;
	_ =	strace $0xD0000000  }
0x3: {  	_ = 	snop  }
0x4: {  	_ = 	snop  }
0x5: {  	_ = 	snop  }
0x6: {  	_ = 	snop  }
0x7: {  	_ = 	snop  }
__scs_overlays_trampoline_lowered:
0x8: {  	[smem:$0x3FAC] =	sst s0  }
0x9: {  	[smem:$0x3FAD] =	sst s1  }
0xa: {  	[smem:$0x3FAE] =	sst s2  }
0xb: {  	[smem:$0x3FAF] =	sst s3  }
0xc: {  	[smem:$0x3FB0] =	sst s4  }
0xd: {  	[smem:$0x3FB1] =	sst s5  }
0xe: {  	[smem:$0x3FB2] =	sst s6  }
0xf: {  	[smem:$0x3FB3] =	sst s7  }
0x10: {  	[smem:$0x3FB4] =	sst s8  }
0x11: {  	[smem:$0x3FB5] =	sst s9;
	s0 =	simm.s32 @!p0 $0x0  }
0x12: {  	s1 =	sld [smem:$0x3F9B];
	s0 =	simm.s32 @p0 $0x1  }
0x13: {  	[smem:$0x3FB6] =	sst s0;
	s0 =	simm.s32 @!p1 $0x0  }
0x14: {  	s2 =	sld [smem:$0x3F9A];
	s0 =	simm.s32 @p1 $0x1  }
0x15: {  	[smem:$0x3FB7] =	sst s0;
	s0 =	simm.s32 @!p2 $0x0  }
0x16: {  	s3 =	sld [smem:$0x3FDB];
	s0 =	simm.s32 @p2 $0x1  }
0x17: {  	s4 =	simm.s32 $0x1BF5;
	[smem:$0x3FB9] =	sst s0  }
0x18: {  	s0 =	sld [smem:$0x3F9C];
	_ =	swait.ge [sflag:s4], $0x0  }
0x19: {  	s7 =	sld [smem:$0x3F9D]  }
0x1a: {  	s8 =	sadd.s32 $0xFFFFE003, lr  }
0x1b: {  	s9 =	sadd.s32 $0xFFFFFEF7, lr;
	s5 =	simm.s32 $0xFFFFFFFF;
	p2 =	slt.u32 s8, $0xFFFFF086  }
0x1c: {  	p1 =	slt.u32 s9, $0xF7A;
	s5 =	simm.s32 @!p2 $0x0  }
0x1d: {  	s5 =	simm.s32 @p1 $0x1;
	p0 =	seq.s32 s7, s2  }
0x1e: {  	s7 =	smul.u32 @!p0 $0xF7A, s2;
	p2 =	seq.s32 @!p0 s5, $0x0  }
0x1f: {  	s9 =	smul.u32 $0xF7A, s1;
	s8 =	simm.s32 @!p0 $0x1BF5;
	p2 =	por !p2, p0  }
0x20: {  	[sflag:s8] =	ssyncset.s32 @!p0 $0xFFFFF086;
	s6 =	sadd.s32 @!p0 s3, s7;
	s7 =	simm.s32 @!p0 $0x108  }
0x21: {  	s3 =	sadd.s32 s3, s9;
	s6 =	sadd.s32 @!p0 $0x88, s6;
	s7 =	simm.s32 @p2 $0x1082  }
0x22: {  	[simem:s7], [sflag:s8] =	dma.local @!p0 [hbm:s6], $0xF7A  }
0x23: {  	s9 =	sor.u32 $0xD0000000, s2;
	s6 =	simm.s32 $0x108;
	_ =	swait.ge @!p0 [sflag:s8], $0x0  }
0x24: {  	s3 =	sadd.s32 $0x88, s3;
	s6 =	simm.s32 @!p1 $0x1082;
	[sflag:s4] =	ssyncset.s32 $0xFFFFF086  }
0x25: {  	[simem:s6], [sflag:s4] =	dma.local [hbm:s3], $0xF7A  }
0x26: {  	[smem:$0x3F9D] =	sst s1;
	(tag) =	ssettag s2;
	_ =	strace s9  }
0x27: {  	s1 =	sld [smem:$0x3FAD]  }
0x28: {  	s2 =	sld [smem:$0x3FAE]  }
0x29: {  	s4 =	sld [smem:$0x3FB0]  }
0x2a: {  	p0 =	seq.s32 s5, $0x0;
	s5 =	sld [smem:$0x3FB1]  }
0x2b: {  	s6 =	sld [smem:$0x3FB2]  }
0x2c: {  	s7 =	sld [smem:$0x3FB3]  }
0x2d: {  	s3 =	simm.s32 $0x108;
	s8 =	sld [smem:$0x3FB4]  }
0x2e: {  	s3 =	simm.s32 @!p0 $0x1082;
	s9 =	sld [smem:$0x3FB5]  }
0x2f: {  	lr =	sadd.s32 s0, s3;
	s0 =	sld [smem:$0x3FAC]  }
0x30: {  	s3 =	sld [smem:$0x3FAF]  }
0x31: {  	[smem:$0x3FB8] =	sst s10  }
0x32: {  	s10 =	sld [smem:$0x3FB6];
	_ =	sdelay $0x3  }
0x33: {  	p0 =	seq.s32 s10, $0x1;
	s10 =	sld [smem:$0x3FB8];
	_ =	sdelay $0x3  }
0x34: {  	[smem:$0x3FB8] =	sst s10  }
0x35: {  	s10 =	sld [smem:$0x3FB7];
	_ =	sdelay $0x3  }
0x36: {  	p1 =	seq.s32 s10, $0x1;
	s10 =	sld [smem:$0x3FB8];
	_ =	sdelay $0x3  }
0x37: {  	[smem:$0x3FB8] =	sst s10  }
0x38: {  	s10 =	sld [smem:$0x3FB9]  }
0x39: {  	_ = 	snop;
	(pc) =	sbr.ind lr, $3  }
0x3a: {  	_ = 	snop  }
0x3b: {  	_ = 	snop  }
0x3c: {  	p2 =	seq.s32 s10, $0x1;
	s10 =	sld [smem:$0x3FB8]  }
0x3d: {  	_ =	shalt  }
0x3e: {  	_ =	shalt  }
0x3f: {  	_ =	shalt  }
0x40: {  	_ =	shalt  }
0x41: {  	_ =	shalt  }
0x42: {  	_ =	shalt  }
0x43: {  	_ =	shalt  }
0x44: {  	_ =	shalt  }
0x45: {  	_ =	shalt  }
0x46: {  	_ =	shalt  }
0x47: {  	_ =	shalt  }
0x48: {  	_ =	shalt  }
0x49: {  	_ =	shalt  }
0x4a: {  	_ =	shalt  }
0x4b: {  	_ =	shalt  }
0x4c: {  	_ =	shalt  }
0x4d: {  	_ =	shalt  }
0x4e: {  	_ =	shalt  }
0x4f: {  	_ =	shalt  }
0x50: {  	_ =	shalt  }
0x51: {  	_ =	shalt  }
0x52: {  	_ =	shalt  }
0x53: {  	_ =	shalt  }
0x54: {  	_ =	shalt  }
0x55: {  	_ =	shalt  }
0x56: {  	_ =	shalt  }
0x57: {  	_ =	shalt  }
0x58: {  	_ =	shalt  }
0x59: {  	_ =	shalt  }
0x5a: {  	_ =	shalt  }
0x5b: {  	_ =	shalt  }
0x5c: {  	_ =	shalt  }
0x5d: {  	_ =	shalt  }
0x5e: {  	_ =	shalt  }
0x5f: {  	_ =	shalt  }
0x60: {  	_ =	shalt  }
0x61: {  	_ =	shalt  }
0x62: {  	_ =	shalt  }
0x63: {  	_ =	shalt  }
0x64: {  	_ =	shalt  }
0x65: {  	_ =	shalt  }
0x66: {  	_ =	shalt  }
0x67: {  	_ =	shalt  }
0x68: {  	_ =	shalt  }
0x69: {  	_ =	shalt  }
0x6a: {  	_ =	shalt  }
0x6b: {  	_ =	shalt  }
0x6c: {  	_ =	shalt  }
0x6d: {  	_ =	shalt  }
0x6e: {  	_ =	shalt  }
0x6f: {  	_ =	shalt  }
0x70: {  	_ =	shalt  }
0x71: {  	_ =	shalt  }
0x72: {  	_ =	shalt  }
0x73: {  	_ =	shalt  }
0x74: {  	_ =	shalt  }
0x75: {  	_ =	shalt  }
0x76: {  	_ =	shalt  }
0x77: {  	_ =	shalt  }
0x78: {  	_ =	shalt  }
0x79: {  	_ =	shalt  }
0x7a: {  	_ =	shalt  }
0x7b: {  	_ =	shalt  }
0x7c: {  	_ =	shalt  }
0x7d: {  	_ =	shalt  }
0x7e: {  	_ =	shalt  }
0x7f: {  	_ =	shalt  }
0x80: {  	_ =	shalt  }
0x81: {  	_ =	shalt  }
0x82: {  	_ =	shalt  }
0x83: {  	_ =	shalt  }
0x84: {  	_ =	shalt  }
0x85: {  	_ =	shalt  }
0x86: {  	_ =	shalt  }
0x87: {  	_ =	shalt  }
.Lfunc_end0:
.L_simem_size_0:
called_computation_lowered:
.L_overlay_start_0:
0x88: {  	s2 =	sld [smem:$0x3FD9]  }
0x89: {  	s3 =	sld [smem:$0x3FFE];
	_ =	sdelay $0x1  }
0x8a: {  	s1 =	srdreg.scid  }
0x8b: {  	s0 =	sand.u32 $0x1, s1  }
0x8c: {  	s17 =	sshll.u32 s0, $0xA;
	s2 =	sadd.s32 s3, s2  }
0x8d: {  	s2 =	sadd.s32 s2, s17  }
0x8e: {  	[smem:$0x3FC4] =	sst s2  }
0x8f: {  	_ = 	snop  }
0x90: {  	s2 =	sld [smem:$0x3FC7]  }
0x91: {  	s18 =	sld [smem:$0x3FD0];
	(tm) =	ssettm $0x1  }
0x92: {  	s4 =	sld [smem:$0x3FFB];
	_ =	sdelay $0x3  }
0x93: {  	_ =	strace s4  }
0x94: {  	s4 =	sld [smem:$0x3FFC];
	_ =	sdelay $0x3  }
0x95: {  	_ =	strace s4  }
0x96: {  	s4 =	sld [smem:$0x3FFD];
	_ =	sdelay $0x3  }
0x97: {  	_ =	strace s4  }
0x98: {  	_ =	strace $0x8FFFFFFF  }
0x99: {  	s19 =	sld [smem:$0x3FDB];
	_ =	sdelay $0x1  }
0x9a: {  	s5 =	simm.s32 $_scs_section_size  }
0x9b: {  	s6 =	simm.s32 $_size__tile_overlayer_lowered;
	s7 =	simm.s32 $_tile_overlayer_lowered  }
0x9c: {  	s22 =	simm.s32 $0x1BFF;
	s21 =	sshll.u32 s7, $0x1;
	s4 =	sadd.s32 s5, s19  }
0x9d: {  	s8 =	simm.s32 $0x0;
	s20 =	sshll.u32 s6, $0x1;
	s6 =	sadd.s32 s21, s4  }
0x9e: {  	[timem:s8], [sflag:s22] =	dma.local [hbm:s6], s20  }
0x9f: {  	_ =	swait.ge [sflag:s22], s20  }
0xa0: {  	s5 =	ssub.s32 $0x0, s20;
	[sflag:s22] =	ssyncset.done $0x0  }
0xa1: {  	[sflag:s22] =	ssyncadd.s32 s5;
	_ =	sdelay $0x1  }
0xa2: {  	s23 =	simm.s32 $0x1B8B  }
0xa3: {  	_ =	swait.ge [sflag:s23], $0x1  }
0xa4: {  	[sflag:s23] =	ssyncset.done $0x0  }
0xa5: {  	s25 =	simm.s32 $0x1B8E;
	s24 =	sld [smem:$0x3FFE];
	[sflag:s23] =	ssyncadd.s32 $0xFFFFFFFF  }
0xa6: {  	s26 =	simm.s32 $execute0_lowered;
	[smem:$0x3FD2] =	sst s25  }
0xa7: {  	s6 =	sshll.u32 s26, $0x1;
	_ =	strace $0x80000046;
	[dreg:$0x1] =	wrdreg $0xFFFFFFFF  }
0xa8: {  	s28 =	simm.s32 $_size_execute0_lowered;
	s4 =	sadd.s32 s4, s6;
	[dreg:$0x0] =	wrdreg $0x0  }
0xa9: {  	s6 =	sshll.u32 s28, $0x1;
	[dreg:$0x2] =	wrdreg s4  }
0xaa: {  	[dreg:$0x3] =	wrdreg s6  }
0xab: {  	[dreg:$0x4] =	wrdreg $0xC0  }
0xac: {  	_ =	task [dreg:s8], $0x5FFFF  }
0xad: {  	[dreg:$0x1] =	wrdreg $0xFFFFFFFF  }
0xae: {  	[dreg:$0x0] =	wrdreg $0x60  }
0xaf: {  	[dreg:$0x2] =	wrdreg s2  }
0xb0: {  	[dreg:$0x3] =	wrdreg s24  }
0xb1: {  	[dreg:$0x4] =	wrdreg s18  }
0xb2: {  	[dreg:$0x5] =	wrdreg $0x9  }
0xb3: {  	_ =	task.clear_ibuf [dreg:s8], $0x6FFFF;
	_ =	strace $0x90000046  }
0xb4: {  	s29 =	simm.s32 $0x9;
	_ =	strace $0x80000048  }
0xb5: {  	_ =	swait.ge [sflag:s29], $0x1  }
0xb6: {  	[sflag:s29] =	ssyncadd.s32 $0xFFFFFFFF  }
0xb7: {  	_ =	strace $0x90000048  }
0xb8: {  	_ =	sfence  }
0xb9: {  	s30 =	sld [smem:$0x0];
	_ =	sdelay $0x2  }
0xba: {  	s31 =	sshll.u32 s1, $0xD;
	s1 =	sshrl.u32 s1, $0x2  }
0xbb: {  	s3 =	sand.u32 $0x4000, s31;
	s1 =	sadd.s32 s1, s30  }
0xbc: {  	s0 =	sor.u32 s3, s0;
	s1 =	sshll.u32 s1, $0x11  }
0xbd: {  	s0 =	sor.u32 s1, s0  }
0xbe: {  	s0 =	sadd.s32 $0x8F2B, s0  }
0xbf: {  	[sflag:s0] =	ssyncadd.remote.s32 $0x1  }
0xc0: {  	_ =	sfence.sel $0xFFFF  }
0xc1: {  	[dreg:$0x0] =	wrdreg $0xFFFFFFFF;
	(pc) =	sbr.abs _section_cstart, $3  }
0xc2: {  	[dreg:$0x1] =	wrdreg $0xFFFFFFFF  }
0xc3: {  	_ =	task.clear_ibuf [dreg:s8], $0x2FFFF;
	_ =	strace $0x9FFFFFFF  }
0xc4: {  	(tm) =	ssettm $0x7FFFFFFF  }
0xc5: {  	_ =	shalt  }
tec
execute0_lowered:
.L_overlay_start_1:
0x0: {  	(tag) =	ssettag $0x1  }
0x1: {  	s1 =	rddreg [dreg:$0x0]  }
0x2: {  	s0 =	rddreg [dreg:$0x1]  }
0x3: {  	s2 =	rddreg [dreg:$0x2]  }
0x4: {  	s4 =	srdreg.scid;
	s3 =	simm.s32 $0x0;
	s7 =	stileid.u32  }
0x5: {  	v0 =	vimm.s32 $0xFEDCBA98;
	v1 =	vimm.s32 $0x76543210;
	s17 =	simm.s32 $0x5;
	s20 =	simm.s32 $0x6980;
	s21 =	simm.s32 $0x6A80  }
0x6: {  	v2 =	vimm.s32 $0x3210FEDC;
	v3 =	vimm.s32 $0xBA987654;
	s22 =	simm.s32 $0x3;
	s23 =	simm.s32 $0x68;
	s24 =	simm.s32 $0x80  }
0x7: {  	v4 =	vimm.s32 $0x10FEDCBA;
	v5 =	vimm.s32 $0x98765432;
	s26 =	simm.s32 $0x4;
	s28 =	simm.s32 $0x3400;
	s29 =	simm.s32 $0x6880  }
0x8: {  	v6 =	vimm.s32 $0xFEDCBA9;
	v7 =	vimm.s32 $0x87654321;
	s30 =	simm.s32 $0x1;
	s6 =	sand.u32 $0x1, s4;
	[smem:$0x7FF] =	sst s3  }
0x9: {  	v0 =	vunpack.c.l.s4.s8 v0;
	s4 =	sadd.s32 $0x600, s0;
	v1 =	vunpack.c.l.s4.s8 v1;
	v2 =	vunpack.c.l.s4.s8 v2;
	s5 =	sshll.u32 s6, $0x4;
	s9 =	ssub.s32 $0x2, s6  }
0xa: {  	v3 =	vunpack.c.l.s4.s8 v3;
	v4 =	vunpack.c.l.s4.s8 v4;
	v5 =	vunpack.c.l.s4.s8 v5;
	s8 =	sor.u32 s7, s5;
	s5 =	sadd.s32 $0x3A00, s0;
	s7 =	sadd.s32 $0x7A00, s0  }
0xb: {  	v6 =	vunpack.c.l.s4.s8 v6;
	v7 =	vunpack.c.l.s4.s8 v7;
	v0 =	vunpack.c.0.s8.s32 v0;
	s0 =	sadd.s32 $0x8800, s0;
	s31 =	sshrl.u32 s9, $0x1;
	s6 =	smul.u32 $0xD00, s8  }
0xc: {  	_ =	strace $0x80000047;
	v1 =	vunpack.c.0.s8.s32 v1;
	v2 =	vunpack.c.0.s8.s32 v2;
	v3 =	vunpack.c.0.s8.s32 v3;
	[dreg:$0x4] =	wrdreg s0;
	s0 =	ssub.s32 s9, s31  }
0xd: {  	v4 =	vunpack.c.0.s8.s32 v4;
	v5 =	vunpack.c.0.s8.s32 v5;
	s11 =	sshll.u32 s8, $0x9;
	s9 =	sshll.u32 s8, $0xC;
	v0 =	vand.u32 $0xF, v0;
	s10 =	sshrl.u32 s6, $0x3  }
0xe: {  	v6 =	vunpack.c.0.s8.s32 v6;
	v7 =	vunpack.c.0.s8.s32 v7;
	s8 =	sshll.u32 s8, $0x4;
	s11 =	sadd.s32 s5, s11;
	v0 =	vcombine.low v0, v1;
	s10 =	sadd.s32 s4, s10  }
0xf: {  	vm0 =	vmmov $0x3ff;
	s14 =	sadd.s32 s2, s8;
	s15 =	smax.u32 s0, $0x1;
	v1 =	vcombine.low v3, v2;
	v2 =	vcombine.low v5, v4;
	s12 =	sadd.s32 $0xD, s10  }
0x10: {  	s0 =	simm.s32 $0x0;
	s13 =	sadd.s32 $0x10, s11;
	v3 =	vimm.f32 $0.0e+00;
	v4 =	vcombine.low v7, v6;
	v5 =	vlaneseq.u32;
	[dreg:$0x5] =	wrdreg s12  }
.LBB2_1:
0x11: {  	s2 =	rddreg [dreg:$0x4];
	s8 =	simm.s32 $0x6B00  }
0x12: {  	[tilespmem:s8], [sflag:$0x5] =	stream.linear.gather [hbm4b:s2+s3], $0x80, $0x38;
	[tilespmem:$0x6C00] =	vst v63  }
0x13: {  	_ =	swait.ge [sflag:s17], $0x80  }
0x14: {  	[sflag:s17] =	ssyncset.done $0x0  }
0x15: {  	[sflag:s17] =	ssyncadd.s32 $0xFFFFFF80  }
0x16: {  	[tilespmem:$0x6B80] =	vst v3  }
0x17: {  	[tilespmem:$0x6B90] =	vst v3  }
0x18: {  	[tilespmem:$0x6BA0] =	vst v3  }
0x19: {  	[tilespmem:$0x6BB0] =	vst v3  }
0x1a: {  	[tilespmem:$0x6BC0] =	vst v3  }
0x1b: {  	[tilespmem:$0x6BD0] =	vst v3  }
0x1c: {  	[tilespmem:$0x6BE0] =	vst v3  }
0x1d: {  	s19 =	simm.s32 $0x6900;
	[tilespmem:$0x6BF0] =	vst v3  }
0x1e: {  	[tilespmem:s19], [sflag:$0x3] =	stream.linear.gather [hbm4b:s10+s3], $0x68, $0x38;
	[tilespmem:$0x6C00] =	vst v63  }
0x1f: {  	s12 =	simm.s32 $0x6A00  }
0x20: {  	[tilespmem:s12], [sflag:$0x3] =	stream.linear.gather [hbm4b:s11+s3], $0x80, $0x38;
	[tilespmem:$0x6C00] =	vst v63  }
0x21: {  	s25 =	rddreg [dreg:$0x5]  }
0x22: {  	[tilespmem:s20], [sflag:$0x4] =	stream.linear.gather [hbm4b:s25+s3], $0x68, $0x38;
	[tilespmem:$0x6C00] =	vst v63  }
0x23: {  	_ = 	snop  }
0x24: {  	[tilespmem:s21], [sflag:$0x4] =	stream.linear.gather [hbm4b:s13+s3], $0x80, $0x38;
	[tilespmem:$0x6C00] =	vst v63  }
0x25: {  	_ =	swait.ge [sflag:s22], $0x68  }
0x26: {  	[sflag:s22] =	ssyncset.done $0x0  }
0x27: {  	[sflag:s22] =	ssyncadd.s32 $0xFFFFFF98  }
0x28: {  	_ =	swait.ge [sflag:s22], $0x80  }
0x29: {  	[sflag:s22] =	ssyncset.done $0x0  }
0x2a: {  	[sflag:s22] =	ssyncadd.s32 $0xFFFFFF80  }
0x2b: {  	[tilespmem:s3], [sflag:$0x1] =	stream.indirect.gather [hbm4b:s1+s23], $0x80, s19, s23, $0xb8;
	[tilespmem:$0x6C00] =	vst v63  }
0x2c: {  	s31 =	simm.s32 $0x6800;
	s2 =	simm.s32 $0x0  }
0x2d: {  	[tilespmem:s31], [sflag:$0x1] =	stream.indirect.gather [hbm4b:s7+s24], $0x1, s12, s24, $0xb8;
	[tilespmem:$0x6C00] =	vst v63  }
.LBB2_2:
0x2e: {  	_ =	swait.ge [sflag:s26], $0x68  }
0x2f: {  	[sflag:s26] =	ssyncset.done $0x0  }
0x30: {  	[sflag:s26] =	ssyncadd.s32 $0xFFFFFF98  }
0x31: {  	_ =	swait.ge [sflag:s26], $0x80  }
0x32: {  	[sflag:s26] =	ssyncset.done $0x0  }
0x33: {  	[sflag:s26] =	ssyncadd.s32 $0xFFFFFF80  }
0x34: {  	[tilespmem:s28], [sflag:$0x2] =	stream.indirect.gather [hbm4b:s1+s23], $0x80, s20, s23, $0xb8;
	[tilespmem:$0x6C00] =	vst v63  }
0x35: {  	s25 =	sshll.u32 s2, $0x1;
	p0 =	seq.s32 s2, $0xF  }
0x36: {  	[tilespmem:s29], [sflag:$0x2] =	stream.indirect.gather [hbm4b:s7+s24], $0x1, s21, s24, $0xb8;
	[tilespmem:$0x6C00] =	vst v63  }
0x37: {  	s8 =	sadd.s32 @!p0 $0x2, s25;
	_ =	swait.ge [sflag:s30], $0x3400  }
0x38: {  	s16 =	smul.u32 @!p0 $0x68, s8;
	[sflag:s30] =	ssyncset.done $0x0  }
0x39: {  	s31 =	simm.s32 @!p0 $0x0;
	s18 =	simm.s32 @!p0 $0x6900;
	[sflag:s30] =	ssyncadd.s32 $0xFFFFCC00  }
0x3a: {  	s8 =	sshll.u32 @!p0 s8, $0x7;
	s16 =	sadd.s32 @!p0 s6, s16;
	_ =	swait.ge [sflag:s30], $0x80  }
0x3b: {  	s8 =	sadd.s32 @!p0 s9, s8;
	s16 =	sshrl.u32 @!p0 s16, $0x3;
	[sflag:s30] =	ssyncset.done $0x0  }
0x3c: {  	s8 =	sshrl.u32 @!p0 s8, $0x3;
	s16 =	sadd.s32 @!p0 s4, s16;
	[sflag:s30] =	ssyncadd.s32 $0xFFFFFF80  }
0x3d: {  	[tilespmem:s18], [sflag:$0x3] =	stream.linear.gather @!p0 [hbm4b:s16+s31], $0x68, $0x38;
	[tilespmem:$0x6C00] =	vst v63  }
0x3e: {  	s19 =	simm.s32 $0x0;
	s8 =	sadd.s32 @!p0 s5, s8;
	s16 =	simm.s32 @!p0 $0x6A00  }
0x3f: {  	[tilespmem:s16], [sflag:$0x3] =	stream.linear.gather @!p0 [hbm4b:s8+s31], $0x80, $0x38;
	[tilespmem:$0x6C00] =	vst v63  }
0x40: {  	v7 =	vld [tilespmem:s19+$0x70]  }
0x41: {  	v8 =	vld [tilespmem:s19+$0x0]  }
0x42: {  	v10 =	vimm.f32 $0.0e+00;
	v11 =	vld [tilespmem:s19+$0x10]  }
0x43: {  	v21 =	vimm.f32 $0.0e+00;
	v19 =	vimm.f32 $0.0e+00;
	v20 =	vimm.f32 $0.0e+00  }
0x44: {  	v16 =	vimm.f32 $0.0e+00;
	v17 =	vimm.f32 $0.0e+00;
	v13 =	vimm.f32 $0.0e+00;
	v22 =	vld [tilespmem:s19+$0x20]  }
0x45: {  	v14 =	vimm.f32 $0.0e+00;
	v12 =	vimm.f32 $0.0e+00;
	v18 =	vimm.f32 $0.0e+00;
	v23 =	vld [tilespmem:s19+$0x30]  }
0x46: {  	v15 =	vimm.f32 $0.0e+00;
	v24 =	vld [tilespmem:s19+$0x40];
	v6 =	vadd.f32 v7, v10;
	v7 =	vmul.f32 v7, v7  }
0x47: {  	v25 =	vld [tilespmem:s19+$0x50];
	v9 =	vadd.f32 v8, v10;
	v28 =	vmul.f32 v8, v8;
	v8 =	vadd.f32 v11, v10  }
0x48: {  	s16 =	simm.s32 $0x80;
	s31 =	simm.s32 $0x400;
	v26 =	vld [tilespmem:s19+$0x60];
	v27 =	vmul.f32 v11, v11;
	v11 =	vimm.f32 $0.0e+00;
	v7 =	vadd.f32 v7, v10  }
.LBB2_3:
0x49: {  	p1 =	sne.s32 s31, $0x3200;
	v29 =	vld [tilespmem:s16+$0x70];
	v10 =	vadd.f32 v28, v10;
	v21 =	vadd.f32 v22, v21;
	v22 =	vmul.f32 v22, v22  }
0x4a: {  	v28 =	vld [tilespmem:s16+$0x0];
	v19 =	vadd.f32 v27, v19;
	v20 =	vadd.f32 v23, v20;
	v23 =	vmul.f32 v23, v23  }
0x4b: {  	v27 =	vld [tilespmem:s16+$0x10];
	v16 =	vadd.f32 v22, v16;
	v17 =	vadd.f32 v24, v17;
	v24 =	vmul.f32 v24, v24  }
.Ltmp0:
0x4c: {  	v22 =	vld [tilespmem:s16+$0x20];
	v13 =	vadd.f32 v23, v13;
	v14 =	vadd.f32 v25, v14;
	v25 =	vmul.f32 v25, v25;
	(pc) =	sbr.rel @p1 .LBB2_3-.Ltmp0, $4  }
0x4d: {  	v23 =	vld [tilespmem:s16+$0x30];
	v12 =	vadd.f32 v24, v12;
	v18 =	vadd.f32 v26, v18;
	v26 =	vmul.f32 v26, v26  }
0x4e: {  	v24 =	vld [tilespmem:s16+$0x40];
	v6 =	vadd.f32 v29, v6;
	v29 =	vmul.f32 v29, v29;
	v15 =	vadd.f32 v25, v15  }
0x4f: {  	v9 =	vadd.f32 v28, v9;
	v28 =	vmul.f32 v28, v28;
	v25 =	vld [tilespmem:s16+$0x50];
	v11 =	vadd.f32 v26, v11  }
0x50: {  	v8 =	vadd.f32 v27, v8;
	v27 =	vmul.f32 v27, v27;
	v26 =	vld [tilespmem:s16+$0x60];
	s16 =	sshra.s32 s31, $0x2;
	s31 =	sadd.s32 $0x200, s31;
	v7 =	vadd.f32 v29, v7  }
0x51: {  	v10 =	vadd.f32 v28, v10;
	v21 =	vadd.f32 v22, v21;
	v22 =	vmul.f32 v22, v22;
	v28 =	vld [tilespmem:s16+$0x0]  }
0x52: {  	v19 =	vadd.f32 v27, v19;
	v20 =	vadd.f32 v23, v20;
	v23 =	vmul.f32 v23, v23;
	v27 =	vld [tilespmem:s16+$0x10]  }
0x53: {  	v16 =	vadd.f32 v22, v16;
	v17 =	vadd.f32 v24, v17;
	v22 =	vmul.f32 v24, v24;
	v24 =	vld [tilespmem:s16+$0x20]  }
0x54: {  	v13 =	vadd.f32 v23, v13;
	v14 =	vadd.f32 v25, v14;
	v23 =	vmul.f32 v25, v25  }
0x55: {  	v25 =	vld [tilespmem:s16+$0x30];
	v12 =	vadd.f32 v22, v12;
	v18 =	vadd.f32 v26, v18;
	v22 =	vmul.f32 v26, v26  }
0x56: {  	v15 =	vadd.f32 v23, v15;
	v9 =	vadd.f32 v28, v9;
	v23 =	vmul.f32 v28, v28  }
0x57: {  	v26 =	vld [tilespmem:s16+$0x40];
	v11 =	vadd.f32 v22, v11;
	v8 =	vadd.f32 v27, v8;
	v22 =	vmul.f32 v27, v27  }
0x58: {  	v10 =	vadd.f32 v23, v10;
	v21 =	vadd.f32 v24, v21;
	v23 =	vmul.f32 v24, v24  }
0x59: {  	v24 =	vld [tilespmem:s16+$0x50];
	v9 =	vmul.f32 v9, v9;
	v19 =	vadd.f32 v22, v19;
	v8 =	vmul.f32 v8, v8  }
0x5a: {  	v20 =	vadd.f32 v25, v20;
	v22 =	vmul.f32 v25, v25;
	v16 =	vadd.f32 v23, v16  }
0x5b: {  	v23 =	vld [tilespmem:s16+$0x60];
	v9 =	vsub.f32 v9, v10;
	v10 =	vmul.f32 v21, v21;
	v8 =	vsub.f32 v8, v19  }
0x5c: {  	v17 =	vadd.f32 v26, v17;
	v19 =	vmul.f32 v26, v26;
	v13 =	vadd.f32 v22, v13  }
0x5d: {  	v21 =	vld [tilespmem:s16+$0x70];
	v8 =	vadd.f32 v8, v9;
	v9 =	vsub.f32 v10, v16;
	v10 =	vmul.f32 v20, v20  }
0x5e: {  	v14 =	vadd.f32 v24, v14;
	v16 =	vmul.f32 v24, v24;
	v12 =	vadd.f32 v19, v12  }
0x5f: {  	v8 =	vadd.f32 v9, v8;
	v9 =	vsub.f32 v10, v13;
	v10 =	vmul.f32 v17, v17  }
0x60: {  	v13 =	vadd.f32 v23, v18;
	v17 =	vmul.f32 v23, v23;
	v15 =	vadd.f32 v16, v15  }
0x61: {  	v8 =	vadd.f32 v9, v8;
	v9 =	vsub.f32 v10, v12;
	v10 =	vmul.f32 v14, v14  }
0x62: {  	v6 =	vadd.f32 v21, v6;
	v12 =	vmul.f32 v21, v21;
	v11 =	vadd.f32 v17, v11  }
0x63: {  	v8 =	vadd.f32 v9, v8;
	v9 =	vsub.f32 v10, v15;
	v10 =	vmul.f32 v13, v13  }
0x64: {  	v7 =	vadd.f32 v12, v7  }
0x65: {  	v6 =	vmul.f32 v6, v6;
	v8 =	vadd.f32 v9, v8;
	v9 =	vsub.f32 v10, v11;
	_ =	sdelay $0x1  }
0x66: {  	v6 =	vsub.f32 v6, v7;
	v8 =	vadd.f32 v9, v8  }
0x67: {  	v7 =	vld [tilespmem:$0x6800]  }
0x68: {  	v6 =	vadd.f32 v6, v8;
	v8 =	vld [tilespmem:$0x6810];
	_ =	sdelay $0x1  }
0x69: {  	v6 =	vmul.f32 $5.000000000e-01, v6;
	_ =	sdelay $0x1  }
0x6a: {  	v6 =	vadd.f32 v7, v6  }
0x6b: {  	v7 =	vnsel vm0, $0x0, v8  }
0x6c: {  	v6 =	vadd.f32 v7, v6;
	_ =	sdelay $0x1  }
0x6d: {  	v7 =	vperm.xlane v6, v0;
	_ =	sdelay $0x1  }
0x6e: {  	v6 =	vadd.f32 v6, v7  }
0x6f: {  	s8 =	simm.s32 $0x0  }
0x70: {  	v13 =	vld [tilespmem:s8+$0xD10];
	v7 =	vperm.xlane v6, v1  }
0x71: {  	v22 =	vimm.f32 $0.0e+00;
	v19 =	vimm.f32 $0.0e+00;
	v9 =	vld [tilespmem:s8+$0xD70]  }
0x72: {  	v20 =	vimm.f32 $0.0e+00;
	v23 =	vimm.f32 $0.0e+00;
	v10 =	vld [tilespmem:s8+$0xD00];
	v6 =	vadd.f32 v6, v7  }
0x73: {  	v18 =	vimm.f32 $0.0e+00;
	v16 =	vimm.f32 $0.0e+00;
	v21 =	vimm.f32 $0.0e+00  }
0x74: {  	v24 =	vld [tilespmem:s8+$0xD20];
	v14 =	vimm.f32 $0.0e+00;
	v17 =	vimm.f32 $0.0e+00;
	v7 =	vperm.xlane v6, v2  }
0x75: {  	v25 =	vld [tilespmem:s8+$0xD30];
	v12 =	vimm.f32 $0.0e+00;
	v15 =	vimm.f32 $0.0e+00;
	v29 =	vmul.f32 v13, v13  }
0x76: {  	v26 =	vld [tilespmem:s8+$0xD40];
	v8 =	vadd.f32 v9, v12;
	v9 =	vmul.f32 v9, v9;
	v6 =	vadd.f32 v6, v7  }
0x77: {  	v27 =	vld [tilespmem:s8+$0xD50];
	v11 =	vadd.f32 v10, v12;
	v30 =	vmul.f32 v10, v10;
	v10 =	vadd.f32 v13, v12  }
0x78: {  	s31 =	simm.s32 $0x400;
	v28 =	vld [tilespmem:s8+$0xD60];
	s16 =	simm.s32 $0x80;
	v13 =	vimm.f32 $0.0e+00;
	v9 =	vadd.f32 v9, v12;
	v7 =	vperm.xlane v6, v4  }
.LBB2_5:
0x79: {  	p1 =	sne.s32 s31, $0x3200;
	v31 =	vld [tilespmem:s16+$0xD70];
	v12 =	vadd.f32 v30, v12;
	v23 =	vadd.f32 v24, v23;
	v24 =	vmul.f32 v24, v24  }
0x7a: {  	v30 =	vld [tilespmem:s16+$0xD00];
	v21 =	vadd.f32 v29, v21;
	v22 =	vadd.f32 v25, v22;
	v25 =	vmul.f32 v25, v25  }
0x7b: {  	v29 =	vld [tilespmem:s16+$0xD10];
	v18 =	vadd.f32 v24, v18;
	v19 =	vadd.f32 v26, v19;
	v26 =	vmul.f32 v26, v26  }
.Ltmp1:
0x7c: {  	v24 =	vld [tilespmem:s16+$0xD20];
	v15 =	vadd.f32 v25, v15;
	v16 =	vadd.f32 v27, v16;
	v27 =	vmul.f32 v27, v27;
	(pc) =	sbr.rel @p1 .LBB2_5-.Ltmp1, $4  }
0x7d: {  	v25 =	vld [tilespmem:s16+$0xD30];
	v14 =	vadd.f32 v26, v14;
	v20 =	vadd.f32 v28, v20;
	v28 =	vmul.f32 v28, v28  }
0x7e: {  	v26 =	vld [tilespmem:s16+$0xD40];
	v8 =	vadd.f32 v31, v8;
	v31 =	vmul.f32 v31, v31;
	v17 =	vadd.f32 v27, v17  }
0x7f: {  	v11 =	vadd.f32 v30, v11;
	v30 =	vmul.f32 v30, v30;
	v27 =	vld [tilespmem:s16+$0xD50];
	v13 =	vadd.f32 v28, v13  }
0x80: {  	v10 =	vadd.f32 v29, v10;
	v29 =	vmul.f32 v29, v29;
	v28 =	vld [tilespmem:s16+$0xD60];
	s16 =	sshra.s32 s31, $0x2;
	s31 =	sadd.s32 $0x200, s31;
	v9 =	vadd.f32 v31, v9  }
0x81: {  	v12 =	vadd.f32 v30, v12;
	v23 =	vadd.f32 v24, v23;
	v24 =	vmul.f32 v24, v24;
	v30 =	vld [tilespmem:s16+$0xD00]  }
0x82: {  	v21 =	vadd.f32 v29, v21;
	v22 =	vadd.f32 v25, v22;
	v25 =	vmul.f32 v25, v25;
	v29 =	vld [tilespmem:s16+$0xD10]  }
0x83: {  	v18 =	vadd.f32 v24, v18;
	v19 =	vadd.f32 v26, v19;
	v24 =	vmul.f32 v26, v26;
	v26 =	vld [tilespmem:s16+$0xD20]  }
0x84: {  	v15 =	vadd.f32 v25, v15;
	v16 =	vadd.f32 v27, v16;
	v25 =	vmul.f32 v27, v27  }
0x85: {  	v27 =	vld [tilespmem:s16+$0xD30];
	v14 =	vadd.f32 v24, v14;
	v20 =	vadd.f32 v28, v20;
	v24 =	vmul.f32 v28, v28  }
0x86: {  	v17 =	vadd.f32 v25, v17;
	v11 =	vadd.f32 v30, v11;
	v25 =	vmul.f32 v30, v30  }
0x87: {  	v28 =	vld [tilespmem:s16+$0xD40];
	v13 =	vadd.f32 v24, v13;
	v10 =	vadd.f32 v29, v10;
	v24 =	vmul.f32 v29, v29  }
0x88: {  	v12 =	vadd.f32 v25, v12;
	v23 =	vadd.f32 v26, v23;
	v25 =	vmul.f32 v26, v26  }
0x89: {  	v26 =	vld [tilespmem:s16+$0xD50];
	v11 =	vmul.f32 v11, v11;
	v21 =	vadd.f32 v24, v21;
	v10 =	vmul.f32 v10, v10  }
0x8a: {  	v22 =	vadd.f32 v27, v22;
	v24 =	vmul.f32 v27, v27;
	v18 =	vadd.f32 v25, v18  }
0x8b: {  	v25 =	vld [tilespmem:s16+$0xD60];
	v11 =	vsub.f32 v11, v12;
	v12 =	vmul.f32 v23, v23;
	v10 =	vsub.f32 v10, v21  }
0x8c: {  	v19 =	vadd.f32 v28, v19;
	v21 =	vmul.f32 v28, v28;
	v15 =	vadd.f32 v24, v15  }
0x8d: {  	v23 =	vld [tilespmem:s16+$0xD70];
	v10 =	vadd.f32 v10, v11;
	v11 =	vsub.f32 v12, v18;
	v12 =	vmul.f32 v22, v22  }
0x8e: {  	v16 =	vadd.f32 v26, v16;
	v18 =	vmul.f32 v26, v26;
	v14 =	vadd.f32 v21, v14  }
0x8f: {  	v10 =	vadd.f32 v11, v10;
	v11 =	vsub.f32 v12, v15;
	v12 =	vmul.f32 v19, v19  }
0x90: {  	v15 =	vadd.f32 v25, v20;
	v19 =	vmul.f32 v25, v25;
	v17 =	vadd.f32 v18, v17  }
0x91: {  	v10 =	vadd.f32 v11, v10;
	v11 =	vsub.f32 v12, v14;
	v12 =	vmul.f32 v16, v16  }
0x92: {  	v8 =	vadd.f32 v23, v8;
	v14 =	vmul.f32 v23, v23;
	v13 =	vadd.f32 v19, v13  }
0x93: {  	v10 =	vadd.f32 v11, v10;
	v11 =	vsub.f32 v12, v17;
	v12 =	vmul.f32 v15, v15  }
0x94: {  	v9 =	vadd.f32 v14, v9  }
0x95: {  	v8 =	vmul.f32 v8, v8;
	v10 =	vadd.f32 v11, v10;
	v11 =	vsub.f32 v12, v13;
	_ =	sdelay $0x1  }
0x96: {  	v8 =	vsub.f32 v8, v9;
	v10 =	vadd.f32 v11, v10  }
0x97: {  	v9 =	vld [tilespmem:$0x6820]  }
0x98: {  	v8 =	vadd.f32 v8, v10;
	v10 =	vld [tilespmem:$0x6830];
	_ =	sdelay $0x1  }
0x99: {  	v8 =	vmul.f32 $5.000000000e-01, v8;
	_ =	sdelay $0x1  }
0x9a: {  	v8 =	vadd.f32 v9, v8  }
0x9b: {  	v9 =	vnsel vm0, $0x0, v10  }
0x9c: {  	v8 =	vadd.f32 v9, v8;
	_ =	sdelay $0x1  }
0x9d: {  	v9 =	vperm.xlane v8, v0;
	_ =	sdelay $0x1  }
0x9e: {  	v8 =	vadd.f32 v8, v9  }
0x9f: {  	s8 =	simm.s32 $0x0  }
0xa0: {  	v15 =	vld [tilespmem:s8+$0x1A10];
	v9 =	vperm.xlane v8, v1  }
0xa1: {  	v24 =	vimm.f32 $0.0e+00;
	v21 =	vimm.f32 $0.0e+00;
	v11 =	vld [tilespmem:s8+$0x1A70]  }
0xa2: {  	v22 =	vimm.f32 $0.0e+00;
	v25 =	vimm.f32 $0.0e+00;
	v12 =	vld [tilespmem:s8+$0x1A00];
	v8 =	vadd.f32 v8, v9  }
0xa3: {  	v20 =	vimm.f32 $0.0e+00;
	v18 =	vimm.f32 $0.0e+00;
	v23 =	vimm.f32 $0.0e+00  }
0xa4: {  	v26 =	vld [tilespmem:s8+$0x1A20];
	v16 =	vimm.f32 $0.0e+00;
	v19 =	vimm.f32 $0.0e+00;
	v9 =	vperm.xlane v8, v2  }
0xa5: {  	v27 =	vld [tilespmem:s8+$0x1A30];
	v14 =	vimm.f32 $0.0e+00;
	v17 =	vimm.f32 $0.0e+00;
	v31 =	vmul.f32 v15, v15  }
0xa6: {  	v28 =	vld [tilespmem:s8+$0x1A40];
	v10 =	vadd.f32 v11, v14;
	v11 =	vmul.f32 v11, v11;
	v8 =	vadd.f32 v8, v9  }
0xa7: {  	v29 =	vld [tilespmem:s8+$0x1A50];
	v13 =	vadd.f32 v12, v14;
	v32 =	vmul.f32 v12, v12;
	v12 =	vadd.f32 v15, v14  }
0xa8: {  	s31 =	simm.s32 $0x400;
	v30 =	vld [tilespmem:s8+$0x1A60];
	s16 =	simm.s32 $0x80;
	v15 =	vimm.f32 $0.0e+00;
	v11 =	vadd.f32 v11, v14;
	v9 =	vperm.xlane v8, v4  }
.LBB2_7:
0xa9: {  	p1 =	sne.s32 s31, $0x3200;
	v33 =	vld [tilespmem:s16+$0x1A70];
	v14 =	vadd.f32 v32, v14;
	v25 =	vadd.f32 v26, v25;
	v26 =	vmul.f32 v26, v26  }
0xaa: {  	v32 =	vld [tilespmem:s16+$0x1A00];
	v23 =	vadd.f32 v31, v23;
	v24 =	vadd.f32 v27, v24;
	v27 =	vmul.f32 v27, v27  }
0xab: {  	v31 =	vld [tilespmem:s16+$0x1A10];
	v20 =	vadd.f32 v26, v20;
	v21 =	vadd.f32 v28, v21;
	v28 =	vmul.f32 v28, v28  }
.Ltmp2:
0xac: {  	v26 =	vld [tilespmem:s16+$0x1A20];
	v17 =	vadd.f32 v27, v17;
	v18 =	vadd.f32 v29, v18;
	v29 =	vmul.f32 v29, v29;
	(pc) =	sbr.rel @p1 .LBB2_7-.Ltmp2, $4  }
0xad: {  	v27 =	vld [tilespmem:s16+$0x1A30];
	v16 =	vadd.f32 v28, v16;
	v22 =	vadd.f32 v30, v22;
	v30 =	vmul.f32 v30, v30  }
0xae: {  	v28 =	vld [tilespmem:s16+$0x1A40];
	v10 =	vadd.f32 v33, v10;
	v33 =	vmul.f32 v33, v33;
	v19 =	vadd.f32 v29, v19  }
0xaf: {  	v13 =	vadd.f32 v32, v13;
	v32 =	vmul.f32 v32, v32;
	v29 =	vld [tilespmem:s16+$0x1A50];
	v15 =	vadd.f32 v30, v15  }
0xb0: {  	v12 =	vadd.f32 v31, v12;
	v31 =	vmul.f32 v31, v31;
	v30 =	vld [tilespmem:s16+$0x1A60];
	s16 =	sshra.s32 s31, $0x2;
	s31 =	sadd.s32 $0x200, s31;
	v11 =	vadd.f32 v33, v11  }
0xb1: {  	v14 =	vadd.f32 v32, v14;
	v25 =	vadd.f32 v26, v25;
	v26 =	vmul.f32 v26, v26;
	v63 =	vld [tilespmem:s16+$0x1A00]  }
0xb2: {  	v23 =	vadd.f32 v31, v23;
	v24 =	vadd.f32 v27, v24;
	v27 =	vmul.f32 v27, v27;
	v31 =	vld [tilespmem:s16+$0x1A10]  }
0xb3: {  	v20 =	vadd.f32 v26, v20;
	v21 =	vadd.f32 v28, v21;
	v26 =	vmul.f32 v28, v28;
	v28 =	vld [tilespmem:s16+$0x1A20]  }
0xb4: {  	v17 =	vadd.f32 v27, v17;
	v18 =	vadd.f32 v29, v18;
	v27 =	vmul.f32 v29, v29  }
0xb5: {  	v29 =	vld [tilespmem:s16+$0x1A30];
	v16 =	vadd.f32 v26, v16;
	v22 =	vadd.f32 v30, v22;
	v26 =	vmul.f32 v30, v30  }
0xb6: {  	v19 =	vadd.f32 v27, v19;
	v13 =	vadd.f32 v63, v13;
	v27 =	vmul.f32 v63, v63  }
0xb7: {  	v30 =	vld [tilespmem:s16+$0x1A40];
	v15 =	vadd.f32 v26, v15;
	v12 =	vadd.f32 v31, v12;
	v26 =	vmul.f32 v31, v31  }
0xb8: {  	v14 =	vadd.f32 v27, v14;
	v25 =	vadd.f32 v28, v25;
	v27 =	vmul.f32 v28, v28  }
0xb9: {  	v28 =	vld [tilespmem:s16+$0x1A50];
	v13 =	vmul.f32 v13, v13;
	v23 =	vadd.f32 v26, v23;
	v12 =	vmul.f32 v12, v12  }
0xba: {  	v24 =	vadd.f32 v29, v24;
	v26 =	vmul.f32 v29, v29;
	v20 =	vadd.f32 v27, v20  }
0xbb: {  	v27 =	vld [tilespmem:s16+$0x1A60];
	v13 =	vsub.f32 v13, v14;
	v14 =	vmul.f32 v25, v25;
	v12 =	vsub.f32 v12, v23  }
0xbc: {  	v21 =	vadd.f32 v30, v21;
	v23 =	vmul.f32 v30, v30;
	v17 =	vadd.f32 v26, v17  }
0xbd: {  	v25 =	vld [tilespmem:s16+$0x1A70];
	v12 =	vadd.f32 v12, v13;
	v13 =	vsub.f32 v14, v20;
	v14 =	vmul.f32 v24, v24  }
0xbe: {  	v18 =	vadd.f32 v28, v18;
	v20 =	vmul.f32 v28, v28;
	v16 =	vadd.f32 v23, v16  }
0xbf: {  	v12 =	vadd.f32 v13, v12;
	v13 =	vsub.f32 v14, v17;
	v14 =	vmul.f32 v21, v21  }
0xc0: {  	v17 =	vadd.f32 v27, v22;
	v21 =	vmul.f32 v27, v27;
	v19 =	vadd.f32 v20, v19  }
0xc1: {  	v12 =	vadd.f32 v13, v12;
	v13 =	vsub.f32 v14, v16;
	v14 =	vmul.f32 v18, v18  }
0xc2: {  	v10 =	vadd.f32 v25, v10;
	v16 =	vmul.f32 v25, v25;
	v15 =	vadd.f32 v21, v15  }
0xc3: {  	v12 =	vadd.f32 v13, v12;
	v13 =	vsub.f32 v14, v19;
	v14 =	vmul.f32 v17, v17  }
0xc4: {  	v11 =	vadd.f32 v16, v11  }
0xc5: {  	v10 =	vmul.f32 v10, v10;
	v12 =	vadd.f32 v13, v12;
	v13 =	vsub.f32 v14, v15;
	_ =	sdelay $0x1  }
0xc6: {  	v10 =	vsub.f32 v10, v11;
	v12 =	vadd.f32 v13, v12  }
0xc7: {  	v11 =	vld [tilespmem:$0x6840]  }
0xc8: {  	v10 =	vadd.f32 v10, v12;
	v12 =	vld [tilespmem:$0x6850];
	_ =	sdelay $0x1  }
0xc9: {  	v10 =	vmul.f32 $5.000000000e-01, v10;
	_ =	sdelay $0x1  }
0xca: {  	v10 =	vadd.f32 v11, v10  }
0xcb: {  	v11 =	vnsel vm0, $0x0, v12  }
0xcc: {  	v10 =	vadd.f32 v11, v10;
	_ =	sdelay $0x1  }
0xcd: {  	v11 =	vperm.xlane v10, v0;
	_ =	sdelay $0x1  }
0xce: {  	v10 =	vadd.f32 v10, v11  }
0xcf: {  	s8 =	simm.s32 $0x0  }
0xd0: {  	v17 =	vld [tilespmem:s8+$0x2710];
	v11 =	vperm.xlane v10, v1  }
0xd1: {  	v26 =	vimm.f32 $0.0e+00;
	v23 =	vimm.f32 $0.0e+00;
	v13 =	vld [tilespmem:s8+$0x2770]  }
0xd2: {  	v24 =	vimm.f32 $0.0e+00;
	v27 =	vimm.f32 $0.0e+00;
	v14 =	vld [tilespmem:s8+$0x2700];
	v10 =	vadd.f32 v10, v11  }
0xd3: {  	v22 =	vimm.f32 $0.0e+00;
	v20 =	vimm.f32 $0.0e+00;
	v25 =	vimm.f32 $0.0e+00  }
0xd4: {  	v28 =	vld [tilespmem:s8+$0x2720];
	v18 =	vimm.f32 $0.0e+00;
	v21 =	vimm.f32 $0.0e+00;
	v11 =	vperm.xlane v10, v2  }
0xd5: {  	v29 =	vld [tilespmem:s8+$0x2730];
	v16 =	vimm.f32 $0.0e+00;
	v19 =	vimm.f32 $0.0e+00;
	v33 =	vmul.f32 v17, v17  }
0xd6: {  	v30 =	vld [tilespmem:s8+$0x2740];
	v12 =	vadd.f32 v13, v16;
	v13 =	vmul.f32 v13, v13;
	v10 =	vadd.f32 v10, v11  }
0xd7: {  	v31 =	vld [tilespmem:s8+$0x2750];
	v15 =	vadd.f32 v14, v16;
	v34 =	vmul.f32 v14, v14;
	v14 =	vadd.f32 v17, v16  }
0xd8: {  	s31 =	simm.s32 $0x400;
	v32 =	vld [tilespmem:s8+$0x2760];
	s16 =	simm.s32 $0x80;
	v17 =	vimm.f32 $0.0e+00;
	v13 =	vadd.f32 v13, v16;
	v11 =	vperm.xlane v10, v4  }
.LBB2_9:
0xd9: {  	p1 =	sne.s32 s31, $0x3200;
	v35 =	vld [tilespmem:s16+$0x2770];
	v16 =	vadd.f32 v34, v16;
	v27 =	vadd.f32 v28, v27;
	v28 =	vmul.f32 v28, v28  }
0xda: {  	v34 =	vld [tilespmem:s16+$0x2700];
	v25 =	vadd.f32 v33, v25;
	v26 =	vadd.f32 v29, v26;
	v29 =	vmul.f32 v29, v29  }
0xdb: {  	v33 =	vld [tilespmem:s16+$0x2710];
	v22 =	vadd.f32 v28, v22;
	v23 =	vadd.f32 v30, v23;
	v30 =	vmul.f32 v30, v30  }
.Ltmp3:
0xdc: {  	v28 =	vld [tilespmem:s16+$0x2720];
	v19 =	vadd.f32 v29, v19;
	v20 =	vadd.f32 v31, v20;
	v31 =	vmul.f32 v31, v31;
	(pc) =	sbr.rel @p1 .LBB2_9-.Ltmp3, $4  }
0xdd: {  	v29 =	vld [tilespmem:s16+$0x2730];
	v18 =	vadd.f32 v30, v18;
	v24 =	vadd.f32 v32, v24;
	v32 =	vmul.f32 v32, v32  }
0xde: {  	v30 =	vld [tilespmem:s16+$0x2740];
	v12 =	vadd.f32 v35, v12;
	v35 =	vmul.f32 v35, v35;
	v21 =	vadd.f32 v31, v21  }
0xdf: {  	v15 =	vadd.f32 v34, v15;
	v34 =	vmul.f32 v34, v34;
	v31 =	vld [tilespmem:s16+$0x2750];
	v17 =	vadd.f32 v32, v17  }
0xe0: {  	v14 =	vadd.f32 v33, v14;
	v33 =	vmul.f32 v33, v33;
	v32 =	vld [tilespmem:s16+$0x2760];
	s16 =	sshra.s32 s31, $0x2;
	s31 =	sadd.s32 $0x200, s31;
	v13 =	vadd.f32 v35, v13  }
0xe1: {  	v16 =	vadd.f32 v34, v16;
	v27 =	vadd.f32 v28, v27;
	v28 =	vmul.f32 v28, v28;
	v61 =	vld [tilespmem:s16+$0x2700]  }
0xe2: {  	v62 =	vld [tilespmem:s16+$0x2710];
	v25 =	vadd.f32 v33, v25;
	v26 =	vadd.f32 v29, v26;
	v29 =	vmul.f32 v29, v29  }
0xe3: {  	v22 =	vadd.f32 v28, v22;
	v23 =	vadd.f32 v30, v23;
	v28 =	vmul.f32 v30, v30;
	v30 =	vld [tilespmem:s16+$0x2720]  }
0xe4: {  	v19 =	vadd.f32 v29, v19;
	v20 =	vadd.f32 v31, v20;
	v29 =	vmul.f32 v31, v31  }
0xe5: {  	v31 =	vld [tilespmem:s16+$0x2730];
	v18 =	vadd.f32 v28, v18;
	v24 =	vadd.f32 v32, v24;
	v28 =	vmul.f32 v32, v32  }
0xe6: {  	v21 =	vadd.f32 v29, v21;
	v15 =	vadd.f32 v61, v15;
	v29 =	vmul.f32 v61, v61  }
0xe7: {  	v63 =	vld [tilespmem:s16+$0x2740];
	v14 =	vadd.f32 v62, v14;
	v17 =	vadd.f32 v28, v17;
	v28 =	vmul.f32 v62, v62  }
0xe8: {  	v16 =	vadd.f32 v29, v16;
	v27 =	vadd.f32 v30, v27;
	v29 =	vmul.f32 v30, v30  }
0xe9: {  	v30 =	vld [tilespmem:s16+$0x2750];
	v15 =	vmul.f32 v15, v15;
	v14 =	vmul.f32 v14, v14;
	v25 =	vadd.f32 v28, v25  }
0xea: {  	v26 =	vadd.f32 v31, v26;
	v28 =	vmul.f32 v31, v31;
	v22 =	vadd.f32 v29, v22  }
0xeb: {  	v29 =	vld [tilespmem:s16+$0x2760];
	v15 =	vsub.f32 v15, v16;
	v16 =	vmul.f32 v27, v27;
	v14 =	vsub.f32 v14, v25  }
0xec: {  	v23 =	vadd.f32 v63, v23;
	v25 =	vmul.f32 v63, v63;
	v19 =	vadd.f32 v28, v19  }
0xed: {  	v27 =	vld [tilespmem:s16+$0x2770];
	v14 =	vadd.f32 v14, v15;
	v15 =	vsub.f32 v16, v22;
	v16 =	vmul.f32 v26, v26  }
0xee: {  	v20 =	vadd.f32 v30, v20;
	v22 =	vmul.f32 v30, v30;
	v18 =	vadd.f32 v25, v18  }
0xef: {  	v14 =	vadd.f32 v15, v14;
	v15 =	vsub.f32 v16, v19;
	v16 =	vmul.f32 v23, v23  }
0xf0: {  	v19 =	vadd.f32 v29, v24;
	v23 =	vmul.f32 v29, v29;
	v21 =	vadd.f32 v22, v21  }
0xf1: {  	v14 =	vadd.f32 v15, v14;
	v15 =	vsub.f32 v16, v18;
	v16 =	vmul.f32 v20, v20  }
0xf2: {  	v12 =	vadd.f32 v27, v12;
	v18 =	vmul.f32 v27, v27;
	v17 =	vadd.f32 v23, v17  }
0xf3: {  	v14 =	vadd.f32 v15, v14;
	v15 =	vsub.f32 v16, v21;
	v16 =	vmul.f32 v19, v19  }
0xf4: {  	v13 =	vadd.f32 v18, v13  }
0xf5: {  	v12 =	vmul.f32 v12, v12;
	v14 =	vadd.f32 v15, v14;
	v15 =	vsub.f32 v16, v17;
	_ =	sdelay $0x1  }
0xf6: {  	v12 =	vsub.f32 v12, v13;
	v14 =	vadd.f32 v15, v14  }
0xf7: {  	v13 =	vld [tilespmem:$0x6860]  }
0xf8: {  	v12 =	vadd.f32 v12, v14;
	v14 =	vld [tilespmem:$0x6870];
	_ =	sdelay $0x1  }
0xf9: {  	v12 =	vmul.f32 $5.000000000e-01, v12;
	_ =	sdelay $0x1  }
0xfa: {  	v12 =	vadd.f32 v13, v12  }
0xfb: {  	v13 =	vnsel vm0, $0x0, v14  }
0xfc: {  	v12 =	vadd.f32 v13, v12;
	_ =	sdelay $0x1  }
0xfd: {  	v13 =	vperm.xlane v12, v0;
	_ =	sdelay $0x1  }
0xfe: {  	v12 =	vadd.f32 v12, v13;
	_ =	sdelay $0x1  }
0xff: {  	v13 =	vperm.xlane v12, v1;
	_ =	sdelay $0x1  }
0x100: {  	v12 =	vadd.f32 v12, v13  }
0x101: {  	s8 =	sshll.u32 s2, $0x3;
	v6 =	vadd.f32 v6, v7  }
0x102: {  	s16 =	sand.u32 $0x8, s8;
	v13 =	vperm.xlane v12, v2  }
0x103: {  	v8 =	vadd.f32 v8, v9;
	v6 =	vadd.f32 $0.0e+00, v6;
	v7 =	vmov s16;
	s18 =	sor.u32 $0x1, s16  }
0x104: {  	v9 =	vmov s18;
	vm1 =	veq.s32 v7, v5;
	v7 =	vadd.f32 v12, v13  }
0x105: {  	s19 =	sor.u32 $0x2, s16;
	vm2 =	veq.s32 v9, v5;
	v6 =	vnsel vm1, $0x0, v6;
	v9 =	vadd.f32 v10, v11  }
0x106: {  	v10 =	vmov s19;
	v8 =	vnsel vm2, $0x0, v8;
	v11 =	vperm.xlane v7, v4  }
0x107: {  	s12 =	sor.u32 $0x3, s16;
	vm1 =	veq.s32 v10, v5;
	v6 =	vadd.f32 v8, v6  }
0x108: {  	v8 =	vnsel vm1, $0x0, v9;
	v9 =	vmov s12;
	v7 =	vadd.f32 v7, v11  }
0x109: {  	vm1 =	veq.s32 v9, v5;
	v6 =	vadd.f32 v8, v6  }
0x10a: {  	v7 =	vnsel vm1, $0x0, v7  }
0x10b: {  	s8 =	sand.u32 $0x70, s8;
	v6 =	vadd.f32 v7, v6  }
0x10c: {  	s31 =	sor.u32 $0x6B80, s8  }
0x10d: {  	s8 =	simm.s32 @p0 $0x2;
	[tilespmem:s31+$0x0] =	vst.add.f32.msk $0xffff, v6  }
0x10e: {  	_ =	swait.ge @p0 [sflag:s8], $0x3400  }
0x10f: {  	[sflag:s8] =	ssyncset.done @p0 $0x0  }
0x110: {  	[sflag:s8] =	ssyncadd.s32 @p0 $0xFFFFCC00  }
0x111: {  	_ =	swait.ge @p0 [sflag:s8], $0x80  }
0x112: {  	[sflag:s8] =	ssyncset.done @p0 $0x0  }
0x113: {  	[sflag:s8] =	ssyncadd.s32 @p0 $0xFFFFFF80;
	s8 =	simm.s32 @!p0 $0x3  }
0x114: {  	_ =	swait.ge @!p0 [sflag:s8], $0x68  }
0x115: {  	[sflag:s8] =	ssyncset.done @!p0 $0x0  }
0x116: {  	[sflag:s8] =	ssyncadd.s32 @!p0 $0xFFFFFF98  }
0x117: {  	_ =	swait.ge @!p0 [sflag:s8], $0x80  }
0x118: {  	s18 =	simm.s32 @!p0 $0x6900;
	[sflag:s8] =	ssyncset.done @!p0 $0x0  }
0x119: {  	s19 =	simm.s32 @!p0 $0x0;
	[sflag:s8] =	ssyncadd.s32 @!p0 $0xFFFFFF80;
	s8 =	simm.s32 @!p0 $0x68  }
0x11a: {  	[tilespmem:s19], [sflag:$0x1] =	stream.indirect.gather @!p0 [hbm4b:s1+s8], $0x80, s18, s8, $0xb8;
	[tilespmem:$0x6C00] =	vst v63  }
0x11b: {  	s12 =	simm.s32 @!p0 $0x6800;
	s8 =	simm.s32 @!p0 $0x80;
	s18 =	simm.s32 @!p0 $0x6A00  }
0x11c: {  	[tilespmem:s12], [sflag:$0x1] =	stream.indirect.gather @!p0 [hbm4b:s7+s8], $0x1, s18, s8, $0xb8;
	[tilespmem:$0x6C00] =	vst v63  }
0x11d: {  	s8 =	simm.s32 @!p0 $0x2  }
0x11e: {  	s12 =	sadd.s32 @!p0 $0x3, s25;
	_ =	swait.ge @!p0 [sflag:s8], $0x3400  }
0x11f: {  	s18 =	smul.u32 @!p0 $0x68, s12;
	[sflag:s8] =	ssyncset.done @!p0 $0x0  }
0x120: {  	[sflag:s8] =	ssyncadd.s32 @!p0 $0xFFFFCC00  }
0x121: {  	s18 =	sadd.s32 @!p0 s6, s18;
	_ =	swait.ge @!p0 [sflag:s8], $0x80  }
0x122: {  	s18 =	sshrl.u32 @!p0 s18, $0x3;
	[sflag:s8] =	ssyncset.done @!p0 $0x0  }
0x123: {  	[sflag:s8] =	ssyncadd.s32 @!p0 $0xFFFFFF80;
	s8 =	sadd.s32 @!p0 s4, s18;
	s18 =	simm.s32 @!p0 $0x6980  }
0x124: {  	[tilespmem:s18], [sflag:$0x4] =	stream.linear.gather @!p0 [hbm4b:s8+s19], $0x68, $0x38;
	[tilespmem:$0x6C00] =	vst v63  }
0x125: {  	s8 =	sshll.u32 @!p0 s12, $0x7  }
0x126: {  	s8 =	sadd.s32 @!p0 s9, s8  }
0x127: {  	s8 =	sshrl.u32 @!p0 s8, $0x3  }
0x128: {  	s12 =	simm.s32 @!p0 $0x6A80;
	s8 =	sadd.s32 @!p0 s5, s8  }
0x129: {  	[tilespmem:s12], [sflag:$0x4] =	stream.linear.gather @!p0 [hbm4b:s8+s19], $0x80, $0x38;
	[tilespmem:$0x6C00] =	vst v63  }
0x12a: {  	s19 =	simm.s32 $0x0  }
0x12b: {  	v7 =	vld [tilespmem:s19+$0x3470]  }
0x12c: {  	v8 =	vld [tilespmem:s19+$0x3400]  }
0x12d: {  	v10 =	vimm.f32 $0.0e+00;
	v11 =	vld [tilespmem:s19+$0x3410]  }
0x12e: {  	v20 =	vimm.f32 $0.0e+00;
	v21 =	vimm.f32 $0.0e+00;
	v19 =	vimm.f32 $0.0e+00  }
0x12f: {  	v18 =	vimm.f32 $0.0e+00;
	v16 =	vimm.f32 $0.0e+00;
	v17 =	vimm.f32 $0.0e+00;
	v22 =	vld [tilespmem:s19+$0x3420]  }
0x130: {  	v15 =	vimm.f32 $0.0e+00;
	v14 =	vimm.f32 $0.0e+00;
	v13 =	vimm.f32 $0.0e+00;
	v23 =	vld [tilespmem:s19+$0x3430]  }
0x131: {  	v12 =	vimm.f32 $0.0e+00;
	v24 =	vld [tilespmem:s19+$0x3440];
	v6 =	vadd.f32 v7, v10;
	v7 =	vmul.f32 v7, v7  }
0x132: {  	v25 =	vld [tilespmem:s19+$0x3450];
	v9 =	vadd.f32 v8, v10;
	v28 =	vmul.f32 v8, v8;
	v8 =	vadd.f32 v11, v10  }
0x133: {  	s25 =	simm.s32 $0x80;
	s8 =	simm.s32 $0x400;
	v26 =	vld [tilespmem:s19+$0x3460];
	v27 =	vmul.f32 v11, v11;
	v11 =	vimm.f32 $0.0e+00;
	v7 =	vadd.f32 v7, v10  }
.LBB2_11:
0x134: {  	p0 =	sne.s32 s8, $0x3200;
	v29 =	vld [tilespmem:s25+$0x3470];
	v10 =	vadd.f32 v28, v10;
	v21 =	vadd.f32 v22, v21;
	v22 =	vmul.f32 v22, v22  }
0x135: {  	v28 =	vld [tilespmem:s25+$0x3400];
	v19 =	vadd.f32 v27, v19;
	v20 =	vadd.f32 v23, v20;
	v23 =	vmul.f32 v23, v23  }
0x136: {  	v27 =	vld [tilespmem:s25+$0x3410];
	v16 =	vadd.f32 v22, v16;
	v17 =	vadd.f32 v24, v17;
	v24 =	vmul.f32 v24, v24  }
.Ltmp4:
0x137: {  	v22 =	vld [tilespmem:s25+$0x3420];
	v13 =	vadd.f32 v23, v13;
	v14 =	vadd.f32 v25, v14;
	v25 =	vmul.f32 v25, v25;
	(pc) =	sbr.rel @p0 .LBB2_11-.Ltmp4, $4  }
0x138: {  	v23 =	vld [tilespmem:s25+$0x3430];
	v12 =	vadd.f32 v24, v12;
	v18 =	vadd.f32 v26, v18;
	v26 =	vmul.f32 v26, v26  }
0x139: {  	v24 =	vld [tilespmem:s25+$0x3440];
	v6 =	vadd.f32 v29, v6;
	v29 =	vmul.f32 v29, v29;
	v15 =	vadd.f32 v25, v15  }
0x13a: {  	v9 =	vadd.f32 v28, v9;
	v28 =	vmul.f32 v28, v28;
	v25 =	vld [tilespmem:s25+$0x3450];
	v11 =	vadd.f32 v26, v11  }
0x13b: {  	v8 =	vadd.f32 v27, v8;
	v27 =	vmul.f32 v27, v27;
	v26 =	vld [tilespmem:s25+$0x3460];
	s25 =	sshra.s32 s8, $0x2;
	s8 =	sadd.s32 $0x200, s8;
	v7 =	vadd.f32 v29, v7  }
0x13c: {  	v10 =	vadd.f32 v28, v10;
	v21 =	vadd.f32 v22, v21;
	v22 =	vmul.f32 v22, v22;
	v28 =	vld [tilespmem:s25+$0x3400]  }
0x13d: {  	v19 =	vadd.f32 v27, v19;
	v20 =	vadd.f32 v23, v20;
	v23 =	vmul.f32 v23, v23;
	v27 =	vld [tilespmem:s25+$0x3410]  }
0x13e: {  	v16 =	vadd.f32 v22, v16;
	v17 =	vadd.f32 v24, v17;
	v22 =	vmul.f32 v24, v24;
	v24 =	vld [tilespmem:s25+$0x3420]  }
0x13f: {  	v13 =	vadd.f32 v23, v13;
	v14 =	vadd.f32 v25, v14;
	v23 =	vmul.f32 v25, v25  }
0x140: {  	v25 =	vld [tilespmem:s25+$0x3430];
	v12 =	vadd.f32 v22, v12;
	v18 =	vadd.f32 v26, v18;
	v22 =	vmul.f32 v26, v26  }
0x141: {  	v15 =	vadd.f32 v23, v15;
	v9 =	vadd.f32 v28, v9;
	v23 =	vmul.f32 v28, v28  }
0x142: {  	v26 =	vld [tilespmem:s25+$0x3440];
	v11 =	vadd.f32 v22, v11;
	v8 =	vadd.f32 v27, v8;
	v22 =	vmul.f32 v27, v27  }
0x143: {  	v10 =	vadd.f32 v23, v10;
	v21 =	vadd.f32 v24, v21;
	v23 =	vmul.f32 v24, v24  }
0x144: {  	v24 =	vld [tilespmem:s25+$0x3450];
	v9 =	vmul.f32 v9, v9;
	v19 =	vadd.f32 v22, v19;
	v8 =	vmul.f32 v8, v8  }
0x145: {  	v20 =	vadd.f32 v25, v20;
	v22 =	vmul.f32 v25, v25;
	v16 =	vadd.f32 v23, v16  }
0x146: {  	v23 =	vld [tilespmem:s25+$0x3460];
	v9 =	vsub.f32 v9, v10;
	v10 =	vmul.f32 v21, v21;
	v8 =	vsub.f32 v8, v19  }
0x147: {  	v17 =	vadd.f32 v26, v17;
	v19 =	vmul.f32 v26, v26;
	v13 =	vadd.f32 v22, v13  }
0x148: {  	v21 =	vld [tilespmem:s25+$0x3470];
	v8 =	vadd.f32 v8, v9;
	v9 =	vsub.f32 v10, v16;
	v10 =	vmul.f32 v20, v20  }
0x149: {  	v14 =	vadd.f32 v24, v14;
	v16 =	vmul.f32 v24, v24;
	v12 =	vadd.f32 v19, v12  }
0x14a: {  	v8 =	vadd.f32 v9, v8;
	v9 =	vsub.f32 v10, v13;
	v10 =	vmul.f32 v17, v17  }
0x14b: {  	v13 =	vadd.f32 v23, v18;
	v17 =	vmul.f32 v23, v23;
	v15 =	vadd.f32 v16, v15  }
0x14c: {  	v8 =	vadd.f32 v9, v8;
	v9 =	vsub.f32 v10, v12;
	v10 =	vmul.f32 v14, v14  }
0x14d: {  	v6 =	vadd.f32 v21, v6;
	v12 =	vmul.f32 v21, v21;
	v11 =	vadd.f32 v17, v11  }
0x14e: {  	v8 =	vadd.f32 v9, v8;
	v9 =	vsub.f32 v10, v15;
	v10 =	vmul.f32 v13, v13  }
0x14f: {  	v7 =	vadd.f32 v12, v7  }
0x150: {  	v6 =	vmul.f32 v6, v6;
	v8 =	vadd.f32 v9, v8;
	v9 =	vsub.f32 v10, v11;
	_ =	sdelay $0x1  }
0x151: {  	v6 =	vsub.f32 v6, v7;
	v8 =	vadd.f32 v9, v8  }
0x152: {  	v7 =	vld [tilespmem:$0x6880]  }
0x153: {  	v6 =	vadd.f32 v6, v8;
	v8 =	vld [tilespmem:$0x6890];
	_ =	sdelay $0x1  }
0x154: {  	v6 =	vmul.f32 $5.000000000e-01, v6;
	_ =	sdelay $0x1  }
0x155: {  	v6 =	vadd.f32 v7, v6  }
0x156: {  	v7 =	vnsel vm0, $0x0, v8  }
0x157: {  	v6 =	vadd.f32 v7, v6;
	_ =	sdelay $0x1  }
0x158: {  	v7 =	vperm.xlane v6, v0;
	_ =	sdelay $0x1  }
0x159: {  	v6 =	vadd.f32 v6, v7  }
0x15a: {  	s12 =	simm.s32 $0x0  }
0x15b: {  	v13 =	vld [tilespmem:s12+$0x4110];
	v7 =	vperm.xlane v6, v1  }
0x15c: {  	v22 =	vimm.f32 $0.0e+00;
	v19 =	vimm.f32 $0.0e+00;
	v9 =	vld [tilespmem:s12+$0x4170]  }
0x15d: {  	v20 =	vimm.f32 $0.0e+00;
	v23 =	vimm.f32 $0.0e+00;
	v10 =	vld [tilespmem:s12+$0x4100];
	v6 =	vadd.f32 v6, v7  }
0x15e: {  	v18 =	vimm.f32 $0.0e+00;
	v16 =	vimm.f32 $0.0e+00;
	v21 =	vimm.f32 $0.0e+00  }
0x15f: {  	v24 =	vld [tilespmem:s12+$0x4120];
	v14 =	vimm.f32 $0.0e+00;
	v17 =	vimm.f32 $0.0e+00;
	v7 =	vperm.xlane v6, v2  }
0x160: {  	v25 =	vld [tilespmem:s12+$0x4130];
	v12 =	vimm.f32 $0.0e+00;
	v15 =	vimm.f32 $0.0e+00;
	v29 =	vmul.f32 v13, v13  }
0x161: {  	v26 =	vld [tilespmem:s12+$0x4140];
	v8 =	vadd.f32 v9, v12;
	v9 =	vmul.f32 v9, v9;
	v6 =	vadd.f32 v6, v7  }
0x162: {  	v27 =	vld [tilespmem:s12+$0x4150];
	v11 =	vadd.f32 v10, v12;
	v30 =	vmul.f32 v10, v10;
	v10 =	vadd.f32 v13, v12  }
0x163: {  	s8 =	simm.s32 $0x400;
	v28 =	vld [tilespmem:s12+$0x4160];
	s25 =	simm.s32 $0x80;
	v13 =	vimm.f32 $0.0e+00;
	v9 =	vadd.f32 v9, v12;
	v7 =	vperm.xlane v6, v4  }
.LBB2_13:
0x164: {  	p0 =	sne.s32 s8, $0x3200;
	v31 =	vld [tilespmem:s25+$0x4170];
	v12 =	vadd.f32 v30, v12;
	v23 =	vadd.f32 v24, v23;
	v24 =	vmul.f32 v24, v24  }
0x165: {  	v30 =	vld [tilespmem:s25+$0x4100];
	v21 =	vadd.f32 v29, v21;
	v22 =	vadd.f32 v25, v22;
	v25 =	vmul.f32 v25, v25  }
0x166: {  	v29 =	vld [tilespmem:s25+$0x4110];
	v18 =	vadd.f32 v24, v18;
	v19 =	vadd.f32 v26, v19;
	v26 =	vmul.f32 v26, v26  }
.Ltmp5:
0x167: {  	v24 =	vld [tilespmem:s25+$0x4120];
	v15 =	vadd.f32 v25, v15;
	v16 =	vadd.f32 v27, v16;
	v27 =	vmul.f32 v27, v27;
	(pc) =	sbr.rel @p0 .LBB2_13-.Ltmp5, $4  }
0x168: {  	v25 =	vld [tilespmem:s25+$0x4130];
	v14 =	vadd.f32 v26, v14;
	v20 =	vadd.f32 v28, v20;
	v28 =	vmul.f32 v28, v28  }
0x169: {  	v26 =	vld [tilespmem:s25+$0x4140];
	v8 =	vadd.f32 v31, v8;
	v31 =	vmul.f32 v31, v31;
	v17 =	vadd.f32 v27, v17  }
0x16a: {  	v11 =	vadd.f32 v30, v11;
	v30 =	vmul.f32 v30, v30;
	v27 =	vld [tilespmem:s25+$0x4150];
	v13 =	vadd.f32 v28, v13  }
0x16b: {  	v10 =	vadd.f32 v29, v10;
	v29 =	vmul.f32 v29, v29;
	v28 =	vld [tilespmem:s25+$0x4160];
	s25 =	sshra.s32 s8, $0x2;
	s8 =	sadd.s32 $0x200, s8;
	v9 =	vadd.f32 v31, v9  }
0x16c: {  	v12 =	vadd.f32 v30, v12;
	v23 =	vadd.f32 v24, v23;
	v24 =	vmul.f32 v24, v24;
	v30 =	vld [tilespmem:s25+$0x4100]  }
0x16d: {  	v21 =	vadd.f32 v29, v21;
	v22 =	vadd.f32 v25, v22;
	v25 =	vmul.f32 v25, v25;
	v29 =	vld [tilespmem:s25+$0x4110]  }
0x16e: {  	v18 =	vadd.f32 v24, v18;
	v19 =	vadd.f32 v26, v19;
	v24 =	vmul.f32 v26, v26;
	v26 =	vld [tilespmem:s25+$0x4120]  }
0x16f: {  	v15 =	vadd.f32 v25, v15;
	v16 =	vadd.f32 v27, v16;
	v25 =	vmul.f32 v27, v27  }
0x170: {  	v27 =	vld [tilespmem:s25+$0x4130];
	v14 =	vadd.f32 v24, v14;
	v20 =	vadd.f32 v28, v20;
	v24 =	vmul.f32 v28, v28  }
0x171: {  	v17 =	vadd.f32 v25, v17;
	v11 =	vadd.f32 v30, v11;
	v25 =	vmul.f32 v30, v30  }
0x172: {  	v28 =	vld [tilespmem:s25+$0x4140];
	v13 =	vadd.f32 v24, v13;
	v10 =	vadd.f32 v29, v10;
	v24 =	vmul.f32 v29, v29  }
0x173: {  	v12 =	vadd.f32 v25, v12;
	v23 =	vadd.f32 v26, v23;
	v25 =	vmul.f32 v26, v26  }
0x174: {  	v26 =	vld [tilespmem:s25+$0x4150];
	v11 =	vmul.f32 v11, v11;
	v21 =	vadd.f32 v24, v21;
	v10 =	vmul.f32 v10, v10  }
0x175: {  	v22 =	vadd.f32 v27, v22;
	v24 =	vmul.f32 v27, v27;
	v18 =	vadd.f32 v25, v18  }
0x176: {  	v25 =	vld [tilespmem:s25+$0x4160];
	v11 =	vsub.f32 v11, v12;
	v12 =	vmul.f32 v23, v23;
	v10 =	vsub.f32 v10, v21  }
0x177: {  	v19 =	vadd.f32 v28, v19;
	v21 =	vmul.f32 v28, v28;
	v15 =	vadd.f32 v24, v15  }
0x178: {  	v23 =	vld [tilespmem:s25+$0x4170];
	v10 =	vadd.f32 v10, v11;
	v11 =	vsub.f32 v12, v18;
	v12 =	vmul.f32 v22, v22  }
0x179: {  	v16 =	vadd.f32 v26, v16;
	v18 =	vmul.f32 v26, v26;
	v14 =	vadd.f32 v21, v14  }
0x17a: {  	v10 =	vadd.f32 v11, v10;
	v11 =	vsub.f32 v12, v15;
	v12 =	vmul.f32 v19, v19  }
0x17b: {  	v15 =	vadd.f32 v25, v20;
	v19 =	vmul.f32 v25, v25;
	v17 =	vadd.f32 v18, v17  }
0x17c: {  	v10 =	vadd.f32 v11, v10;
	v11 =	vsub.f32 v12, v14;
	v12 =	vmul.f32 v16, v16  }
0x17d: {  	v8 =	vadd.f32 v23, v8;
	v14 =	vmul.f32 v23, v23;
	v13 =	vadd.f32 v19, v13  }
0x17e: {  	v10 =	vadd.f32 v11, v10;
	v11 =	vsub.f32 v12, v17;
	v12 =	vmul.f32 v15, v15  }
0x17f: {  	v9 =	vadd.f32 v14, v9  }
0x180: {  	v8 =	vmul.f32 v8, v8;
	v10 =	vadd.f32 v11, v10;
	v11 =	vsub.f32 v12, v13;
	_ =	sdelay $0x1  }
0x181: {  	v8 =	vsub.f32 v8, v9;
	v10 =	vadd.f32 v11, v10  }
0x182: {  	v9 =	vld [tilespmem:$0x68A0]  }
0x183: {  	v8 =	vadd.f32 v8, v10;
	v10 =	vld [tilespmem:$0x68B0];
	_ =	sdelay $0x1  }
0x184: {  	v8 =	vmul.f32 $5.000000000e-01, v8;
	_ =	sdelay $0x1  }
0x185: {  	v8 =	vadd.f32 v9, v8  }
0x186: {  	v9 =	vnsel vm0, $0x0, v10  }
0x187: {  	v8 =	vadd.f32 v9, v8;
	_ =	sdelay $0x1  }
0x188: {  	v9 =	vperm.xlane v8, v0;
	_ =	sdelay $0x1  }
0x189: {  	v8 =	vadd.f32 v8, v9  }
0x18a: {  	s12 =	simm.s32 $0x0  }
0x18b: {  	v15 =	vld [tilespmem:s12+$0x4E10];
	v9 =	vperm.xlane v8, v1  }
0x18c: {  	v24 =	vimm.f32 $0.0e+00;
	v21 =	vimm.f32 $0.0e+00;
	v11 =	vld [tilespmem:s12+$0x4E70]  }
0x18d: {  	v22 =	vimm.f32 $0.0e+00;
	v25 =	vimm.f32 $0.0e+00;
	v12 =	vld [tilespmem:s12+$0x4E00];
	v8 =	vadd.f32 v8, v9  }
0x18e: {  	v20 =	vimm.f32 $0.0e+00;
	v18 =	vimm.f32 $0.0e+00;
	v23 =	vimm.f32 $0.0e+00  }
0x18f: {  	v26 =	vld [tilespmem:s12+$0x4E20];
	v16 =	vimm.f32 $0.0e+00;
	v19 =	vimm.f32 $0.0e+00;
	v9 =	vperm.xlane v8, v2  }
0x190: {  	v27 =	vld [tilespmem:s12+$0x4E30];
	v14 =	vimm.f32 $0.0e+00;
	v17 =	vimm.f32 $0.0e+00;
	v31 =	vmul.f32 v15, v15  }
0x191: {  	v28 =	vld [tilespmem:s12+$0x4E40];
	v10 =	vadd.f32 v11, v14;
	v11 =	vmul.f32 v11, v11;
	v8 =	vadd.f32 v8, v9  }
0x192: {  	v29 =	vld [tilespmem:s12+$0x4E50];
	v13 =	vadd.f32 v12, v14;
	v32 =	vmul.f32 v12, v12;
	v12 =	vadd.f32 v15, v14  }
0x193: {  	s8 =	simm.s32 $0x400;
	v30 =	vld [tilespmem:s12+$0x4E60];
	s25 =	simm.s32 $0x80;
	v15 =	vimm.f32 $0.0e+00;
	v11 =	vadd.f32 v11, v14;
	v9 =	vperm.xlane v8, v4  }
.LBB2_15:
0x194: {  	p0 =	sne.s32 s8, $0x3200;
	v33 =	vld [tilespmem:s25+$0x4E70];
	v14 =	vadd.f32 v32, v14;
	v25 =	vadd.f32 v26, v25;
	v26 =	vmul.f32 v26, v26  }
0x195: {  	v32 =	vld [tilespmem:s25+$0x4E00];
	v23 =	vadd.f32 v31, v23;
	v24 =	vadd.f32 v27, v24;
	v27 =	vmul.f32 v27, v27  }
0x196: {  	v31 =	vld [tilespmem:s25+$0x4E10];
	v20 =	vadd.f32 v26, v20;
	v21 =	vadd.f32 v28, v21;
	v28 =	vmul.f32 v28, v28  }
.Ltmp6:
0x197: {  	v26 =	vld [tilespmem:s25+$0x4E20];
	v17 =	vadd.f32 v27, v17;
	v18 =	vadd.f32 v29, v18;
	v29 =	vmul.f32 v29, v29;
	(pc) =	sbr.rel @p0 .LBB2_15-.Ltmp6, $4  }
0x198: {  	v27 =	vld [tilespmem:s25+$0x4E30];
	v16 =	vadd.f32 v28, v16;
	v22 =	vadd.f32 v30, v22;
	v30 =	vmul.f32 v30, v30  }
0x199: {  	v28 =	vld [tilespmem:s25+$0x4E40];
	v10 =	vadd.f32 v33, v10;
	v33 =	vmul.f32 v33, v33;
	v19 =	vadd.f32 v29, v19  }
0x19a: {  	v13 =	vadd.f32 v32, v13;
	v32 =	vmul.f32 v32, v32;
	v29 =	vld [tilespmem:s25+$0x4E50];
	v15 =	vadd.f32 v30, v15  }
0x19b: {  	v12 =	vadd.f32 v31, v12;
	v31 =	vmul.f32 v31, v31;
	v30 =	vld [tilespmem:s25+$0x4E60];
	s25 =	sshra.s32 s8, $0x2;
	s8 =	sadd.s32 $0x200, s8;
	v11 =	vadd.f32 v33, v11  }
0x19c: {  	v14 =	vadd.f32 v32, v14;
	v25 =	vadd.f32 v26, v25;
	v26 =	vmul.f32 v26, v26;
	v63 =	vld [tilespmem:s25+$0x4E00]  }
0x19d: {  	v23 =	vadd.f32 v31, v23;
	v24 =	vadd.f32 v27, v24;
	v27 =	vmul.f32 v27, v27;
	v31 =	vld [tilespmem:s25+$0x4E10]  }
0x19e: {  	v20 =	vadd.f32 v26, v20;
	v21 =	vadd.f32 v28, v21;
	v26 =	vmul.f32 v28, v28;
	v28 =	vld [tilespmem:s25+$0x4E20]  }
0x19f: {  	v17 =	vadd.f32 v27, v17;
	v18 =	vadd.f32 v29, v18;
	v27 =	vmul.f32 v29, v29  }
0x1a0: {  	v29 =	vld [tilespmem:s25+$0x4E30];
	v16 =	vadd.f32 v26, v16;
	v22 =	vadd.f32 v30, v22;
	v26 =	vmul.f32 v30, v30  }
0x1a1: {  	v19 =	vadd.f32 v27, v19;
	v13 =	vadd.f32 v63, v13;
	v27 =	vmul.f32 v63, v63  }
0x1a2: {  	v30 =	vld [tilespmem:s25+$0x4E40];
	v15 =	vadd.f32 v26, v15;
	v12 =	vadd.f32 v31, v12;
	v26 =	vmul.f32 v31, v31  }
0x1a3: {  	v14 =	vadd.f32 v27, v14;
	v25 =	vadd.f32 v28, v25;
	v27 =	vmul.f32 v28, v28  }
0x1a4: {  	v28 =	vld [tilespmem:s25+$0x4E50];
	v13 =	vmul.f32 v13, v13;
	v23 =	vadd.f32 v26, v23;
	v12 =	vmul.f32 v12, v12  }
0x1a5: {  	v24 =	vadd.f32 v29, v24;
	v26 =	vmul.f32 v29, v29;
	v20 =	vadd.f32 v27, v20  }
0x1a6: {  	v27 =	vld [tilespmem:s25+$0x4E60];
	v13 =	vsub.f32 v13, v14;
	v14 =	vmul.f32 v25, v25;
	v12 =	vsub.f32 v12, v23  }
0x1a7: {  	v21 =	vadd.f32 v30, v21;
	v23 =	vmul.f32 v30, v30;
	v17 =	vadd.f32 v26, v17  }
0x1a8: {  	v25 =	vld [tilespmem:s25+$0x4E70];
	v12 =	vadd.f32 v12, v13;
	v13 =	vsub.f32 v14, v20;
	v14 =	vmul.f32 v24, v24  }
0x1a9: {  	v18 =	vadd.f32 v28, v18;
	v20 =	vmul.f32 v28, v28;
	v16 =	vadd.f32 v23, v16  }
0x1aa: {  	v12 =	vadd.f32 v13, v12;
	v13 =	vsub.f32 v14, v17;
	v14 =	vmul.f32 v21, v21  }
0x1ab: {  	v17 =	vadd.f32 v27, v22;
	v21 =	vmul.f32 v27, v27;
	v19 =	vadd.f32 v20, v19  }
0x1ac: {  	v12 =	vadd.f32 v13, v12;
	v13 =	vsub.f32 v14, v16;
	v14 =	vmul.f32 v18, v18  }
0x1ad: {  	v10 =	vadd.f32 v25, v10;
	v16 =	vmul.f32 v25, v25;
	v15 =	vadd.f32 v21, v15  }
0x1ae: {  	v12 =	vadd.f32 v13, v12;
	v13 =	vsub.f32 v14, v19;
	v14 =	vmul.f32 v17, v17  }
0x1af: {  	v11 =	vadd.f32 v16, v11  }
0x1b0: {  	v10 =	vmul.f32 v10, v10;
	v12 =	vadd.f32 v13, v12;
	v13 =	vsub.f32 v14, v15;
	_ =	sdelay $0x1  }
0x1b1: {  	v10 =	vsub.f32 v10, v11;
	v12 =	vadd.f32 v13, v12  }
0x1b2: {  	v11 =	vld [tilespmem:$0x68C0]  }
0x1b3: {  	v10 =	vadd.f32 v10, v12;
	v12 =	vld [tilespmem:$0x68D0];
	_ =	sdelay $0x1  }
0x1b4: {  	v10 =	vmul.f32 $5.000000000e-01, v10;
	_ =	sdelay $0x1  }
0x1b5: {  	v10 =	vadd.f32 v11, v10  }
0x1b6: {  	v11 =	vnsel vm0, $0x0, v12  }
0x1b7: {  	v10 =	vadd.f32 v11, v10;
	_ =	sdelay $0x1  }
0x1b8: {  	v11 =	vperm.xlane v10, v0;
	_ =	sdelay $0x1  }
0x1b9: {  	v10 =	vadd.f32 v10, v11  }
0x1ba: {  	s12 =	simm.s32 $0x0  }
0x1bb: {  	v17 =	vld [tilespmem:s12+$0x5B10];
	v11 =	vperm.xlane v10, v1  }
0x1bc: {  	v26 =	vimm.f32 $0.0e+00;
	v23 =	vimm.f32 $0.0e+00;
	v13 =	vld [tilespmem:s12+$0x5B70]  }
0x1bd: {  	v24 =	vimm.f32 $0.0e+00;
	v27 =	vimm.f32 $0.0e+00;
	v14 =	vld [tilespmem:s12+$0x5B00];
	v10 =	vadd.f32 v10, v11  }
0x1be: {  	v22 =	vimm.f32 $0.0e+00;
	v20 =	vimm.f32 $0.0e+00;
	v25 =	vimm.f32 $0.0e+00  }
0x1bf: {  	v28 =	vld [tilespmem:s12+$0x5B20];
	v18 =	vimm.f32 $0.0e+00;
	v21 =	vimm.f32 $0.0e+00;
	v11 =	vperm.xlane v10, v2  }
0x1c0: {  	v29 =	vld [tilespmem:s12+$0x5B30];
	v16 =	vimm.f32 $0.0e+00;
	v19 =	vimm.f32 $0.0e+00;
	v33 =	vmul.f32 v17, v17  }
0x1c1: {  	v30 =	vld [tilespmem:s12+$0x5B40];
	v12 =	vadd.f32 v13, v16;
	v13 =	vmul.f32 v13, v13;
	v10 =	vadd.f32 v10, v11  }
0x1c2: {  	v31 =	vld [tilespmem:s12+$0x5B50];
	v15 =	vadd.f32 v14, v16;
	v34 =	vmul.f32 v14, v14;
	v14 =	vadd.f32 v17, v16  }
0x1c3: {  	s8 =	simm.s32 $0x400;
	v32 =	vld [tilespmem:s12+$0x5B60];
	s25 =	simm.s32 $0x80;
	v17 =	vimm.f32 $0.0e+00;
	v13 =	vadd.f32 v13, v16;
	v11 =	vperm.xlane v10, v4  }
.LBB2_17:
0x1c4: {  	p0 =	sne.s32 s8, $0x3200;
	v35 =	vld [tilespmem:s25+$0x5B70];
	v16 =	vadd.f32 v34, v16;
	v27 =	vadd.f32 v28, v27;
	v28 =	vmul.f32 v28, v28  }
0x1c5: {  	v34 =	vld [tilespmem:s25+$0x5B00];
	v25 =	vadd.f32 v33, v25;
	v26 =	vadd.f32 v29, v26;
	v29 =	vmul.f32 v29, v29  }
0x1c6: {  	v33 =	vld [tilespmem:s25+$0x5B10];
	v22 =	vadd.f32 v28, v22;
	v23 =	vadd.f32 v30, v23;
	v30 =	vmul.f32 v30, v30  }
.Ltmp7:
0x1c7: {  	v28 =	vld [tilespmem:s25+$0x5B20];
	v19 =	vadd.f32 v29, v19;
	v20 =	vadd.f32 v31, v20;
	v31 =	vmul.f32 v31, v31;
	(pc) =	sbr.rel @p0 .LBB2_17-.Ltmp7, $4  }
0x1c8: {  	v29 =	vld [tilespmem:s25+$0x5B30];
	v18 =	vadd.f32 v30, v18;
	v24 =	vadd.f32 v32, v24;
	v32 =	vmul.f32 v32, v32  }
0x1c9: {  	v30 =	vld [tilespmem:s25+$0x5B40];
	v12 =	vadd.f32 v35, v12;
	v35 =	vmul.f32 v35, v35;
	v21 =	vadd.f32 v31, v21  }
0x1ca: {  	v15 =	vadd.f32 v34, v15;
	v34 =	vmul.f32 v34, v34;
	v31 =	vld [tilespmem:s25+$0x5B50];
	v17 =	vadd.f32 v32, v17  }
0x1cb: {  	v14 =	vadd.f32 v33, v14;
	v33 =	vmul.f32 v33, v33;
	v32 =	vld [tilespmem:s25+$0x5B60];
	s25 =	sshra.s32 s8, $0x2;
	s8 =	sadd.s32 $0x200, s8;
	v13 =	vadd.f32 v35, v13  }
0x1cc: {  	v54 =	vld [tilespmem:s25+$0x5B00]  }
0x1cd: {  	v16 =	vadd.f32 v34, v16;
	v27 =	vadd.f32 v28, v27;
	v53 =	vmul.f32 v28, v28;
	v56 =	vld [tilespmem:s25+$0x5B10]  }
0x1ce: {  	v58 =	vld [tilespmem:s25+$0x5B20];
	v25 =	vadd.f32 v33, v25;
	v26 =	vadd.f32 v29, v26;
	v55 =	vmul.f32 v29, v29  }
0x1cf: {  	v60 =	vld [tilespmem:s25+$0x5B30];
	v22 =	vadd.f32 v53, v22;
	v23 =	vadd.f32 v30, v23;
	v57 =	vmul.f32 v30, v30  }
0x1d0: {  	v19 =	vadd.f32 v55, v19;
	v20 =	vadd.f32 v31, v20;
	v59 =	vmul.f32 v31, v31  }
0x1d1: {  	v63 =	vld [tilespmem:s25+$0x5B40];
	v18 =	vadd.f32 v57, v18;
	v24 =	vadd.f32 v32, v24;
	v61 =	vmul.f32 v32, v32  }
0x1d2: {  	v21 =	vadd.f32 v59, v21;
	v15 =	vadd.f32 v54, v15;
	v62 =	vmul.f32 v54, v54  }
0x1d3: {  	v36 =	vld [tilespmem:s25+$0x5B50];
	v14 =	vadd.f32 v56, v14;
	v34 =	vmul.f32 v56, v56;
	v27 =	vadd.f32 v58, v27  }
0x1d4: {  	v35 =	vmul.f32 v58, v58;
	v26 =	vadd.f32 v60, v26;
	v16 =	vadd.f32 v62, v16  }
0x1d5: {  	v25 =	vadd.f32 v34, v25;
	v15 =	vmul.f32 v15, v15;
	v14 =	vmul.f32 v14, v14  }
0x1d6: {  	v37 =	vmul.f32 v60, v60;
	v23 =	vadd.f32 v63, v23;
	v22 =	vadd.f32 v35, v22  }
0x1d7: {  	v38 =	vld [tilespmem:s25+$0x5B60];
	v39 =	vmul.f32 v27, v27;
	v15 =	vsub.f32 v15, v16;
	v14 =	vsub.f32 v14, v25  }
0x1d8: {  	v40 =	vmul.f32 v63, v63;
	v20 =	vadd.f32 v36, v20;
	v19 =	vadd.f32 v37, v19  }
0x1d9: {  	v41 =	vld [tilespmem:s25+$0x5B70];
	v43 =	vmul.f32 v26, v26;
	v42 =	vsub.f32 v39, v22;
	v14 =	vadd.f32 v14, v15  }
0x1da: {  	v44 =	vmul.f32 v36, v36;
	v17 =	vadd.f32 v61, v17;
	v18 =	vadd.f32 v40, v18  }
0x1db: {  	v46 =	vmul.f32 v23, v23;
	v45 =	vsub.f32 v43, v19;
	v14 =	vadd.f32 v42, v14  }
0x1dc: {  	v48 =	vmul.f32 v38, v38;
	v47 =	vadd.f32 v38, v24;
	v21 =	vadd.f32 v44, v21  }
0x1dd: {  	v50 =	vmul.f32 v20, v20;
	v49 =	vsub.f32 v46, v18;
	v14 =	vadd.f32 v45, v14  }
0x1de: {  	v12 =	vadd.f32 v41, v12;
	v51 =	vmul.f32 v41, v41;
	v17 =	vadd.f32 v48, v17  }
0x1df: {  	v53 =	vmul.f32 v47, v47;
	v52 =	vsub.f32 v50, v21;
	v14 =	vadd.f32 v49, v14  }
0x1e0: {  	v13 =	vadd.f32 v51, v13  }
0x1e1: {  	v12 =	vmul.f32 v12, v12;
	v54 =	vsub.f32 v53, v17;
	v14 =	vadd.f32 v52, v14;
	_ =	sdelay $0x1  }
0x1e2: {  	v12 =	vsub.f32 v12, v13;
	v14 =	vadd.f32 v54, v14  }
0x1e3: {  	v55 =	vld [tilespmem:$0x68E0]  }
0x1e4: {  	v56 =	vld [tilespmem:$0x68F0];
	v12 =	vadd.f32 v12, v14;
	_ =	sdelay $0x1  }
0x1e5: {  	v12 =	vmul.f32 $5.000000000e-01, v12;
	_ =	sdelay $0x1  }
0x1e6: {  	v12 =	vadd.f32 v55, v12  }
0x1e7: {  	v57 =	vnsel vm0, $0x0, v56  }
0x1e8: {  	v12 =	vadd.f32 v57, v12;
	_ =	sdelay $0x1  }
0x1e9: {  	v13 =	vperm.xlane v12, v0;
	_ =	sdelay $0x1  }
0x1ea: {  	v12 =	vadd.f32 v12, v13;
	_ =	sdelay $0x1  }
0x1eb: {  	v13 =	vperm.xlane v12, v1;
	_ =	sdelay $0x1  }
0x1ec: {  	v12 =	vadd.f32 v12, v13  }
0x1ed: {  	v6 =	vadd.f32 v6, v7  }
0x1ee: {  	s8 =	sor.u32 $0x4, s16;
	v13 =	vperm.xlane v12, v2  }
0x1ef: {  	s18 =	sor.u32 $0x5, s16;
	v8 =	vadd.f32 v8, v9;
	v7 =	vmov s8;
	v6 =	vadd.f32 $0.0e+00, v6  }
0x1f0: {  	vm1 =	veq.s32 v7, v5;
	v58 =	vmov s18;
	v7 =	vadd.f32 v12, v13  }
0x1f1: {  	s19 =	sor.u32 $0x6, s16;
	v6 =	vnsel vm1, $0x0, v6;
	v59 =	vadd.f32 v10, v11;
	vm2 =	veq.s32 v58, v5  }
0x1f2: {  	v60 =	vmov s19;
	v8 =	vnsel vm2, $0x0, v8;
	v61 =	vperm.xlane v7, v4  }
0x1f3: {  	s25 =	sor.u32 $0x7, s16;
	s2 =	sadd.s32 $0x1, s2;
	vm1 =	veq.s32 v60, v5;
	v6 =	vadd.f32 v8, v6  }
0x1f4: {  	p0 =	sne.s32 s2, $0x10;
	v63 =	vmov s25;
	v62 =	vnsel vm1, $0x0, v59;
	v7 =	vadd.f32 v7, v61  }
.Ltmp8:
0x1f5: {  	vm1 =	veq.s32 v63, v5;
	v6 =	vadd.f32 v62, v6;
	(pc) =	sbr.rel @p0 .LBB2_2-.Ltmp8, $3  }
0x1f6: {  	v7 =	vnsel vm1, $0x0, v7  }
0x1f7: {  	v6 =	vadd.f32 v7, v6;
	_ =	sdelay $0x1  }
0x1f8: {  	[tilespmem:s31+$0x0] =	vst.add.f32.msk $0xffff, v6  }
0x1f9: {  	v6 =	vld [tilespmem:$0x6B00]  }
0x1fa: {  	v7 =	vld [tilespmem:$0x6B80];
	_ =	sdelay $0x4  }
0x1fb: {  	v7 =	vadd.f32 v7, v6;
	_ =	sdelay $0x1  }
0x1fc: {  	v7 =	vsub.f32 $0.0e+00, v7;
	_ =	sdelay $0x1  }
0x1fd: {  	v7 =	vmul.f32 $1.442695020e+00, v7;
	_ =	sdelay $0x1  }
0x1fe: {  	(erf) = vpow2.f32 v7;
	_ =	sdelay $0x1  }
0x1ff: {  	v7 =	vld [tilespmem:$0x6B90];
	_ =	sdelay $0x4  }
0x200: {  	v7 =	vadd.f32 v7, v6;
	_ =	sdelay $0x1  }
0x201: {  	v7 =	vsub.f32 $0.0e+00, v7;
	v8 =	vpop (erf)  }
0x202: {  	v8 =	vadd.f32 $1.000000000e+00, v8  }
0x203: {  	v7 =	vmul.f32 $1.442695020e+00, v7  }
0x204: {  	(erf) = vrcp.f32 v8  }
0x205: {  	(erf) = vpow2.f32 v7;
	_ =	sdelay $0x1  }
0x206: {  	v7 =	vld [tilespmem:$0x6BA0];
	_ =	sdelay $0x4  }
0x207: {  	v7 =	vadd.f32 v7, v6  }
0x208: {  	v8 =	vpop (erf)  }
0x209: {  	v7 =	vsub.f32 $0.0e+00, v7;
	v9 =	vpop (erf)  }
0x20a: {  	v9 =	vadd.f32 $1.000000000e+00, v9  }
0x20b: {  	v7 =	vmul.f32 $1.442695020e+00, v7  }
0x20c: {  	(erf) = vrcp.f32 v9  }
0x20d: {  	(erf) = vpow2.f32 v7;
	_ =	sdelay $0x1  }
0x20e: {  	v7 =	vld [tilespmem:$0x6BB0];
	_ =	sdelay $0x4  }
0x20f: {  	v7 =	vadd.f32 v7, v6  }
0x210: {  	v9 =	vpop (erf)  }
0x211: {  	v7 =	vsub.f32 $0.0e+00, v7;
	v10 =	vpop (erf)  }
0x212: {  	v10 =	vadd.f32 $1.000000000e+00, v10  }
0x213: {  	v7 =	vmul.f32 $1.442695020e+00, v7  }
0x214: {  	(erf) = vrcp.f32 v10  }
0x215: {  	(erf) = vpow2.f32 v7;
	_ =	sdelay $0x1  }
0x216: {  	v7 =	vld [tilespmem:$0x6BC0];
	_ =	sdelay $0x4  }
0x217: {  	v7 =	vadd.f32 v7, v6  }
0x218: {  	v10 =	vpop (erf)  }
0x219: {  	v7 =	vsub.f32 $0.0e+00, v7;
	v11 =	vpop (erf)  }
0x21a: {  	v11 =	vadd.f32 $1.000000000e+00, v11  }
0x21b: {  	v7 =	vmul.f32 $1.442695020e+00, v7  }
0x21c: {  	(erf) = vrcp.f32 v11  }
0x21d: {  	(erf) = vpow2.f32 v7;
	_ =	sdelay $0x1  }
0x21e: {  	v7 =	vld [tilespmem:$0x6BD0];
	_ =	sdelay $0x4  }
0x21f: {  	v7 =	vadd.f32 v7, v6  }
0x220: {  	v11 =	vpop (erf)  }
0x221: {  	v7 =	vsub.f32 $0.0e+00, v7;
	v12 =	vpop (erf)  }
0x222: {  	v12 =	vadd.f32 $1.000000000e+00, v12  }
0x223: {  	v7 =	vmul.f32 $1.442695020e+00, v7  }
0x224: {  	(erf) = vrcp.f32 v12  }
0x225: {  	(erf) = vpow2.f32 v7;
	_ =	sdelay $0x1  }
0x226: {  	v7 =	vld [tilespmem:$0x6BE0];
	_ =	sdelay $0x4  }
0x227: {  	v7 =	vadd.f32 v7, v6  }
0x228: {  	v12 =	vpop (erf)  }
0x229: {  	v7 =	vsub.f32 $0.0e+00, v7;
	v13 =	vpop (erf)  }
0x22a: {  	v13 =	vadd.f32 $1.000000000e+00, v13  }
0x22b: {  	v7 =	vmul.f32 $1.442695020e+00, v7  }
0x22c: {  	(erf) = vrcp.f32 v13  }
0x22d: {  	(erf) = vpow2.f32 v7;
	_ =	sdelay $0x1  }
0x22e: {  	v7 =	vld [tilespmem:$0x6BF0];
	_ =	sdelay $0x4  }
0x22f: {  	v6 =	vadd.f32 v7, v6  }
0x230: {  	v7 =	vpop (erf)  }
0x231: {  	v6 =	vsub.f32 $0.0e+00, v6;
	v62 =	vpop (erf)  }
0x232: {  	v13 =	vadd.f32 $1.000000000e+00, v62  }
0x233: {  	v6 =	vmul.f32 $1.442695020e+00, v6  }
0x234: {  	(erf) = vrcp.f32 v13  }
0x235: {  	(erf) = vpow2.f32 v6;
	_ =	sdelay $0x7  }
0x236: {  	v6 =	vpop (erf)  }
0x237: {  	v63 =	vpop (erf)  }
0x238: {  	v13 =	vadd.f32 $1.000000000e+00, v63;
	_ =	sdelay $0x1  }
0x239: {  	(erf) = vrcp.f32 v13;
	_ =	sdelay $0x2  }
0x23a: {  	[tilespmem:$0x6B80] =	vst v8  }
0x23b: {  	[tilespmem:$0x6B90] =	vst v9  }
0x23c: {  	[tilespmem:$0x6BA0] =	vst v10  }
0x23d: {  	[tilespmem:$0x6BB0] =	vst v11  }
0x23e: {  	[tilespmem:$0x6BC0] =	vst v12  }
0x23f: {  	s0 =	sadd.s32 $0x1, s0;
	[tilespmem:$0x6BD0] =	vst v7  }
0x240: {  	p0 =	sne.s32 s0, s15;
	[tilespmem:$0x6BE0] =	vst v6;
	v6 =	vpop (erf)  }
.Ltmp9:
0x241: {  	s2 =	simm.s32 $0x6B80;
	[tilespmem:$0x6BF0] =	vst v6;
	(pc) =	sbr.rel @p0 .LBB2_1-.Ltmp9, $4  }
0x242: {  	[hbm4b:s14+s3] =	stream.linear.scatter [tilespmem:s2], [sflag:$0x5], $0x80, $0x38;
	[tilespmem:$0x6C00] =	vst v63  }
0x243: {  	_ =	swait.ge [sflag:s17], $0x80  }
0x244: {  	[sflag:s17] =	ssyncset.done $0x0  }
0x245: {  	[sflag:s17] =	ssyncadd.s32 $0xFFFFFF80  }
0x246: {  	_ =	sfence.sel $0x180000  }
0x247: {  	[bflag:$0x0] =	sbarrier.arrive $0xFFFF  }
0x248: {  	_ =	strace $0x90000047  }
0x249: {  	s0 =	stileid.u32;
	[bflag:$0x2] =	sbarrier.arrive $0xFFFF  }
0x24a: {  	p0 =	sne.s32 s0, $0x0;
	s0 =	rddreg [dreg:$0x3]  }
0x24b: {  	s0 =	sadd.s32 @!p0 $0x100000, s0  }
0x24c: {  	[sflag:s0] =	ssyncadd.tile.s32 @!p0 $0x1;
	_ =	shalt  }
.Lfunc_end2:
_tile_overlayer_lowered:
.L_overlay_start_2:
0x24d: {  	(tag) =	ssettag $0x2  }
0x24e: {  	s0 =	rddreg [dreg:$0x0];
	s2 =	stileid.u32  }
0x24f: {  	s1 =	rddreg [dreg:$0x1];
	p0 =	sne.s32 s2, $0x0  }
0x250: {  	s3 =	rddreg [dreg:$0x2];
	[bflag:$0x3] =	sbarrier.arrive $0xFFFF;
	s2 =	simm.s32 @!p0 $0x1C05  }
0x251: {  	[timem:s3], [sflag:s2] =	dma.local @!p0 [hbm:s0], s1  }
0x252: {  	s0 =	simm.s32 @!p0 $0x5  }
0x253: {  	_ =	swait.ge @!p0 [sflag:s0], s1  }
0x254: {  	s1 =	ssub.s32 @!p0 $0x0, s1;
	[sflag:s0] =	ssyncset.done @!p0 $0x0  }
0x255: {  	[sflag:s0] =	ssyncadd.s32 @!p0 s1  }
0x256: {  	[bflag:$0x3] =	sbarrier.arrive $0xFFFF  }
0x257: {  	_ =	shalt  }

</sc_bundles>
